<compile_context>
chip_gen: v7x
topology: tpu7x:2x2x1
jax: 0.10.2.dev20260603
libtpu: 0.0.44.dev20260713+nightly
codegen_flags: <defaults>
</compile_context>

<pallas_src>
import functools

import jax
import jax.numpy as jnp
from jax import lax
from jax.experimental import pallas as pl
from jax.experimental.pallas import tpu as pltpu
from jax.experimental.pallas import tpu_sc as plsc

_N_NODES = 10000
_N_EDGES = 320000
_DIM = 128
_N_PAD = 10
_HEADS = 2
_N_GRAPHS = 50
_MEM_LEN = 64
_NPG = _N_NODES // _N_GRAPHS
_ORG_PG = _NPG - _N_PAD
_E_ORG = int(0.7 * _N_EDGES)
_E_SELF = int(0.8 * _N_EDGES) - _E_ORG
_E_PAD = _N_EDGES - _E_ORG - _E_SELF
_D_H = _DIM // _HEADS

_GB = 10
_N_NODE_BLK = _N_GRAPHS // _GB

_EC = 16000
_N_ORG_BLK = _E_ORG // _EC
_N_SELF_BLK = _E_SELF // _EC

_NW = 32
_ROWS_PER_W = _E_PAD // _NW
_CH = 80
_N_CHUNK = _ROWS_PER_W // _CH


def _node_body(x_ref, a_ref, mem_ref, qemb_ref, atom_ref,
               wq_ref, bq_ref, wk_ref, bk_ref, wv_ref, bv_ref,
               wo_ref, bo_ref, wi_ref, wj_ref, eb_ref,
               nf_ref, gi_ref, gj_ref):
    xg = x_ref[0]
    n_org = _GB * _ORG_PG
    onf = jnp.zeros((n_org, _DIM), jnp.float32)
    iota = lax.broadcasted_iota(jnp.int32, (n_org, 120), 1)
    for f in range(9):
        oh = (xg[:, f:f + 1] == iota).astype(jnp.bfloat16)
        onf = onf + jnp.dot(oh, atom_ref[f],
                            preferred_element_type=jnp.float32)

    memf = mem_ref[0].reshape(_GB * _MEM_LEN, _DIM)
    kp = jnp.dot(memf, wk_ref[...], preferred_element_type=jnp.float32) + bk_ref[0]
    vp = jnp.dot(memf, wv_ref[...], preferred_element_type=jnp.float32) + bv_ref[0]
    qp = jnp.dot(qemb_ref[0], wq_ref[...], preferred_element_type=jnp.float32) + bq_ref[0]
    qall = jnp.broadcast_to(qp[None], (_GB, _N_PAD, _DIM)).reshape(_GB * _N_PAD, _DIM)
    amask = a_ref[0]
    ctxs = []
    for h in range(_HEADS):
        sl = slice(h * _D_H, (h + 1) * _D_H)
        s = lax.dot_general(qall[:, sl], kp[:, sl],
                            (((1,), (1,)), ((), ())),
                            preferred_element_type=jnp.float32)
        s = s * (1.0 / (_D_H ** 0.5)) + amask
        s = s - jnp.max(s, axis=1, keepdims=True)
        p = jnp.exp(s)
        p = p / jnp.sum(p, axis=1, keepdims=True)
        ctxs.append(lax.dot_general(p, vp[:, sl], (((1,), (0,)), ((), ())),
                                    preferred_element_type=jnp.float32))
    ctx = jnp.concatenate(ctxs, axis=1)
    pad_out = jnp.dot(ctx, wo_ref[...], preferred_element_type=jnp.float32) + bo_ref[0]

    nf = jnp.concatenate([onf.reshape(_GB, _ORG_PG, _DIM),
                          pad_out.reshape(_GB, _N_PAD, _DIM)],
                         axis=1).reshape(_GB * _NPG, _DIM)
    nf_ref[0] = nf
    r = jnp.maximum(nf, 0.0)
    gi_ref[0] = jnp.dot(r, wi_ref[...], preferred_element_type=jnp.float32) + eb_ref[0]
    gj_ref[0] = jnp.dot(r, wj_ref[...], preferred_element_type=jnp.float32)


def _node_stage(x5, a5, mem5, qemb, atom_emb, wq, bq, wk, bk, wv, bv,
                wo, bo, wi, wj, eb):
    full = lambda shape: pl.BlockSpec(shape, lambda g: (0,) * len(shape))
    out_shape = jax.ShapeDtypeStruct((_N_NODE_BLK, _GB * _NPG, _DIM), jnp.float32)
    return pl.pallas_call(
        _node_body,
        grid=(_N_NODE_BLK,),
        in_specs=[
            pl.BlockSpec((1, _GB * _ORG_PG, 9), lambda g: (g, 0, 0)),
            pl.BlockSpec((1, _GB * _N_PAD, _GB * _MEM_LEN), lambda g: (g, 0, 0)),
            pl.BlockSpec((1, _GB * _MEM_LEN, _DIM), lambda g: (g, 0, 0)),
            full((1, _N_PAD, _DIM)),
            full((9, 120, _DIM)),
            full((_DIM, _DIM)), full((1, _DIM)),
            full((_DIM, _DIM)), full((1, _DIM)),
            full((_DIM, _DIM)), full((1, _DIM)),
            full((_DIM, _DIM)), full((1, _DIM)),
            full((_DIM, _DIM)), full((_DIM, _DIM)), full((1, _DIM)),
        ],
        out_specs=[
            pl.BlockSpec((1, _GB * _NPG, _DIM), lambda g: (g, 0, 0)),
            pl.BlockSpec((1, _GB * _NPG, _DIM), lambda g: (g, 0, 0)),
            pl.BlockSpec((1, _GB * _NPG, _DIM), lambda g: (g, 0, 0)),
        ],
        out_shape=[out_shape, out_shape, out_shape],
    )(x5, a5, mem5, qemb, atom_emb, wq, bq, wk, bk, wv, bv, wo, bo,
      wi, wj, eb)


def _pad_edge_stage(gi, gj, idx_i, idx_j):
    mesh = plsc.VectorSubcoreMesh(core_axis_name="c", subcore_axis_name="s",
                                  num_cores=2, num_subcores=16)

    ring = 4
    buf = pltpu.VMEM((_CH, _DIM), jnp.float32)

    @functools.partial(
        pl.kernel,
        out_type=jax.ShapeDtypeStruct((_N_EDGES, _DIM), jnp.float32),
        mesh=mesh,
        scratch_types=[
            pltpu.VMEM((_ROWS_PER_W,), jnp.int32),
            pltpu.VMEM((_ROWS_PER_W,), jnp.int32),
        ] + [buf] * (3 * ring) + [pltpu.SemaphoreType.DMA] * (2 * ring),
    )
    def k(gi_hbm, gj_hbm, ii_hbm, jj_hbm, out_hbm, iv, jv, *bufs_sems):
        bufs, sems = bufs_sems[:3 * ring], bufs_sems[3 * ring:]
        sets = tuple((bufs[3 * q], bufs[3 * q + 1], bufs[3 * q + 2],
                      sems[2 * q], sems[2 * q + 1]) for q in range(ring))
        wid = lax.axis_index("s") * 2 + lax.axis_index("c")
        base = wid * _ROWS_PER_W
        obase = _E_ORG + _E_SELF + base

        pltpu.sync_copy(ii_hbm.at[pl.ds(base, _ROWS_PER_W)], iv)
        pltpu.sync_copy(jj_hbm.at[pl.ds(base, _ROWS_PER_W)], jv)

        def start_gather(c, ba, bb, gs):
            off = c * _CH
            pltpu.async_copy(gi_hbm.at[iv.at[pl.ds(off, _CH)]], ba, gs)
            pltpu.async_copy(gj_hbm.at[jv.at[pl.ds(off, _CH)]], bb, gs)

        for q in range(ring):
            start_gather(q, sets[q][0], sets[q][1], sets[q][3])

        def round_body(p2, carry):
            for par in range(ring):
                ba, bb, ob, gs, ws = sets[par]
                c = ring * p2 + par

                @pl.when(c < _N_CHUNK)
                def _():
                    pltpu.make_async_copy(
                        gi_hbm.at[iv.at[pl.ds(0, _CH)]], ba, gs).wait()
                    pltpu.make_async_copy(
                        gj_hbm.at[jv.at[pl.ds(0, _CH)]], bb, gs).wait()

                    @pl.when(c >= ring)
                    def _():
                        pltpu.make_async_copy(
                            ob, out_hbm.at[pl.ds(0, _CH)], ws).wait()

                    @plsc.parallel_loop(0, _CH, unroll=4)
                    def _(r):
                        for v in range(_DIM // 16):
                            sl = pl.ds(v * 16, 16)
                            ob[r, sl] = ba[r, sl] + bb[r, sl]

                    pltpu.async_copy(ob, out_hbm.at[pl.ds(obase + c * _CH, _CH)], ws)

                    @pl.when(c + ring < _N_CHUNK)
                    def _():
                        start_gather(c + ring, ba, bb, gs)
            return carry

        lax.fori_loop(0, (_N_CHUNK + ring - 1) // ring, round_body, 0)
        for q in range(ring):
            pltpu.make_async_copy(sets[q][2], out_hbm.at[pl.ds(0, _CH)],
                                  sets[q][4]).wait()

    return k(gi, gj, idx_i, idx_j)


def _edge_body(ef0_ref, ea_ref, bond_ref, se_ref, out_ref):
    del ef0_ref
    pid = pl.program_id(0)

    @pl.when(pid < _N_ORG_BLK)
    def _():
        at = ea_ref[0]
        i8 = lax.broadcasted_iota(jnp.int32, (8, _EC), 0)
        ohs = []
        for f in range(3):
            b = jnp.broadcast_to(at[f:f + 1, :], (8, _EC))
            ohs.append((b == i8).astype(jnp.bfloat16))
        oht = jnp.concatenate(ohs, axis=0)
        out_ref[...] = lax.dot_general(oht, bond_ref[...],
                                       (((0,), (0,)), ((), ())),
                                       preferred_element_type=jnp.float32)

    @pl.when(pid >= _N_ORG_BLK)
    def _():
        out_ref[...] = jnp.broadcast_to(se_ref[...], (_EC, _DIM))


def _edge_stage(ef0, ea_t3, bond_tab, se):
    return pl.pallas_call(
        _edge_body,
        grid=(_N_ORG_BLK + _N_SELF_BLK,),
        in_specs=[
            pl.BlockSpec(memory_space=pltpu.MemorySpace.HBM),
            pl.BlockSpec((1, 3, _EC),
                         lambda i: (jnp.minimum(i, _N_ORG_BLK - 1), 0, 0)),
            pl.BlockSpec((24, _DIM), lambda i: (0, 0)),
            pl.BlockSpec((1, _DIM), lambda i: (0, 0)),
        ],
        out_specs=pl.BlockSpec((_EC, _DIM), lambda i: (i, 0)),
        out_shape=jax.ShapeDtypeStruct((_N_EDGES, _DIM), jnp.float32),
        input_output_aliases={0: 0},
    )(ef0, ea_t3, bond_tab, se)


def kernel(x, edge_index, edge_attr, batch, node_org_mask, node_pad_mask,
           org_mask, self_mask, pad_mask, memory, cross_mask, Qemb,
           atom_emb, bond_emb, self_emb, Wq, bq, Wk, bk, Wv, bv, Wo, bo,
           edge_W, edge_b):
    x5 = x.reshape(_N_NODE_BLK, _GB * _ORG_PG, 9)
    mem5 = memory.reshape(_N_NODE_BLK, _GB * _MEM_LEN, _DIM)
    cmr = cross_mask.astype(jnp.float32).reshape(_N_NODE_BLK, _GB, _N_PAD,
                                                 _MEM_LEN)
    eye = jnp.eye(_GB, dtype=bool)
    a5 = jnp.where(eye[None, :, None, :, None],
                   jnp.float32(-1e9) * cmr[:, :, :, None, :],
                   jnp.float32(-1e9))
    a5 = a5.reshape(_N_NODE_BLK, _GB * _N_PAD, _GB * _MEM_LEN)
    b2 = lambda v: v.reshape(1, _DIM)
    wi = edge_W[:_DIM]
    wj = edge_W[_DIM:]

    nf5, gi5, gj5 = _node_stage(
        x5, a5, mem5, Qemb, atom_emb.astype(jnp.bfloat16), Wq, b2(bq),
        Wk, b2(bk), Wv, b2(bv), Wo, b2(bo), wi, wj, b2(edge_b))
    node_feat = nf5.reshape(_N_NODES, _DIM)
    gi = gi5.reshape(_N_NODES, _DIM)
    gj = gj5.reshape(_N_NODES, _DIM)

    e0 = _E_ORG + _E_SELF
    ef0 = _pad_edge_stage(gi, gj, edge_index[0, e0:], edge_index[1, e0:])

    ea_t3 = edge_attr[:_E_ORG].reshape(_N_ORG_BLK, _EC, 3).transpose(0, 2, 1)
    edge_feat = _edge_stage(ef0, ea_t3,
                            bond_emb.reshape(3 * 8, _DIM).astype(jnp.bfloat16),
                            self_emb.reshape(1, _DIM))
    return node_feat, edge_feat

# --- scband reference (transcript-rebuilt; emitter-appended) ---
"""Pipeline reference for scband-feat-init-32598801777024 (READ-ONLY COPY).

The authoritative reference and input builder live on the scoring server;
editing this copy changes nothing except your own understanding.
"""

import jax, jax.numpy as jnp
import numpy as np

N_NODES = 10000
N_EDGES = 320000
DIM = 128
N_PAD = 10
HEADS = 2
N_GRAPHS = 50
MEM_LEN = 64
NODES_PER_GRAPH = N_NODES // N_GRAPHS
N_ORG = N_NODES - N_GRAPHS * N_PAD


def setup_inputs(seed: int = 0):
    key = jax.random.key(seed)
    ks = jax.random.split(key, 16)
    pos = jnp.arange(N_NODES) % NODES_PER_GRAPH
    batch = jnp.arange(N_NODES) // NODES_PER_GRAPH
    node_pad_mask = pos >= (NODES_PER_GRAPH - N_PAD)
    node_org_mask = jnp.logical_not(node_pad_mask)
    x = jax.random.randint(ks[0], (N_ORG, 9), 0, 100)
    edge_index = jax.random.randint(ks[1], (2, N_EDGES), 0, N_NODES)
    edge_attr = jax.random.randint(ks[2], (N_EDGES, 3), 0, 5)
    e_pos = jnp.arange(N_EDGES)
    org_mask = e_pos < int(0.7 * N_EDGES)
    self_mask = (e_pos >= int(0.7 * N_EDGES)) & (e_pos < int(0.8 * N_EDGES))
    pad_mask = e_pos >= int(0.8 * N_EDGES)
    memory = jax.random.normal(ks[3], (N_GRAPHS, MEM_LEN, DIM), jnp.float32)
    cross_mask = jnp.zeros((N_GRAPHS, N_PAD, MEM_LEN), dtype=bool)
    Qemb = 0.02 * jax.random.normal(ks[4], (1, N_PAD, DIM), jnp.float32)
    atom_emb = 0.02 * jax.random.normal(ks[5], (9, 120, DIM), jnp.float32)
    bond_emb = 0.02 * jax.random.normal(ks[6], (3, 8, DIM), jnp.float32)
    self_emb = 0.02 * jax.random.normal(ks[7], (DIM,), jnp.float32)
    Wq = 0.05 * jax.random.normal(ks[8], (DIM, DIM), jnp.float32)
    Wk = 0.05 * jax.random.normal(ks[9], (DIM, DIM), jnp.float32)
    Wv = 0.05 * jax.random.normal(ks[10], (DIM, DIM), jnp.float32)
    Wo = 0.05 * jax.random.normal(ks[11], (DIM, DIM), jnp.float32)
    bq = jnp.zeros((DIM,), jnp.float32)
    bk = jnp.zeros((DIM,), jnp.float32)
    bv = jnp.zeros((DIM,), jnp.float32)
    bo = jnp.zeros((DIM,), jnp.float32)
    edge_W = 0.05 * jax.random.normal(ks[12], (2 * DIM, DIM), jnp.float32)
    edge_b = jnp.zeros((DIM,), jnp.float32)
    return {"x": x, "edge_index": edge_index, "edge_attr": edge_attr, "batch": batch,
            "node_org_mask": node_org_mask, "node_pad_mask": node_pad_mask,
            "org_mask": org_mask, "self_mask": self_mask, "pad_mask": pad_mask,
            "memory": memory, "cross_mask": cross_mask, "Qemb": Qemb,
            "atom_emb": atom_emb, "bond_emb": bond_emb, "self_emb": self_emb,
            "Wq": Wq, "bq": bq, "Wk": Wk, "bk": bk, "Wv": Wv, "bv": bv,
            "Wo": Wo, "bo": bo, "edge_W": edge_W, "edge_b": edge_b}


def reference(x, edge_index, edge_attr, batch, node_org_mask, node_pad_mask,
              org_mask, self_mask, pad_mask, memory, cross_mask, Qemb,
              atom_emb, bond_emb, self_emb, Wq, bq, Wk, bk, Wv, bv, Wo, bo,
              edge_W, edge_b):
    batch_size = memory.shape[0]
    batch_dep = (batch.max() + 1 - batch_size).astype(jnp.float32) * jnp.float32(0.0)
    n_nodes = batch.shape[0]
    dim = Qemb.shape[-1]
    heads = HEADS
    d_h = dim // heads
    # SparseAtomEncoder: sum of per-feature embedding lookups (gather)
    org_node_feat = jnp.zeros((x.shape[0], dim), jnp.float32)
    for f in range(x.shape[1]):
        org_node_feat = org_node_feat + atom_emb[f][x[:, f]]
    org_idx = jnp.nonzero(node_org_mask, size=N_ORG)[0]
    pad_idx = jnp.nonzero(node_pad_mask, size=N_GRAPHS * N_PAD)[0]
    node_feat = (jnp.zeros((n_nodes, dim), jnp.float32) + batch_dep).at[org_idx].set(org_node_feat)
    # MhAttnBlock: cross attention of pad queries over memory (dropout off / eval)
    Q = jnp.tile(Qemb, (batch_size, 1, 1))
    Qp = Q @ Wq + bq
    Kp = memory @ Wk + bk
    Vp = memory @ Wv + bv
    Qh = Qp.reshape(batch_size, -1, heads, d_h).transpose(0, 2, 1, 3)
    Kh = Kp.reshape(batch_size, -1, heads, d_h).transpose(0, 2, 1, 3)
    Vh = Vp.reshape(batch_size, -1, heads, d_h).transpose(0, 2, 1, 3)
    scores = jnp.einsum('bhqd,bhkd->bhqk', Qh, Kh) / (float(d_h) ** 0.5)
    scores = jnp.where(cross_mask[:, None, :, :], jnp.float32(-1e9), scores)
    attn = jax.nn.softmax(scores, axis=-1)
    ctx = jnp.einsum('bhqk,bhkd->bhqd', attn, Vh).transpose(0, 2, 1, 3).reshape(batch_size, -1, dim)
    pad_node_feat = ctx @ Wo + bo
    node_feat = node_feat.at[pad_idx].set(pad_node_feat.reshape(-1, dim))
    # SparseBondEncoder: per-feature embedding sum for org edges, learned self-loop vec
    bond_sum = jnp.zeros((edge_attr.shape[0], dim), jnp.float32)
    for f in range(edge_attr.shape[1]):
        bond_sum = bond_sum + bond_emb[f][edge_attr[:, f]]
    edge_feat = jnp.where(org_mask[:, None], bond_sum, jnp.float32(0.0))
    edge_feat = jnp.where(self_mask[:, None], self_emb[None, :], edge_feat)
    # pad edges: gather endpoint node feats, relu, linear, scatter-overwrite
    n_e = pad_mask.shape[0]
    pe_idx = jnp.nonzero(pad_mask, size=n_e - int(0.8 * n_e))[0]
    pad_i = edge_index[0, pe_idx]
    pad_j = edge_index[1, pe_idx]
    cat = jnp.concatenate([node_feat[pad_i], node_feat[pad_j]], axis=-1)
    pad_edge_feat = jax.nn.relu(cat) @ edge_W + edge_b
    edge_feat = edge_feat.at[pe_idx].set(pad_edge_feat)
    return (node_feat, edge_feat)

if __name__ == "__main__":
    import jax
    _d = setup_inputs()
    print(jax.jit(kernel)(*tuple(_d.values())))

</pallas_src>

<mosaic_0001>
#map = affine_map<(d0, d1) -> (0, 0)>
#map1 = affine_map<(d0, d1) -> (0)>
module attributes {stable_mosaic.version = 14 : i64} {
  func.func @k(%arg0: i32, %arg1: i32, %arg2: memref<10000x128xf32, #tpu.memory_space<hbm>>, %arg3: memref<10000x128xf32, #tpu.memory_space<hbm>>, %arg4: memref<64000xi32, #tpu.memory_space<hbm>>, %arg5: memref<64000xi32, #tpu.memory_space<hbm>>, %arg6: memref<320000x128xf32, #tpu.memory_space<hbm>>, %arg7: memref<2000xi32, #tpu.memory_space<vmem>>, %arg8: memref<2000xi32, #tpu.memory_space<vmem>>, %arg9: memref<80x128xf32, #tpu.memory_space<vmem>>, %arg10: memref<80x128xf32, #tpu.memory_space<vmem>>, %arg11: memref<80x128xf32, #tpu.memory_space<vmem>>, %arg12: memref<80x128xf32, #tpu.memory_space<vmem>>, %arg13: memref<80x128xf32, #tpu.memory_space<vmem>>, %arg14: memref<80x128xf32, #tpu.memory_space<vmem>>, %arg15: memref<80x128xf32, #tpu.memory_space<vmem>>, %arg16: memref<80x128xf32, #tpu.memory_space<vmem>>, %arg17: memref<80x128xf32, #tpu.memory_space<vmem>>, %arg18: memref<80x128xf32, #tpu.memory_space<vmem>>, %arg19: memref<80x128xf32, #tpu.memory_space<vmem>>, %arg20: memref<80x128xf32, #tpu.memory_space<vmem>>, %arg21: memref<!tpu.dma_semaphore, #tpu.memory_space<semaphore_mem>>, %arg22: memref<!tpu.dma_semaphore, #tpu.memory_space<semaphore_mem>>, %arg23: memref<!tpu.dma_semaphore, #tpu.memory_space<semaphore_mem>>, %arg24: memref<!tpu.dma_semaphore, #tpu.memory_space<semaphore_mem>>, %arg25: memref<!tpu.dma_semaphore, #tpu.memory_space<semaphore_mem>>, %arg26: memref<!tpu.dma_semaphore, #tpu.memory_space<semaphore_mem>>, %arg27: memref<!tpu.dma_semaphore, #tpu.memory_space<semaphore_mem>>, %arg28: memref<!tpu.dma_semaphore, #tpu.memory_space<semaphore_mem>>) attributes {dimension_semantics = [#tpu.dimension_semantics<core_parallel>, #tpu.dimension_semantics<subcore_parallel>], iteration_bounds = array<i64: 2, 16>, scalar_prefetch = 0 : i64, scratch_operands = 22 : i64, tpu.core_type = #tpu.core_type<sc_vector_subcore>, window_params = [{transform_indices = #map}, {transform_indices = #map}, {transform_indices = #map1}, {transform_indices = #map1}, {transform_indices = #map}]} {
    %mul3A = arith.constant 2 : i32
    %mul3A_0 = arith.muli %arg1, %mul3A : i32
    %add3A = arith.addi %mul3A_0, %arg0 : i32
    %mul3A_1 = arith.constant 2000 : i32
    %mul3A_2 = arith.muli %add3A, %mul3A_1 : i32
    %add3A_3 = arith.constant 256000 : i32
    %add3A_4 = arith.addi %add3A_3, %mul3A_2 : i32
    "tpu.region"() ({
      %run_scoped3A = tpu.sem_alloc : memref<!tpu.dma_semaphore, #tpu.memory_space<semaphore_mem>>
      %dma_start3A_72 = tpu.memref_slice %arg4[%mul3A_2] : memref<64000xi32, #tpu.memory_space<hbm>> -> memref<2000xi32, #tpu.memory_space<hbm>>
      %dma_start3A_73 = tpu.memref_slice %arg4[%mul3A_2] : memref<64000xi32, #tpu.memory_space<hbm>> -> memref<2000xi32, #tpu.memory_space<hbm>>
      tpu.enqueue_dma source(%dma_start3A_73 : memref<2000xi32, #tpu.memory_space<hbm>>) target(%arg7 : memref<2000xi32, #tpu.memory_space<vmem>>) target_semaphore(%run_scoped3A : memref<!tpu.dma_semaphore, #tpu.memory_space<semaphore_mem>>)
      %dma_wait3A_74 = tpu.memref_slice %arg4[%mul3A_2] : memref<64000xi32, #tpu.memory_space<hbm>> -> memref<2000xi32, #tpu.memory_space<hbm>>
      %dma_wait3A_75 = tpu.memref_slice %arg4[%mul3A_2] : memref<64000xi32, #tpu.memory_space<hbm>> -> memref<2000xi32, #tpu.memory_space<hbm>>
      tpu.wait_dma2 semaphore(%run_scoped3A : memref<!tpu.dma_semaphore, #tpu.memory_space<semaphore_mem>>) src(%dma_wait3A_75 : memref<2000xi32, #tpu.memory_space<hbm>>) dst(%arg7 : memref<2000xi32, #tpu.memory_space<vmem>>)
      tpu.yield
    }) : () -> ()
    "tpu.region"() ({
      %run_scoped3A = tpu.sem_alloc : memref<!tpu.dma_semaphore, #tpu.memory_space<semaphore_mem>>
      %dma_start3A_72 = tpu.memref_slice %arg5[%mul3A_2] : memref<64000xi32, #tpu.memory_space<hbm>> -> memref<2000xi32, #tpu.memory_space<hbm>>
      %dma_start3A_73 = tpu.memref_slice %arg5[%mul3A_2] : memref<64000xi32, #tpu.memory_space<hbm>> -> memref<2000xi32, #tpu.memory_space<hbm>>
      tpu.enqueue_dma source(%dma_start3A_73 : memref<2000xi32, #tpu.memory_space<hbm>>) target(%arg8 : memref<2000xi32, #tpu.memory_space<vmem>>) target_semaphore(%run_scoped3A : memref<!tpu.dma_semaphore, #tpu.memory_space<semaphore_mem>>)
      %dma_wait3A_74 = tpu.memref_slice %arg5[%mul3A_2] : memref<64000xi32, #tpu.memory_space<hbm>> -> memref<2000xi32, #tpu.memory_space<hbm>>
      %dma_wait3A_75 = tpu.memref_slice %arg5[%mul3A_2] : memref<64000xi32, #tpu.memory_space<hbm>> -> memref<2000xi32, #tpu.memory_space<hbm>>
      tpu.wait_dma2 semaphore(%run_scoped3A : memref<!tpu.dma_semaphore, #tpu.memory_space<semaphore_mem>>) src(%dma_wait3A_75 : memref<2000xi32, #tpu.memory_space<hbm>>) dst(%arg8 : memref<2000xi32, #tpu.memory_space<vmem>>)
      tpu.yield
    }) : () -> ()
    %dma_start3A = arith.constant 0 : i32
    %dma_start3A_5 = tpu.memref_slice %arg7[%dma_start3A] : memref<2000xi32, #tpu.memory_space<vmem>> -> memref<80xi32, #tpu.memory_space<vmem>>
    %dma_start3A_6 = arith.constant 0 : i32
    %dma_start3A_7 = arith.constant 0 : i32
    %dma_start3A_8 = tpu.memref_slice %arg2[%dma_start3A_6, %dma_start3A_7] : memref<10000x128xf32, #tpu.memory_space<hbm>> -> memref<10000x128xf32, #tpu.memory_space<hbm>>
    tpu.enqueue_indirect_dma source(%dma_start3A_8 : memref<10000x128xf32, #tpu.memory_space<hbm>>) target(%arg9 : memref<80x128xf32, #tpu.memory_space<vmem>>) offsets(%dma_start3A_5 : memref<80xi32, #tpu.memory_space<vmem>>) semaphore(%arg21 : memref<!tpu.dma_semaphore, #tpu.memory_space<semaphore_mem>>)
    %dma_start3A_9 = arith.constant 0 : i32
    %dma_start3A_10 = tpu.memref_slice %arg8[%dma_start3A_9] : memref<2000xi32, #tpu.memory_space<vmem>> -> memref<80xi32, #tpu.memory_space<vmem>>
    %dma_start3A_11 = arith.constant 0 : i32
    %dma_start3A_12 = arith.constant 0 : i32
    %dma_start3A_13 = tpu.memref_slice %arg3[%dma_start3A_11, %dma_start3A_12] : memref<10000x128xf32, #tpu.memory_space<hbm>> -> memref<10000x128xf32, #tpu.memory_space<hbm>>
    tpu.enqueue_indirect_dma source(%dma_start3A_13 : memref<10000x128xf32, #tpu.memory_space<hbm>>) target(%arg10 : memref<80x128xf32, #tpu.memory_space<vmem>>) offsets(%dma_start3A_10 : memref<80xi32, #tpu.memory_space<vmem>>) semaphore(%arg21 : memref<!tpu.dma_semaphore, #tpu.memory_space<semaphore_mem>>)
    %dma_start3A_14 = arith.constant 80 : i32
    %dma_start3A_15 = tpu.memref_slice %arg7[%dma_start3A_14] : memref<2000xi32, #tpu.memory_space<vmem>> -> memref<80xi32, #tpu.memory_space<vmem>>
    %dma_start3A_16 = arith.constant 0 : i32
    %dma_start3A_17 = arith.constant 0 : i32
    %dma_start3A_18 = tpu.memref_slice %arg2[%dma_start3A_16, %dma_start3A_17] : memref<10000x128xf32, #tpu.memory_space<hbm>> -> memref<10000x128xf32, #tpu.memory_space<hbm>>
    tpu.enqueue_indirect_dma source(%dma_start3A_18 : memref<10000x128xf32, #tpu.memory_space<hbm>>) target(%arg12 : memref<80x128xf32, #tpu.memory_space<vmem>>) offsets(%dma_start3A_15 : memref<80xi32, #tpu.memory_space<vmem>>) semaphore(%arg23 : memref<!tpu.dma_semaphore, #tpu.memory_space<semaphore_mem>>)
    %dma_start3A_19 = arith.constant 80 : i32
    %dma_start3A_20 = tpu.memref_slice %arg8[%dma_start3A_19] : memref<2000xi32, #tpu.memory_space<vmem>> -> memref<80xi32, #tpu.memory_space<vmem>>
    %dma_start3A_21 = arith.constant 0 : i32
    %dma_start3A_22 = arith.constant 0 : i32
    %dma_start3A_23 = tpu.memref_slice %arg3[%dma_start3A_21, %dma_start3A_22] : memref<10000x128xf32, #tpu.memory_space<hbm>> -> memref<10000x128xf32, #tpu.memory_space<hbm>>
    tpu.enqueue_indirect_dma source(%dma_start3A_23 : memref<10000x128xf32, #tpu.memory_space<hbm>>) target(%arg13 : memref<80x128xf32, #tpu.memory_space<vmem>>) offsets(%dma_start3A_20 : memref<80xi32, #tpu.memory_space<vmem>>) semaphore(%arg23 : memref<!tpu.dma_semaphore, #tpu.memory_space<semaphore_mem>>)
    %dma_start3A_24 = arith.constant 160 : i32
    %dma_start3A_25 = tpu.memref_slice %arg7[%dma_start3A_24] : memref<2000xi32, #tpu.memory_space<vmem>> -> memref<80xi32, #tpu.memory_space<vmem>>
    %dma_start3A_26 = arith.constant 0 : i32
    %dma_start3A_27 = arith.constant 0 : i32
    %dma_start3A_28 = tpu.memref_slice %arg2[%dma_start3A_26, %dma_start3A_27] : memref<10000x128xf32, #tpu.memory_space<hbm>> -> memref<10000x128xf32, #tpu.memory_space<hbm>>
    tpu.enqueue_indirect_dma source(%dma_start3A_28 : memref<10000x128xf32, #tpu.memory_space<hbm>>) target(%arg15 : memref<80x128xf32, #tpu.memory_space<vmem>>) offsets(%dma_start3A_25 : memref<80xi32, #tpu.memory_space<vmem>>) semaphore(%arg25 : memref<!tpu.dma_semaphore, #tpu.memory_space<semaphore_mem>>)
    %dma_start3A_29 = arith.constant 160 : i32
    %dma_start3A_30 = tpu.memref_slice %arg8[%dma_start3A_29] : memref<2000xi32, #tpu.memory_space<vmem>> -> memref<80xi32, #tpu.memory_space<vmem>>
    %dma_start3A_31 = arith.constant 0 : i32
    %dma_start3A_32 = arith.constant 0 : i32
    %dma_start3A_33 = tpu.memref_slice %arg3[%dma_start3A_31, %dma_start3A_32] : memref<10000x128xf32, #tpu.memory_space<hbm>> -> memref<10000x128xf32, #tpu.memory_space<hbm>>
    tpu.enqueue_indirect_dma source(%dma_start3A_33 : memref<10000x128xf32, #tpu.memory_space<hbm>>) target(%arg16 : memref<80x128xf32, #tpu.memory_space<vmem>>) offsets(%dma_start3A_30 : memref<80xi32, #tpu.memory_space<vmem>>) semaphore(%arg25 : memref<!tpu.dma_semaphore, #tpu.memory_space<semaphore_mem>>)
    %dma_start3A_34 = arith.constant 240 : i32
    %dma_start3A_35 = tpu.memref_slice %arg7[%dma_start3A_34] : memref<2000xi32, #tpu.memory_space<vmem>> -> memref<80xi32, #tpu.memory_space<vmem>>
    %dma_start3A_36 = arith.constant 0 : i32
    %dma_start3A_37 = arith.constant 0 : i32
    %dma_start3A_38 = tpu.memref_slice %arg2[%dma_start3A_36, %dma_start3A_37] : memref<10000x128xf32, #tpu.memory_space<hbm>> -> memref<10000x128xf32, #tpu.memory_space<hbm>>
    tpu.enqueue_indirect_dma source(%dma_start3A_38 : memref<10000x128xf32, #tpu.memory_space<hbm>>) target(%arg18 : memref<80x128xf32, #tpu.memory_space<vmem>>) offsets(%dma_start3A_35 : memref<80xi32, #tpu.memory_space<vmem>>) semaphore(%arg27 : memref<!tpu.dma_semaphore, #tpu.memory_space<semaphore_mem>>)
    %dma_start3A_39 = arith.constant 240 : i32
    %dma_start3A_40 = tpu.memref_slice %arg8[%dma_start3A_39] : memref<2000xi32, #tpu.memory_space<vmem>> -> memref<80xi32, #tpu.memory_space<vmem>>
    %dma_start3A_41 = arith.constant 0 : i32
    %dma_start3A_42 = arith.constant 0 : i32
    %dma_start3A_43 = tpu.memref_slice %arg3[%dma_start3A_41, %dma_start3A_42] : memref<10000x128xf32, #tpu.memory_space<hbm>> -> memref<10000x128xf32, #tpu.memory_space<hbm>>
    tpu.enqueue_indirect_dma source(%dma_start3A_43 : memref<10000x128xf32, #tpu.memory_space<hbm>>) target(%arg19 : memref<80x128xf32, #tpu.memory_space<vmem>>) offsets(%dma_start3A_40 : memref<80xi32, #tpu.memory_space<vmem>>) semaphore(%arg27 : memref<!tpu.dma_semaphore, #tpu.memory_space<semaphore_mem>>)
    %scan3A = arith.constant 0 : i32
    %scan3A_44 = arith.constant 0 : i32
    %scan3A_45 = arith.constant 7 : i32
    %scan3A_46 = arith.addi %scan3A_44, %scan3A_45 : i32
    %scan3A_47 = arith.constant 1 : i32
    scf.for %scan3A_72 = %scan3A_44 to %scan3A_46 step %scan3A_47  : i32 {
      %mul3A_73 = arith.constant 4 : i32
      %mul3A_74 = arith.muli %mul3A_73, %scan3A_72 : i32
      %add3A_75 = arith.constant 0 : i32
      %add3A_76 = arith.addi %mul3A_74, %add3A_75 : i32
      %lt3A = arith.constant 25 : i32
      %lt3A_77 = arith.cmpi slt, %add3A_76, %lt3A : i32
      %convert_element_type3A = arith.extui %lt3A_77 : i1 to i32
      %cond3A = arith.constant 0 : i32
      %cond3A_78 = arith.cmpi ne, %convert_element_type3A, %cond3A : i32
      scf.if %cond3A_78 {
        %dma_wait3A_106 = arith.constant 0 : i32
        %dma_wait3A_107 = tpu.memref_slice %arg7[%dma_wait3A_106] : memref<2000xi32, #tpu.memory_space<vmem>> -> memref<80xi32, #tpu.memory_space<vmem>>
        %dma_wait3A_108 = arith.constant 0 : i32
        %dma_wait3A_109 = arith.constant 0 : i32
        %dma_wait3A_110 = tpu.memref_slice %arg2[%dma_wait3A_108, %dma_wait3A_109] : memref<10000x128xf32, #tpu.memory_space<hbm>> -> memref<10000x128xf32, #tpu.memory_space<hbm>>
        tpu.wait_indirect_dma semaphore(%arg21 : memref<!tpu.dma_semaphore, #tpu.memory_space<semaphore_mem>>) src(%dma_wait3A_110 : memref<10000x128xf32, #tpu.memory_space<hbm>>) dst(%arg9 : memref<80x128xf32, #tpu.memory_space<vmem>>)
        %dma_wait3A_111 = arith.constant 0 : i32
        %dma_wait3A_112 = tpu.memref_slice %arg8[%dma_wait3A_111] : memref<2000xi32, #tpu.memory_space<vmem>> -> memref<80xi32, #tpu.memory_space<vmem>>
        %dma_wait3A_113 = arith.constant 0 : i32
        %dma_wait3A_114 = arith.constant 0 : i32
        %dma_wait3A_115 = tpu.memref_slice %arg3[%dma_wait3A_113, %dma_wait3A_114] : memref<10000x128xf32, #tpu.memory_space<hbm>> -> memref<10000x128xf32, #tpu.memory_space<hbm>>
        tpu.wait_indirect_dma semaphore(%arg21 : memref<!tpu.dma_semaphore, #tpu.memory_space<semaphore_mem>>) src(%dma_wait3A_115 : memref<10000x128xf32, #tpu.memory_space<hbm>>) dst(%arg10 : memref<80x128xf32, #tpu.memory_space<vmem>>)
        %ge3A = arith.constant 4 : i32
        %ge3A_116 = arith.cmpi sge, %add3A_76, %ge3A : i32
        %convert_element_type3A_117 = arith.extui %ge3A_116 : i1 to i32
        %cond3A_118 = arith.constant 0 : i32
        %cond3A_119 = arith.cmpi ne, %convert_element_type3A_117, %cond3A_118 : i32
        scf.if %cond3A_119 {
          %dma_wait3A_136 = arith.constant 0 : i32
          %dma_wait3A_137 = arith.constant 0 : i32
          %dma_wait3A_138 = tpu.memref_slice %arg6[%dma_wait3A_136, %dma_wait3A_137] : memref<320000x128xf32, #tpu.memory_space<hbm>> -> memref<80x128xf32, #tpu.memory_space<hbm>>
          %dma_wait3A_139 = arith.constant 0 : i32
          %dma_wait3A_140 = arith.constant 0 : i32
          %dma_wait3A_141 = tpu.memref_slice %arg6[%dma_wait3A_139, %dma_wait3A_140] : memref<320000x128xf32, #tpu.memory_space<hbm>> -> memref<80x128xf32, #tpu.memory_space<hbm>>
          tpu.wait_dma2 semaphore(%arg22 : memref<!tpu.dma_semaphore, #tpu.memory_space<semaphore_mem>>) src(%arg11 : memref<80x128xf32, #tpu.memory_space<vmem>>) dst(%dma_wait3A_141 : memref<80x128xf32, #tpu.memory_space<hbm>>)
        } else {
        }
        %parallel_loop3A = arith.constant 0 : i32
        %parallel_loop3A_120 = arith.constant 80 : i32
        %parallel_loop3A_121 = arith.constant 1 : i32
        scf.for %parallel_loop3A_136 = %parallel_loop3A to %parallel_loop3A_120 step %parallel_loop3A_121  : i32 {
          %parallel_loop3A_137 = arith.index_cast %parallel_loop3A_136 : i32 to index
          %parallel_loop3A_138 = arith.constant 0 : index
          %parallel_loop3A_139 = tpu.vector_load %arg9[%parallel_loop3A_137, %parallel_loop3A_138] {strides = array<i32>} : memref<80x128xf32, #tpu.memory_space<vmem>>, vector<1x16xf32>,
          %parallel_loop3A_140 = vector.shape_cast %parallel_loop3A_139 : vector<1x16xf32> to vector<16xf32>
          %parallel_loop3A_141 = arith.index_cast %parallel_loop3A_136 : i32 to index
          %parallel_loop3A_142 = arith.constant 0 : index
          %parallel_loop3A_143 = tpu.vector_load %arg10[%parallel_loop3A_141, %parallel_loop3A_142] {strides = array<i32>} : memref<80x128xf32, #tpu.memory_space<vmem>>, vector<1x16xf32>,
          %parallel_loop3A_144 = vector.shape_cast %parallel_loop3A_143 : vector<1x16xf32> to vector<16xf32>
          %parallel_loop3A_145 = arith.addf %parallel_loop3A_140, %parallel_loop3A_144 : vector<16xf32>
          %parallel_loop3A_146 = arith.index_cast %parallel_loop3A_136 : i32 to index
          %parallel_loop3A_147 = arith.constant 0 : index
          %parallel_loop3A_148 = tpu.vector_load %arg11[%parallel_loop3A_146, %parallel_loop3A_147] {strides = array<i32>} : memref<80x128xf32, #tpu.memory_space<vmem>>, vector<1x16xf32>,
          %parallel_loop3A_149 = vector.shape_cast %parallel_loop3A_148 : vector<1x16xf32> to vector<16xf32>
          %parallel_loop3A_150 = vector.shape_cast %parallel_loop3A_145 : vector<16xf32> to vector<1x16xf32>
          tpu.vector_store %arg11[%parallel_loop3A_146, %parallel_loop3A_147], %parallel_loop3A_150 {strides = array<i32>} : memref<80x128xf32, #tpu.memory_space<vmem>>, vector<1x16xf32>,
          %parallel_loop3A_151 = arith.index_cast %parallel_loop3A_136 : i32 to index
          %parallel_loop3A_152 = arith.constant 16 : index
          %parallel_loop3A_153 = tpu.vector_load %arg9[%parallel_loop3A_151, %parallel_loop3A_152] {strides = array<i32>} : memref<80x128xf32, #tpu.memory_space<vmem>>, vector<1x16xf32>,
          %parallel_loop3A_154 = vector.shape_cast %parallel_loop3A_153 : vector<1x16xf32> to vector<16xf32>
          %parallel_loop3A_155 = arith.index_cast %parallel_loop3A_136 : i32 to index
          %parallel_loop3A_156 = arith.constant 16 : index
          %parallel_loop3A_157 = tpu.vector_load %arg10[%parallel_loop3A_155, %parallel_loop3A_156] {strides = array<i32>} : memref<80x128xf32, #tpu.memory_space<vmem>>, vector<1x16xf32>,
          %parallel_loop3A_158 = vector.shape_cast %parallel_loop3A_157 : vector<1x16xf32> to vector<16xf32>
          %parallel_loop3A_159 = arith.addf %parallel_loop3A_154, %parallel_loop3A_158 : vector<16xf32>
          %parallel_loop3A_160 = arith.index_cast %parallel_loop3A_136 : i32 to index
          %parallel_loop3A_161 = arith.constant 16 : index
          %parallel_loop3A_162 = tpu.vector_load %arg11[%parallel_loop3A_160, %parallel_loop3A_161] {strides = array<i32>} : memref<80x128xf32, #tpu.memory_space<vmem>>, vector<1x16xf32>,
          %parallel_loop3A_163 = vector.shape_cast %parallel_loop3A_162 : vector<1x16xf32> to vector<16xf32>
          %parallel_loop3A_164 = vector.shape_cast %parallel_loop3A_159 : vector<16xf32> to vector<1x16xf32>
          tpu.vector_store %arg11[%parallel_loop3A_160, %parallel_loop3A_161], %parallel_loop3A_164 {strides = array<i32>} : memref<80x128xf32, #tpu.memory_space<vmem>>, vector<1x16xf32>,
          %parallel_loop3A_165 = arith.index_cast %parallel_loop3A_136 : i32 to index
          %parallel_loop3A_166 = arith.constant 32 : index
          %parallel_loop3A_167 = tpu.vector_load %arg9[%parallel_loop3A_165, %parallel_loop3A_166] {strides = array<i32>} : memref<80x128xf32, #tpu.memory_space<vmem>>, vector<1x16xf32>,
          %parallel_loop3A_168 = vector.shape_cast %parallel_loop3A_167 : vector<1x16xf32> to vector<16xf32>
          %parallel_loop3A_169 = arith.index_cast %parallel_loop3A_136 : i32 to index
          %parallel_loop3A_170 = arith.constant 32 : index
          %parallel_loop3A_171 = tpu.vector_load %arg10[%parallel_loop3A_169, %parallel_loop3A_170] {strides = array<i32>} : memref<80x128xf32, #tpu.memory_space<vmem>>, vector<1x16xf32>,
          %parallel_loop3A_172 = vector.shape_cast %parallel_loop3A_171 : vector<1x16xf32> to vector<16xf32>
          %parallel_loop3A_173 = arith.addf %parallel_loop3A_168, %parallel_loop3A_172 : vector<16xf32>
          %parallel_loop3A_174 = arith.index_cast %parallel_loop3A_136 : i32 to index
          %parallel_loop3A_175 = arith.constant 32 : index
          %parallel_loop3A_176 = tpu.vector_load %arg11[%parallel_loop3A_174, %parallel_loop3A_175] {strides = array<i32>} : memref<80x128xf32, #tpu.memory_space<vmem>>, vector<1x16xf32>,
          %parallel_loop3A_177 = vector.shape_cast %parallel_loop3A_176 : vector<1x16xf32> to vector<16xf32>
          %parallel_loop3A_178 = vector.shape_cast %parallel_loop3A_173 : vector<16xf32> to vector<1x16xf32>
          tpu.vector_store %arg11[%parallel_loop3A_174, %parallel_loop3A_175], %parallel_loop3A_178 {strides = array<i32>} : memref<80x128xf32, #tpu.memory_space<vmem>>, vector<1x16xf32>,
          %parallel_loop3A_179 = arith.index_cast %parallel_loop3A_136 : i32 to index
          %parallel_loop3A_180 = arith.constant 48 : index
          %parallel_loop3A_181 = tpu.vector_load %arg9[%parallel_loop3A_179, %parallel_loop3A_180] {strides = array<i32>} : memref<80x128xf32, #tpu.memory_space<vmem>>, vector<1x16xf32>,
          %parallel_loop3A_182 = vector.shape_cast %parallel_loop3A_181 : vector<1x16xf32> to vector<16xf32>
          %parallel_loop3A_183 = arith.index_cast %parallel_loop3A_136 : i32 to index
          %parallel_loop3A_184 = arith.constant 48 : index
          %parallel_loop3A_185 = tpu.vector_load %arg10[%parallel_loop3A_183, %parallel_loop3A_184] {strides = array<i32>} : memref<80x128xf32, #tpu.memory_space<vmem>>, vector<1x16xf32>,
          %parallel_loop3A_186 = vector.shape_cast %parallel_loop3A_185 : vector<1x16xf32> to vector<16xf32>
          %parallel_loop3A_187 = arith.addf %parallel_loop3A_182, %parallel_loop3A_186 : vector<16xf32>
          %parallel_loop3A_188 = arith.index_cast %parallel_loop3A_136 : i32 to index
          %parallel_loop3A_189 = arith.constant 48 : index
          %parallel_loop3A_190 = tpu.vector_load %arg11[%parallel_loop3A_188, %parallel_loop3A_189] {strides = array<i32>} : memref<80x128xf32, #tpu.memory_space<vmem>>, vector<1x16xf32>,
          %parallel_loop3A_191 = vector.shape_cast %parallel_loop3A_190 : vector<1x16xf32> to vector<16xf32>
          %parallel_loop3A_192 = vector.shape_cast %parallel_loop3A_187 : vector<16xf32> to vector<1x16xf32>
          tpu.vector_store %arg11[%parallel_loop3A_188, %parallel_loop3A_189], %parallel_loop3A_192 {strides = array<i32>} : memref<80x128xf32, #tpu.memory_space<vmem>>, vector<1x16xf32>,
          %parallel_loop3A_193 = arith.index_cast %parallel_loop3A_136 : i32 to index
          %parallel_loop3A_194 = arith.constant 64 : index
          %parallel_loop3A_195 = tpu.vector_load %arg9[%parallel_loop3A_193, %parallel_loop3A_194] {strides = array<i32>} : memref<80x128xf32, #tpu.memory_space<vmem>>, vector<1x16xf32>,
          %parallel_loop3A_196 = vector.shape_cast %parallel_loop3A_195 : vector<1x16xf32> to vector<16xf32>
          %parallel_loop3A_197 = arith.index_cast %parallel_loop3A_136 : i32 to index
          %parallel_loop3A_198 = arith.constant 64 : index
          %parallel_loop3A_199 = tpu.vector_load %arg10[%parallel_loop3A_197, %parallel_loop3A_198] {strides = array<i32>} : memref<80x128xf32, #tpu.memory_space<vmem>>, vector<1x16xf32>,
          %parallel_loop3A_200 = vector.shape_cast %parallel_loop3A_199 : vector<1x16xf32> to vector<16xf32>
          %parallel_loop3A_201 = arith.addf %parallel_loop3A_196, %parallel_loop3A_200 : vector<16xf32>
          %parallel_loop3A_202 = arith.index_cast %parallel_loop3A_136 : i32 to index
          %parallel_loop3A_203 = arith.constant 64 : index
          %parallel_loop3A_204 = tpu.vector_load %arg11[%parallel_loop3A_202, %parallel_loop3A_203] {strides = array<i32>} : memref<80x128xf32, #tpu.memory_space<vmem>>, vector<1x16xf32>,
          %parallel_loop3A_205 = vector.shape_cast %parallel_loop3A_204 : vector<1x16xf32> to vector<16xf32>
          %parallel_loop3A_206 = vector.shape_cast %parallel_loop3A_201 : vector<16xf32> to vector<1x16xf32>
          tpu.vector_store %arg11[%parallel_loop3A_202, %parallel_loop3A_203], %parallel_loop3A_206 {strides = array<i32>} : memref<80x128xf32, #tpu.memory_space<vmem>>, vector<1x16xf32>,
          %parallel_loop3A_207 = arith.index_cast %parallel_loop3A_136 : i32 to index
          %parallel_loop3A_208 = arith.constant 80 : index
          %parallel_loop3A_209 = tpu.vector_load %arg9[%parallel_loop3A_207, %parallel_loop3A_208] {strides = array<i32>} : memref<80x128xf32, #tpu.memory_space<vmem>>, vector<1x16xf32>,
          %parallel_loop3A_210 = vector.shape_cast %parallel_loop3A_209 : vector<1x16xf32> to vector<16xf32>
          %parallel_loop3A_211 = arith.index_cast %parallel_loop3A_136 : i32 to index
          %parallel_loop3A_212 = arith.constant 80 : index
          %parallel_loop3A_213 = tpu.vector_load %arg10[%parallel_loop3A_211, %parallel_loop3A_212] {strides = array<i32>} : memref<80x128xf32, #tpu.memory_space<vmem>>, vector<1x16xf32>,
          %parallel_loop3A_214 = vector.shape_cast %parallel_loop3A_213 : vector<1x16xf32> to vector<16xf32>
          %parallel_loop3A_215 = arith.addf %parallel_loop3A_210, %parallel_loop3A_214 : vector<16xf32>
          %parallel_loop3A_216 = arith.index_cast %parallel_loop3A_136 : i32 to index
          %parallel_loop3A_217 = arith.constant 80 : index
          %parallel_loop3A_218 = tpu.vector_load %arg11[%parallel_loop3A_216, %parallel_loop3A_217] {strides = array<i32>} : memref<80x128xf32, #tpu.memory_space<vmem>>, vector<1x16xf32>,
          %parallel_loop3A_219 = vector.shape_cast %parallel_loop3A_218 : vector<1x16xf32> to vector<16xf32>
          %parallel_loop3A_220 = vector.shape_cast %parallel_loop3A_215 : vector<16xf32> to vector<1x16xf32>
          tpu.vector_store %arg11[%parallel_loop3A_216, %parallel_loop3A_217], %parallel_loop3A_220 {strides = array<i32>} : memref<80x128xf32, #tpu.memory_space<vmem>>, vector<1x16xf32>,
          %parallel_loop3A_221 = arith.index_cast %parallel_loop3A_136 : i32 to index
          %parallel_loop3A_222 = arith.constant 96 : index
          %parallel_loop3A_223 = tpu.vector_load %arg9[%parallel_loop3A_221, %parallel_loop3A_222] {strides = array<i32>} : memref<80x128xf32, #tpu.memory_space<vmem>>, vector<1x16xf32>,
          %parallel_loop3A_224 = vector.shape_cast %parallel_loop3A_223 : vector<1x16xf32> to vector<16xf32>
          %parallel_loop3A_225 = arith.index_cast %parallel_loop3A_136 : i32 to index
          %parallel_loop3A_226 = arith.constant 96 : index
          %parallel_loop3A_227 = tpu.vector_load %arg10[%parallel_loop3A_225, %parallel_loop3A_226] {strides = array<i32>} : memref<80x128xf32, #tpu.memory_space<vmem>>, vector<1x16xf32>,
          %parallel_loop3A_228 = vector.shape_cast %parallel_loop3A_227 : vector<1x16xf32> to vector<16xf32>
          %parallel_loop3A_229 = arith.addf %parallel_loop3A_224, %parallel_loop3A_228 : vector<16xf32>
          %parallel_loop3A_230 = arith.index_cast %parallel_loop3A_136 : i32 to index
          %parallel_loop3A_231 = arith.constant 96 : index
          %parallel_loop3A_232 = tpu.vector_load %arg11[%parallel_loop3A_230, %parallel_loop3A_231] {strides = array<i32>} : memref<80x128xf32, #tpu.memory_space<vmem>>, vector<1x16xf32>,
          %parallel_loop3A_233 = vector.shape_cast %parallel_loop3A_232 : vector<1x16xf32> to vector<16xf32>
          %parallel_loop3A_234 = vector.shape_cast %parallel_loop3A_229 : vector<16xf32> to vector<1x16xf32>
          tpu.vector_store %arg11[%parallel_loop3A_230, %parallel_loop3A_231], %parallel_loop3A_234 {strides = array<i32>} : memref<80x128xf32, #tpu.memory_space<vmem>>, vector<1x16xf32>,
          %parallel_loop3A_235 = arith.index_cast %parallel_loop3A_136 : i32 to index
          %parallel_loop3A_236 = arith.constant 112 : index
          %parallel_loop3A_237 = tpu.vector_load %arg9[%parallel_loop3A_235, %parallel_loop3A_236] {strides = array<i32>} : memref<80x128xf32, #tpu.memory_space<vmem>>, vector<1x16xf32>,
          %parallel_loop3A_238 = vector.shape_cast %parallel_loop3A_237 : vector<1x16xf32> to vector<16xf32>
          %parallel_loop3A_239 = arith.index_cast %parallel_loop3A_136 : i32 to index
          %parallel_loop3A_240 = arith.constant 112 : index
          %parallel_loop3A_241 = tpu.vector_load %arg10[%parallel_loop3A_239, %parallel_loop3A_240] {strides = array<i32>} : memref<80x128xf32, #tpu.memory_space<vmem>>, vector<1x16xf32>,
          %parallel_loop3A_242 = vector.shape_cast %parallel_loop3A_241 : vector<1x16xf32> to vector<16xf32>
          %parallel_loop3A_243 = arith.addf %parallel_loop3A_238, %parallel_loop3A_242 : vector<16xf32>
          %parallel_loop3A_244 = arith.index_cast %parallel_loop3A_136 : i32 to index
          %parallel_loop3A_245 = arith.constant 112 : index
          %parallel_loop3A_246 = tpu.vector_load %arg11[%parallel_loop3A_244, %parallel_loop3A_245] {strides = array<i32>} : memref<80x128xf32, #tpu.memory_space<vmem>>, vector<1x16xf32>,
          %parallel_loop3A_247 = vector.shape_cast %parallel_loop3A_246 : vector<1x16xf32> to vector<16xf32>
          %parallel_loop3A_248 = vector.shape_cast %parallel_loop3A_243 : vector<16xf32> to vector<1x16xf32>
          tpu.vector_store %arg11[%parallel_loop3A_244, %parallel_loop3A_245], %parallel_loop3A_248 {strides = array<i32>} : memref<80x128xf32, #tpu.memory_space<vmem>>, vector<1x16xf32>,
        } {sc.loop_unroll_factor = 4 : i64, sc.parallel_access}
        %mul3A_122 = arith.constant 80 : i32
        %mul3A_123 = arith.muli %add3A_76, %mul3A_122 : i32
        %add3A_124 = arith.addi %add3A_4, %mul3A_123 : i32
        %dma_start3A_125 = arith.constant 0 : i32
        %dma_start3A_126 = tpu.memref_slice %arg6[%add3A_124, %dma_start3A_125] : memref<320000x128xf32, #tpu.memory_space<hbm>> -> memref<80x128xf32, #tpu.memory_space<hbm>>
        %dma_start3A_127 = arith.constant 0 : i32
        %dma_start3A_128 = tpu.memref_slice %arg6[%add3A_124, %dma_start3A_127] : memref<320000x128xf32, #tpu.memory_space<hbm>> -> memref<80x128xf32, #tpu.memory_space<hbm>>
        tpu.enqueue_dma source(%arg11 : memref<80x128xf32, #tpu.memory_space<vmem>>) target(%dma_start3A_128 : memref<80x128xf32, #tpu.memory_space<hbm>>) target_semaphore(%arg22 : memref<!tpu.dma_semaphore, #tpu.memory_space<semaphore_mem>>)
        %add3A_129 = arith.constant 4 : i32
        %add3A_130 = arith.addi %add3A_76, %add3A_129 : i32
        %lt3A_131 = arith.constant 25 : i32
        %lt3A_132 = arith.cmpi slt, %add3A_130, %lt3A_131 : i32
        %convert_element_type3A_133 = arith.extui %lt3A_132 : i1 to i32
        %cond3A_134 = arith.constant 0 : i32
        %cond3A_135 = arith.cmpi ne, %convert_element_type3A_133, %cond3A_134 : i32
        scf.if %cond3A_135 {
          %add3A_136 = arith.constant 4 : i32
          %add3A_137 = arith.addi %add3A_76, %add3A_136 : i32
          %mul3A_138 = arith.constant 80 : i32
          %mul3A_139 = arith.muli %add3A_137, %mul3A_138 : i32
          %dma_start3A_140 = tpu.memref_slice %arg7[%mul3A_139] : memref<2000xi32, #tpu.memory_space<vmem>> -> memref<80xi32, #tpu.memory_space<vmem>>
          %dma_start3A_141 = arith.constant 0 : i32
          %dma_start3A_142 = arith.constant 0 : i32
          %dma_start3A_143 = tpu.memref_slice %arg2[%dma_start3A_141, %dma_start3A_142] : memref<10000x128xf32, #tpu.memory_space<hbm>> -> memref<10000x128xf32, #tpu.memory_space<hbm>>
          tpu.enqueue_indirect_dma source(%dma_start3A_143 : memref<10000x128xf32, #tpu.memory_space<hbm>>) target(%arg9 : memref<80x128xf32, #tpu.memory_space<vmem>>) offsets(%dma_start3A_140 : memref<80xi32, #tpu.memory_space<vmem>>) semaphore(%arg21 : memref<!tpu.dma_semaphore, #tpu.memory_space<semaphore_mem>>)
          %dma_start3A_144 = tpu.memref_slice %arg8[%mul3A_139] : memref<2000xi32, #tpu.memory_space<vmem>> -> memref<80xi32, #tpu.memory_space<vmem>>
          %dma_start3A_145 = arith.constant 0 : i32
          %dma_start3A_146 = arith.constant 0 : i32
          %dma_start3A_147 = tpu.memref_slice %arg3[%dma_start3A_145, %dma_start3A_146] : memref<10000x128xf32, #tpu.memory_space<hbm>> -> memref<10000x128xf32, #tpu.memory_space<hbm>>
          tpu.enqueue_indirect_dma source(%dma_start3A_147 : memref<10000x128xf32, #tpu.memory_space<hbm>>) target(%arg10 : memref<80x128xf32, #tpu.memory_space<vmem>>) offsets(%dma_start3A_144 : memref<80xi32, #tpu.memory_space<vmem>>) semaphore(%arg21 : memref<!tpu.dma_semaphore, #tpu.memory_space<semaphore_mem>>)
        } else {
        }
      } else {
      }
      %mul3A_79 = arith.constant 4 : i32
      %mul3A_80 = arith.muli %mul3A_79, %scan3A_72 : i32
      %add3A_81 = arith.constant 1 : i32
      %add3A_82 = arith.addi %mul3A_80, %add3A_81 : i32
      %lt3A_83 = arith.constant 25 : i32
      %lt3A_84 = arith.cmpi slt, %add3A_82, %lt3A_83 : i32
      %convert_element_type3A_85 = arith.extui %lt3A_84 : i1 to i32
      %cond3A_86 = arith.constant 0 : i32
      %cond3A_87 = arith.cmpi ne, %convert_element_type3A_85, %cond3A_86 : i32
      scf.if %cond3A_87 {
        %dma_wait3A_106 = arith.constant 0 : i32
        %dma_wait3A_107 = tpu.memref_slice %arg7[%dma_wait3A_106] : memref<2000xi32, #tpu.memory_space<vmem>> -> memref<80xi32, #tpu.memory_space<vmem>>
        %dma_wait3A_108 = arith.constant 0 : i32
        %dma_wait3A_109 = arith.constant 0 : i32
        %dma_wait3A_110 = tpu.memref_slice %arg2[%dma_wait3A_108, %dma_wait3A_109] : memref<10000x128xf32, #tpu.memory_space<hbm>> -> memref<10000x128xf32, #tpu.memory_space<hbm>>
        tpu.wait_indirect_dma semaphore(%arg23 : memref<!tpu.dma_semaphore, #tpu.memory_space<semaphore_mem>>) src(%dma_wait3A_110 : memref<10000x128xf32, #tpu.memory_space<hbm>>) dst(%arg12 : memref<80x128xf32, #tpu.memory_space<vmem>>)
        %dma_wait3A_111 = arith.constant 0 : i32
        %dma_wait3A_112 = tpu.memref_slice %arg8[%dma_wait3A_111] : memref<2000xi32, #tpu.memory_space<vmem>> -> memref<80xi32, #tpu.memory_space<vmem>>
        %dma_wait3A_113 = arith.constant 0 : i32
        %dma_wait3A_114 = arith.constant 0 : i32
        %dma_wait3A_115 = tpu.memref_slice %arg3[%dma_wait3A_113, %dma_wait3A_114] : memref<10000x128xf32, #tpu.memory_space<hbm>> -> memref<10000x128xf32, #tpu.memory_space<hbm>>
        tpu.wait_indirect_dma semaphore(%arg23 : memref<!tpu.dma_semaphore, #tpu.memory_space<semaphore_mem>>) src(%dma_wait3A_115 : memref<10000x128xf32, #tpu.memory_space<hbm>>) dst(%arg13 : memref<80x128xf32, #tpu.memory_space<vmem>>)
        %ge3A = arith.constant 4 : i32
        %ge3A_116 = arith.cmpi sge, %add3A_82, %ge3A : i32
        %convert_element_type3A_117 = arith.extui %ge3A_116 : i1 to i32
        %cond3A_118 = arith.constant 0 : i32
        %cond3A_119 = arith.cmpi ne, %convert_element_type3A_117, %cond3A_118 : i32
        scf.if %cond3A_119 {
          %dma_wait3A_136 = arith.constant 0 : i32
          %dma_wait3A_137 = arith.constant 0 : i32
          %dma_wait3A_138 = tpu.memref_slice %arg6[%dma_wait3A_136, %dma_wait3A_137] : memref<320000x128xf32, #tpu.memory_space<hbm>> -> memref<80x128xf32, #tpu.memory_space<hbm>>
          %dma_wait3A_139 = arith.constant 0 : i32
          %dma_wait3A_140 = arith.constant 0 : i32
          %dma_wait3A_141 = tpu.memref_slice %arg6[%dma_wait3A_139, %dma_wait3A_140] : memref<320000x128xf32, #tpu.memory_space<hbm>> -> memref<80x128xf32, #tpu.memory_space<hbm>>
          tpu.wait_dma2 semaphore(%arg24 : memref<!tpu.dma_semaphore, #tpu.memory_space<semaphore_mem>>) src(%arg14 : memref<80x128xf32, #tpu.memory_space<vmem>>) dst(%dma_wait3A_141 : memref<80x128xf32, #tpu.memory_space<hbm>>)
        } else {
        }
        %parallel_loop3A = arith.constant 0 : i32
        %parallel_loop3A_120 = arith.constant 80 : i32
        %parallel_loop3A_121 = arith.constant 1 : i32
        scf.for %parallel_loop3A_136 = %parallel_loop3A to %parallel_loop3A_120 step %parallel_loop3A_121  : i32 {
          %parallel_loop3A_137 = arith.index_cast %parallel_loop3A_136 : i32 to index
          %parallel_loop3A_138 = arith.constant 0 : index
          %parallel_loop3A_139 = tpu.vector_load %arg12[%parallel_loop3A_137, %parallel_loop3A_138] {strides = array<i32>} : memref<80x128xf32, #tpu.memory_space<vmem>>, vector<1x16xf32>,
          %parallel_loop3A_140 = vector.shape_cast %parallel_loop3A_139 : vector<1x16xf32> to vector<16xf32>
          %parallel_loop3A_141 = arith.index_cast %parallel_loop3A_136 : i32 to index
          %parallel_loop3A_142 = arith.constant 0 : index
          %parallel_loop3A_143 = tpu.vector_load %arg13[%parallel_loop3A_141, %parallel_loop3A_142] {strides = array<i32>} : memref<80x128xf32, #tpu.memory_space<vmem>>, vector<1x16xf32>,
          %parallel_loop3A_144 = vector.shape_cast %parallel_loop3A_143 : vector<1x16xf32> to vector<16xf32>
          %parallel_loop3A_145 = arith.addf %parallel_loop3A_140, %parallel_loop3A_144 : vector<16xf32>
          %parallel_loop3A_146 = arith.index_cast %parallel_loop3A_136 : i32 to index
          %parallel_loop3A_147 = arith.constant 0 : index
          %parallel_loop3A_148 = tpu.vector_load %arg14[%parallel_loop3A_146, %parallel_loop3A_147] {strides = array<i32>} : memref<80x128xf32, #tpu.memory_space<vmem>>, vector<1x16xf32>,
          %parallel_loop3A_149 = vector.shape_cast %parallel_loop3A_148 : vector<1x16xf32> to vector<16xf32>
          %parallel_loop3A_150 = vector.shape_cast %parallel_loop3A_145 : vector<16xf32> to vector<1x16xf32>
          tpu.vector_store %arg14[%parallel_loop3A_146, %parallel_loop3A_147], %parallel_loop3A_150 {strides = array<i32>} : memref<80x128xf32, #tpu.memory_space<vmem>>, vector<1x16xf32>,
          %parallel_loop3A_151 = arith.index_cast %parallel_loop3A_136 : i32 to index
          %parallel_loop3A_152 = arith.constant 16 : index
          %parallel_loop3A_153 = tpu.vector_load %arg12[%parallel_loop3A_151, %parallel_loop3A_152] {strides = array<i32>} : memref<80x128xf32, #tpu.memory_space<vmem>>, vector<1x16xf32>,
          %parallel_loop3A_154 = vector.shape_cast %parallel_loop3A_153 : vector<1x16xf32> to vector<16xf32>
          %parallel_loop3A_155 = arith.index_cast %parallel_loop3A_136 : i32 to index
          %parallel_loop3A_156 = arith.constant 16 : index
          %parallel_loop3A_157 = tpu.vector_load %arg13[%parallel_loop3A_155, %parallel_loop3A_156] {strides = array<i32>} : memref<80x128xf32, #tpu.memory_space<vmem>>, vector<1x16xf32>,
          %parallel_loop3A_158 = vector.shape_cast %parallel_loop3A_157 : vector<1x16xf32> to vector<16xf32>
          %parallel_loop3A_159 = arith.addf %parallel_loop3A_154, %parallel_loop3A_158 : vector<16xf32>
          %parallel_loop3A_160 = arith.index_cast %parallel_loop3A_136 : i32 to index
          %parallel_loop3A_161 = arith.constant 16 : index
          %parallel_loop3A_162 = tpu.vector_load %arg14[%parallel_loop3A_160, %parallel_loop3A_161] {strides = array<i32>} : memref<80x128xf32, #tpu.memory_space<vmem>>, vector<1x16xf32>,
          %parallel_loop3A_163 = vector.shape_cast %parallel_loop3A_162 : vector<1x16xf32> to vector<16xf32>
          %parallel_loop3A_164 = vector.shape_cast %parallel_loop3A_159 : vector<16xf32> to vector<1x16xf32>
          tpu.vector_store %arg14[%parallel_loop3A_160, %parallel_loop3A_161], %parallel_loop3A_164 {strides = array<i32>} : memref<80x128xf32, #tpu.memory_space<vmem>>, vector<1x16xf32>,
          %parallel_loop3A_165 = arith.index_cast %parallel_loop3A_136 : i32 to index
          %parallel_loop3A_166 = arith.constant 32 : index
          %parallel_loop3A_167 = tpu.vector_load %arg12[%parallel_loop3A_165, %parallel_loop3A_166] {strides = array<i32>} : memref<80x128xf32, #tpu.memory_space<vmem>>, vector<1x16xf32>,
          %parallel_loop3A_168 = vector.shape_cast %parallel_loop3A_167 : vector<1x16xf32> to vector<16xf32>
          %parallel_loop3A_169 = arith.index_cast %parallel_loop3A_136 : i32 to index
          %parallel_loop3A_170 = arith.constant 32 : index
          %parallel_loop3A_171 = tpu.vector_load %arg13[%parallel_loop3A_169, %parallel_loop3A_170] {strides = array<i32>} : memref<80x128xf32, #tpu.memory_space<vmem>>, vector<1x16xf32>,
          %parallel_loop3A_172 = vector.shape_cast %parallel_loop3A_171 : vector<1x16xf32> to vector<16xf32>
          %parallel_loop3A_173 = arith.addf %parallel_loop3A_168, %parallel_loop3A_172 : vector<16xf32>
          %parallel_loop3A_174 = arith.index_cast %parallel_loop3A_136 : i32 to index
          %parallel_loop3A_175 = arith.constant 32 : index
          %parallel_loop3A_176 = tpu.vector_load %arg14[%parallel_loop3A_174, %parallel_loop3A_175] {strides = array<i32>} : memref<80x128xf32, #tpu.memory_space<vmem>>, vector<1x16xf32>,
          %parallel_loop3A_177 = vector.shape_cast %parallel_loop3A_176 : vector<1x16xf32> to vector<16xf32>
          %parallel_loop3A_178 = vector.shape_cast %parallel_loop3A_173 : vector<16xf32> to vector<1x16xf32>
          tpu.vector_store %arg14[%parallel_loop3A_174, %parallel_loop3A_175], %parallel_loop3A_178 {strides = array<i32>} : memref<80x128xf32, #tpu.memory_space<vmem>>, vector<1x16xf32>,
          %parallel_loop3A_179 = arith.index_cast %parallel_loop3A_136 : i32 to index
          %parallel_loop3A_180 = arith.constant 48 : index
          %parallel_loop3A_181 = tpu.vector_load %arg12[%parallel_loop3A_179, %parallel_loop3A_180] {strides = array<i32>} : memref<80x128xf32, #tpu.memory_space<vmem>>, vector<1x16xf32>,
          %parallel_loop3A_182 = vector.shape_cast %parallel_loop3A_181 : vector<1x16xf32> to vector<16xf32>
          %parallel_loop3A_183 = arith.index_cast %parallel_loop3A_136 : i32 to index
          %parallel_loop3A_184 = arith.constant 48 : index
          %parallel_loop3A_185 = tpu.vector_load %arg13[%parallel_loop3A_183, %parallel_loop3A_184] {strides = array<i32>} : memref<80x128xf32, #tpu.memory_space<vmem>>, vector<1x16xf32>,
          %parallel_loop3A_186 = vector.shape_cast %parallel_loop3A_185 : vector<1x16xf32> to vector<16xf32>
          %parallel_loop3A_187 = arith.addf %parallel_loop3A_182, %parallel_loop3A_186 : vector<16xf32>
          %parallel_loop3A_188 = arith.index_cast %parallel_loop3A_136 : i32 to index
          %parallel_loop3A_189 = arith.constant 48 : index
          %parallel_loop3A_190 = tpu.vector_load %arg14[%parallel_loop3A_188, %parallel_loop3A_189] {strides = array<i32>} : memref<80x128xf32, #tpu.memory_space<vmem>>, vector<1x16xf32>,
          %parallel_loop3A_191 = vector.shape_cast %parallel_loop3A_190 : vector<1x16xf32> to vector<16xf32>
          %parallel_loop3A_192 = vector.shape_cast %parallel_loop3A_187 : vector<16xf32> to vector<1x16xf32>
          tpu.vector_store %arg14[%parallel_loop3A_188, %parallel_loop3A_189], %parallel_loop3A_192 {strides = array<i32>} : memref<80x128xf32, #tpu.memory_space<vmem>>, vector<1x16xf32>,
          %parallel_loop3A_193 = arith.index_cast %parallel_loop3A_136 : i32 to index
          %parallel_loop3A_194 = arith.constant 64 : index
          %parallel_loop3A_195 = tpu.vector_load %arg12[%parallel_loop3A_193, %parallel_loop3A_194] {strides = array<i32>} : memref<80x128xf32, #tpu.memory_space<vmem>>, vector<1x16xf32>,
          %parallel_loop3A_196 = vector.shape_cast %parallel_loop3A_195 : vector<1x16xf32> to vector<16xf32>
          %parallel_loop3A_197 = arith.index_cast %parallel_loop3A_136 : i32 to index
          %parallel_loop3A_198 = arith.constant 64 : index
          %parallel_loop3A_199 = tpu.vector_load %arg13[%parallel_loop3A_197, %parallel_loop3A_198] {strides = array<i32>} : memref<80x128xf32, #tpu.memory_space<vmem>>, vector<1x16xf32>,
          %parallel_loop3A_200 = vector.shape_cast %parallel_loop3A_199 : vector<1x16xf32> to vector<16xf32>
          %parallel_loop3A_201 = arith.addf %parallel_loop3A_196, %parallel_loop3A_200 : vector<16xf32>
          %parallel_loop3A_202 = arith.index_cast %parallel_loop3A_136 : i32 to index
          %parallel_loop3A_203 = arith.constant 64 : index
          %parallel_loop3A_204 = tpu.vector_load %arg14[%parallel_loop3A_202, %parallel_loop3A_203] {strides = array<i32>} : memref<80x128xf32, #tpu.memory_space<vmem>>, vector<1x16xf32>,
          %parallel_loop3A_205 = vector.shape_cast %parallel_loop3A_204 : vector<1x16xf32> to vector<16xf32>
          %parallel_loop3A_206 = vector.shape_cast %parallel_loop3A_201 : vector<16xf32> to vector<1x16xf32>
          tpu.vector_store %arg14[%parallel_loop3A_202, %parallel_loop3A_203], %parallel_loop3A_206 {strides = array<i32>} : memref<80x128xf32, #tpu.memory_space<vmem>>, vector<1x16xf32>,
          %parallel_loop3A_207 = arith.index_cast %parallel_loop3A_136 : i32 to index
          %parallel_loop3A_208 = arith.constant 80 : index
          %parallel_loop3A_209 = tpu.vector_load %arg12[%parallel_loop3A_207, %parallel_loop3A_208] {strides = array<i32>} : memref<80x128xf32, #tpu.memory_space<vmem>>, vector<1x16xf32>,
          %parallel_loop3A_210 = vector.shape_cast %parallel_loop3A_209 : vector<1x16xf32> to vector<16xf32>
          %parallel_loop3A_211 = arith.index_cast %parallel_loop3A_136 : i32 to index
          %parallel_loop3A_212 = arith.constant 80 : index
          %parallel_loop3A_213 = tpu.vector_load %arg13[%parallel_loop3A_211, %parallel_loop3A_212] {strides = array<i32>} : memref<80x128xf32, #tpu.memory_space<vmem>>, vector<1x16xf32>,
          %parallel_loop3A_214 = vector.shape_cast %parallel_loop3A_213 : vector<1x16xf32> to vector<16xf32>
          %parallel_loop3A_215 = arith.addf %parallel_loop3A_210, %parallel_loop3A_214 : vector<16xf32>
          %parallel_loop3A_216 = arith.index_cast %parallel_loop3A_136 : i32 to index
          %parallel_loop3A_217 = arith.constant 80 : index
          %parallel_loop3A_218 = tpu.vector_load %arg14[%parallel_loop3A_216, %parallel_loop3A_217] {strides = array<i32>} : memref<80x128xf32, #tpu.memory_space<vmem>>, vector<1x16xf32>,
          %parallel_loop3A_219 = vector.shape_cast %parallel_loop3A_218 : vector<1x16xf32> to vector<16xf32>
          %parallel_loop3A_220 = vector.shape_cast %parallel_loop3A_215 : vector<16xf32> to vector<1x16xf32>
          tpu.vector_store %arg14[%parallel_loop3A_216, %parallel_loop3A_217], %parallel_loop3A_220 {strides = array<i32>} : memref<80x128xf32, #tpu.memory_space<vmem>>, vector<1x16xf32>,
          %parallel_loop3A_221 = arith.index_cast %parallel_loop3A_136 : i32 to index
          %parallel_loop3A_222 = arith.constant 96 : index
          %parallel_loop3A_223 = tpu.vector_load %arg12[%parallel_loop3A_221, %parallel_loop3A_222] {strides = array<i32>} : memref<80x128xf32, #tpu.memory_space<vmem>>, vector<1x16xf32>,
          %parallel_loop3A_224 = vector.shape_cast %parallel_loop3A_223 : vector<1x16xf32> to vector<16xf32>
          %parallel_loop3A_225 = arith.index_cast %parallel_loop3A_136 : i32 to index
          %parallel_loop3A_226 = arith.constant 96 : index
          %parallel_loop3A_227 = tpu.vector_load %arg13[%parallel_loop3A_225, %parallel_loop3A_226] {strides = array<i32>} : memref<80x128xf32, #tpu.memory_space<vmem>>, vector<1x16xf32>,
          %parallel_loop3A_228 = vector.shape_cast %parallel_loop3A_227 : vector<1x16xf32> to vector<16xf32>
          %parallel_loop3A_229 = arith.addf %parallel_loop3A_224, %parallel_loop3A_228 : vector<16xf32>
          %parallel_loop3A_230 = arith.index_cast %parallel_loop3A_136 : i32 to index
          %parallel_loop3A_231 = arith.constant 96 : index
          %parallel_loop3A_232 = tpu.vector_load %arg14[%parallel_loop3A_230, %parallel_loop3A_231] {strides = array<i32>} : memref<80x128xf32, #tpu.memory_space<vmem>>, vector<1x16xf32>,
          %parallel_loop3A_233 = vector.shape_cast %parallel_loop3A_232 : vector<1x16xf32> to vector<16xf32>
          %parallel_loop3A_234 = vector.shape_cast %parallel_loop3A_229 : vector<16xf32> to vector<1x16xf32>
          tpu.vector_store %arg14[%parallel_loop3A_230, %parallel_loop3A_231], %parallel_loop3A_234 {strides = array<i32>} : memref<80x128xf32, #tpu.memory_space<vmem>>, vector<1x16xf32>,
          %parallel_loop3A_235 = arith.index_cast %parallel_loop3A_136 : i32 to index
          %parallel_loop3A_236 = arith.constant 112 : index
          %parallel_loop3A_237 = tpu.vector_load %arg12[%parallel_loop3A_235, %parallel_loop3A_236] {strides = array<i32>} : memref<80x128xf32, #tpu.memory_space<vmem>>, vector<1x16xf32>,
          %parallel_loop3A_238 = vector.shape_cast %parallel_loop3A_237 : vector<1x16xf32> to vector<16xf32>
          %parallel_loop3A_239 = arith.index_cast %parallel_loop3A_136 : i32 to index
          %parallel_loop3A_240 = arith.constant 112 : index
          %parallel_loop3A_241 = tpu.vector_load %arg13[%parallel_loop3A_239, %parallel_loop3A_240] {strides = array<i32>} : memref<80x128xf32, #tpu.memory_space<vmem>>, vector<1x16xf32>,
          %parallel_loop3A_242 = vector.shape_cast %parallel_loop3A_241 : vector<1x16xf32> to vector<16xf32>
          %parallel_loop3A_243 = arith.addf %parallel_loop3A_238, %parallel_loop3A_242 : vector<16xf32>
          %parallel_loop3A_244 = arith.index_cast %parallel_loop3A_136 : i32 to index
          %parallel_loop3A_245 = arith.constant 112 : index
          %parallel_loop3A_246 = tpu.vector_load %arg14[%parallel_loop3A_244, %parallel_loop3A_245] {strides = array<i32>} : memref<80x128xf32, #tpu.memory_space<vmem>>, vector<1x16xf32>,
          %parallel_loop3A_247 = vector.shape_cast %parallel_loop3A_246 : vector<1x16xf32> to vector<16xf32>
          %parallel_loop3A_248 = vector.shape_cast %parallel_loop3A_243 : vector<16xf32> to vector<1x16xf32>
          tpu.vector_store %arg14[%parallel_loop3A_244, %parallel_loop3A_245], %parallel_loop3A_248 {strides = array<i32>} : memref<80x128xf32, #tpu.memory_space<vmem>>, vector<1x16xf32>,
        } {sc.loop_unroll_factor = 4 : i64, sc.parallel_access}
        %mul3A_122 = arith.constant 80 : i32
        %mul3A_123 = arith.muli %add3A_82, %mul3A_122 : i32
        %add3A_124 = arith.addi %add3A_4, %mul3A_123 : i32
        %dma_start3A_125 = arith.constant 0 : i32
        %dma_start3A_126 = tpu.memref_slice %arg6[%add3A_124, %dma_start3A_125] : memref<320000x128xf32, #tpu.memory_space<hbm>> -> memref<80x128xf32, #tpu.memory_space<hbm>>
        %dma_start3A_127 = arith.constant 0 : i32
        %dma_start3A_128 = tpu.memref_slice %arg6[%add3A_124, %dma_start3A_127] : memref<320000x128xf32, #tpu.memory_space<hbm>> -> memref<80x128xf32, #tpu.memory_space<hbm>>
        tpu.enqueue_dma source(%arg14 : memref<80x128xf32, #tpu.memory_space<vmem>>) target(%dma_start3A_128 : memref<80x128xf32, #tpu.memory_space<hbm>>) target_semaphore(%arg24 : memref<!tpu.dma_semaphore, #tpu.memory_space<semaphore_mem>>)
        %add3A_129 = arith.constant 4 : i32
        %add3A_130 = arith.addi %add3A_82, %add3A_129 : i32
        %lt3A_131 = arith.constant 25 : i32
        %lt3A_132 = arith.cmpi slt, %add3A_130, %lt3A_131 : i32
        %convert_element_type3A_133 = arith.extui %lt3A_132 : i1 to i32
        %cond3A_134 = arith.constant 0 : i32
        %cond3A_135 = arith.cmpi ne, %convert_element_type3A_133, %cond3A_134 : i32
        scf.if %cond3A_135 {
          %add3A_136 = arith.constant 4 : i32
          %add3A_137 = arith.addi %add3A_82, %add3A_136 : i32
          %mul3A_138 = arith.constant 80 : i32
          %mul3A_139 = arith.muli %add3A_137, %mul3A_138 : i32
          %dma_start3A_140 = tpu.memref_slice %arg7[%mul3A_139] : memref<2000xi32, #tpu.memory_space<vmem>> -> memref<80xi32, #tpu.memory_space<vmem>>
          %dma_start3A_141 = arith.constant 0 : i32
          %dma_start3A_142 = arith.constant 0 : i32
          %dma_start3A_143 = tpu.memref_slice %arg2[%dma_start3A_141, %dma_start3A_142] : memref<10000x128xf32, #tpu.memory_space<hbm>> -> memref<10000x128xf32, #tpu.memory_space<hbm>>
          tpu.enqueue_indirect_dma source(%dma_start3A_143 : memref<10000x128xf32, #tpu.memory_space<hbm>>) target(%arg12 : memref<80x128xf32, #tpu.memory_space<vmem>>) offsets(%dma_start3A_140 : memref<80xi32, #tpu.memory_space<vmem>>) semaphore(%arg23 : memref<!tpu.dma_semaphore, #tpu.memory_space<semaphore_mem>>)
          %dma_start3A_144 = tpu.memref_slice %arg8[%mul3A_139] : memref<2000xi32, #tpu.memory_space<vmem>> -> memref<80xi32, #tpu.memory_space<vmem>>
          %dma_start3A_145 = arith.constant 0 : i32
          %dma_start3A_146 = arith.constant 0 : i32
          %dma_start3A_147 = tpu.memref_slice %arg3[%dma_start3A_145, %dma_start3A_146] : memref<10000x128xf32, #tpu.memory_space<hbm>> -> memref<10000x128xf32, #tpu.memory_space<hbm>>
          tpu.enqueue_indirect_dma source(%dma_start3A_147 : memref<10000x128xf32, #tpu.memory_space<hbm>>) target(%arg13 : memref<80x128xf32, #tpu.memory_space<vmem>>) offsets(%dma_start3A_144 : memref<80xi32, #tpu.memory_space<vmem>>) semaphore(%arg23 : memref<!tpu.dma_semaphore, #tpu.memory_space<semaphore_mem>>)
        } else {
        }
      } else {
      }
      %mul3A_88 = arith.constant 4 : i32
      %mul3A_89 = arith.muli %mul3A_88, %scan3A_72 : i32
      %add3A_90 = arith.constant 2 : i32
      %add3A_91 = arith.addi %mul3A_89, %add3A_90 : i32
      %lt3A_92 = arith.constant 25 : i32
      %lt3A_93 = arith.cmpi slt, %add3A_91, %lt3A_92 : i32
      %convert_element_type3A_94 = arith.extui %lt3A_93 : i1 to i32
      %cond3A_95 = arith.constant 0 : i32
      %cond3A_96 = arith.cmpi ne, %convert_element_type3A_94, %cond3A_95 : i32
      scf.if %cond3A_96 {
        %dma_wait3A_106 = arith.constant 0 : i32
        %dma_wait3A_107 = tpu.memref_slice %arg7[%dma_wait3A_106] : memref<2000xi32, #tpu.memory_space<vmem>> -> memref<80xi32, #tpu.memory_space<vmem>>
        %dma_wait3A_108 = arith.constant 0 : i32
        %dma_wait3A_109 = arith.constant 0 : i32
        %dma_wait3A_110 = tpu.memref_slice %arg2[%dma_wait3A_108, %dma_wait3A_109] : memref<10000x128xf32, #tpu.memory_space<hbm>> -> memref<10000x128xf32, #tpu.memory_space<hbm>>
        tpu.wait_indirect_dma semaphore(%arg25 : memref<!tpu.dma_semaphore, #tpu.memory_space<semaphore_mem>>) src(%dma_wait3A_110 : memref<10000x128xf32, #tpu.memory_space<hbm>>) dst(%arg15 : memref<80x128xf32, #tpu.memory_space<vmem>>)
        %dma_wait3A_111 = arith.constant 0 : i32
        %dma_wait3A_112 = tpu.memref_slice %arg8[%dma_wait3A_111] : memref<2000xi32, #tpu.memory_space<vmem>> -> memref<80xi32, #tpu.memory_space<vmem>>
        %dma_wait3A_113 = arith.constant 0 : i32
        %dma_wait3A_114 = arith.constant 0 : i32
        %dma_wait3A_115 = tpu.memref_slice %arg3[%dma_wait3A_113, %dma_wait3A_114] : memref<10000x128xf32, #tpu.memory_space<hbm>> -> memref<10000x128xf32, #tpu.memory_space<hbm>>
        tpu.wait_indirect_dma semaphore(%arg25 : memref<!tpu.dma_semaphore, #tpu.memory_space<semaphore_mem>>) src(%dma_wait3A_115 : memref<10000x128xf32, #tpu.memory_space<hbm>>) dst(%arg16 : memref<80x128xf32, #tpu.memory_space<vmem>>)
        %ge3A = arith.constant 4 : i32
        %ge3A_116 = arith.cmpi sge, %add3A_91, %ge3A : i32
        %convert_element_type3A_117 = arith.extui %ge3A_116 : i1 to i32
        %cond3A_118 = arith.constant 0 : i32
        %cond3A_119 = arith.cmpi ne, %convert_element_type3A_117, %cond3A_118 : i32
        scf.if %cond3A_119 {
          %dma_wait3A_136 = arith.constant 0 : i32
          %dma_wait3A_137 = arith.constant 0 : i32
          %dma_wait3A_138 = tpu.memref_slice %arg6[%dma_wait3A_136, %dma_wait3A_137] : memref<320000x128xf32, #tpu.memory_space<hbm>> -> memref<80x128xf32, #tpu.memory_space<hbm>>
          %dma_wait3A_139 = arith.constant 0 : i32
          %dma_wait3A_140 = arith.constant 0 : i32
          %dma_wait3A_141 = tpu.memref_slice %arg6[%dma_wait3A_139, %dma_wait3A_140] : memref<320000x128xf32, #tpu.memory_space<hbm>> -> memref<80x128xf32, #tpu.memory_space<hbm>>
          tpu.wait_dma2 semaphore(%arg26 : memref<!tpu.dma_semaphore, #tpu.memory_space<semaphore_mem>>) src(%arg17 : memref<80x128xf32, #tpu.memory_space<vmem>>) dst(%dma_wait3A_141 : memref<80x128xf32, #tpu.memory_space<hbm>>)
        } else {
        }
        %parallel_loop3A = arith.constant 0 : i32
        %parallel_loop3A_120 = arith.constant 80 : i32
        %parallel_loop3A_121 = arith.constant 1 : i32
        scf.for %parallel_loop3A_136 = %parallel_loop3A to %parallel_loop3A_120 step %parallel_loop3A_121  : i32 {
          %parallel_loop3A_137 = arith.index_cast %parallel_loop3A_136 : i32 to index
          %parallel_loop3A_138 = arith.constant 0 : index
          %parallel_loop3A_139 = tpu.vector_load %arg15[%parallel_loop3A_137, %parallel_loop3A_138] {strides = array<i32>} : memref<80x128xf32, #tpu.memory_space<vmem>>, vector<1x16xf32>,
          %parallel_loop3A_140 = vector.shape_cast %parallel_loop3A_139 : vector<1x16xf32> to vector<16xf32>
          %parallel_loop3A_141 = arith.index_cast %parallel_loop3A_136 : i32 to index
          %parallel_loop3A_142 = arith.constant 0 : index
          %parallel_loop3A_143 = tpu.vector_load %arg16[%parallel_loop3A_141, %parallel_loop3A_142] {strides = array<i32>} : memref<80x128xf32, #tpu.memory_space<vmem>>, vector<1x16xf32>,
          %parallel_loop3A_144 = vector.shape_cast %parallel_loop3A_143 : vector<1x16xf32> to vector<16xf32>
          %parallel_loop3A_145 = arith.addf %parallel_loop3A_140, %parallel_loop3A_144 : vector<16xf32>
          %parallel_loop3A_146 = arith.index_cast %parallel_loop3A_136 : i32 to index
          %parallel_loop3A_147 = arith.constant 0 : index
          %parallel_loop3A_148 = tpu.vector_load %arg17[%parallel_loop3A_146, %parallel_loop3A_147] {strides = array<i32>} : memref<80x128xf32, #tpu.memory_space<vmem>>, vector<1x16xf32>,
          %parallel_loop3A_149 = vector.shape_cast %parallel_loop3A_148 : vector<1x16xf32> to vector<16xf32>
          %parallel_loop3A_150 = vector.shape_cast %parallel_loop3A_145 : vector<16xf32> to vector<1x16xf32>
          tpu.vector_store %arg17[%parallel_loop3A_146, %parallel_loop3A_147], %parallel_loop3A_150 {strides = array<i32>} : memref<80x128xf32, #tpu.memory_space<vmem>>, vector<1x16xf32>,
          %parallel_loop3A_151 = arith.index_cast %parallel_loop3A_136 : i32 to index
          %parallel_loop3A_152 = arith.constant 16 : index
          %parallel_loop3A_153 = tpu.vector_load %arg15[%parallel_loop3A_151, %parallel_loop3A_152] {strides = array<i32>} : memref<80x128xf32, #tpu.memory_space<vmem>>, vector<1x16xf32>,
          %parallel_loop3A_154 = vector.shape_cast %parallel_loop3A_153 : vector<1x16xf32> to vector<16xf32>
          %parallel_loop3A_155 = arith.index_cast %parallel_loop3A_136 : i32 to index
          %parallel_loop3A_156 = arith.constant 16 : index
          %parallel_loop3A_157 = tpu.vector_load %arg16[%parallel_loop3A_155, %parallel_loop3A_156] {strides = array<i32>} : memref<80x128xf32, #tpu.memory_space<vmem>>, vector<1x16xf32>,
          %parallel_loop3A_158 = vector.shape_cast %parallel_loop3A_157 : vector<1x16xf32> to vector<16xf32>
          %parallel_loop3A_159 = arith.addf %parallel_loop3A_154, %parallel_loop3A_158 : vector<16xf32>
          %parallel_loop3A_160 = arith.index_cast %parallel_loop3A_136 : i32 to index
          %parallel_loop3A_161 = arith.constant 16 : index
          %parallel_loop3A_162 = tpu.vector_load %arg17[%parallel_loop3A_160, %parallel_loop3A_161] {strides = array<i32>} : memref<80x128xf32, #tpu.memory_space<vmem>>, vector<1x16xf32>,
          %parallel_loop3A_163 = vector.shape_cast %parallel_loop3A_162 : vector<1x16xf32> to vector<16xf32>
          %parallel_loop3A_164 = vector.shape_cast %parallel_loop3A_159 : vector<16xf32> to vector<1x16xf32>
          tpu.vector_store %arg17[%parallel_loop3A_160, %parallel_loop3A_161], %parallel_loop3A_164 {strides = array<i32>} : memref<80x128xf32, #tpu.memory_space<vmem>>, vector<1x16xf32>,
          %parallel_loop3A_165 = arith.index_cast %parallel_loop3A_136 : i32 to index
          %parallel_loop3A_166 = arith.constant 32 : index
          %parallel_loop3A_167 = tpu.vector_load %arg15[%parallel_loop3A_165, %parallel_loop3A_166] {strides = array<i32>} : memref<80x128xf32, #tpu.memory_space<vmem>>, vector<1x16xf32>,
          %parallel_loop3A_168 = vector.shape_cast %parallel_loop3A_167 : vector<1x16xf32> to vector<16xf32>
          %parallel_loop3A_169 = arith.index_cast %parallel_loop3A_136 : i32 to index
          %parallel_loop3A_170 = arith.constant 32 : index
          %parallel_loop3A_171 = tpu.vector_load %arg16[%parallel_loop3A_169, %parallel_loop3A_170] {strides = array<i32>} : memref<80x128xf32, #tpu.memory_space<vmem>>, vector<1x16xf32>,
          %parallel_loop3A_172 = vector.shape_cast %parallel_loop3A_171 : vector<1x16xf32> to vector<16xf32>
          %parallel_loop3A_173 = arith.addf %parallel_loop3A_168, %parallel_loop3A_172 : vector<16xf32>
          %parallel_loop3A_174 = arith.index_cast %parallel_loop3A_136 : i32 to index
          %parallel_loop3A_175 = arith.constant 32 : index
          %parallel_loop3A_176 = tpu.vector_load %arg17[%parallel_loop3A_174, %parallel_loop3A_175] {strides = array<i32>} : memref<80x128xf32, #tpu.memory_space<vmem>>, vector<1x16xf32>,
          %parallel_loop3A_177 = vector.shape_cast %parallel_loop3A_176 : vector<1x16xf32> to vector<16xf32>
          %parallel_loop3A_178 = vector.shape_cast %parallel_loop3A_173 : vector<16xf32> to vector<1x16xf32>
          tpu.vector_store %arg17[%parallel_loop3A_174, %parallel_loop3A_175], %parallel_loop3A_178 {strides = array<i32>} : memref<80x128xf32, #tpu.memory_space<vmem>>, vector<1x16xf32>,
          %parallel_loop3A_179 = arith.index_cast %parallel_loop3A_136 : i32 to index
          %parallel_loop3A_180 = arith.constant 48 : index
          %parallel_loop3A_181 = tpu.vector_load %arg15[%parallel_loop3A_179, %parallel_loop3A_180] {strides = array<i32>} : memref<80x128xf32, #tpu.memory_space<vmem>>, vector<1x16xf32>,
          %parallel_loop3A_182 = vector.shape_cast %parallel_loop3A_181 : vector<1x16xf32> to vector<16xf32>
          %parallel_loop3A_183 = arith.index_cast %parallel_loop3A_136 : i32 to index
          %parallel_loop3A_184 = arith.constant 48 : index
          %parallel_loop3A_185 = tpu.vector_load %arg16[%parallel_loop3A_183, %parallel_loop3A_184] {strides = array<i32>} : memref<80x128xf32, #tpu.memory_space<vmem>>, vector<1x16xf32>,
          %parallel_loop3A_186 = vector.shape_cast %parallel_loop3A_185 : vector<1x16xf32> to vector<16xf32>
          %parallel_loop3A_187 = arith.addf %parallel_loop3A_182, %parallel_loop3A_186 : vector<16xf32>
          %parallel_loop3A_188 = arith.index_cast %parallel_loop3A_136 : i32 to index
          %parallel_loop3A_189 = arith.constant 48 : index
          %parallel_loop3A_190 = tpu.vector_load %arg17[%parallel_loop3A_188, %parallel_loop3A_189] {strides = array<i32>} : memref<80x128xf32, #tpu.memory_space<vmem>>, vector<1x16xf32>,
          %parallel_loop3A_191 = vector.shape_cast %parallel_loop3A_190 : vector<1x16xf32> to vector<16xf32>
          %parallel_loop3A_192 = vector.shape_cast %parallel_loop3A_187 : vector<16xf32> to vector<1x16xf32>
          tpu.vector_store %arg17[%parallel_loop3A_188, %parallel_loop3A_189], %parallel_loop3A_192 {strides = array<i32>} : memref<80x128xf32, #tpu.memory_space<vmem>>, vector<1x16xf32>,
          %parallel_loop3A_193 = arith.index_cast %parallel_loop3A_136 : i32 to index
          %parallel_loop3A_194 = arith.constant 64 : index
          %parallel_loop3A_195 = tpu.vector_load %arg15[%parallel_loop3A_193, %parallel_loop3A_194] {strides = array<i32>} : memref<80x128xf32, #tpu.memory_space<vmem>>, vector<1x16xf32>,
          %parallel_loop3A_196 = vector.shape_cast %parallel_loop3A_195 : vector<1x16xf32> to vector<16xf32>
          %parallel_loop3A_197 = arith.index_cast %parallel_loop3A_136 : i32 to index
          %parallel_loop3A_198 = arith.constant 64 : index
          %parallel_loop3A_199 = tpu.vector_load %arg16[%parallel_loop3A_197, %parallel_loop3A_198] {strides = array<i32>} : memref<80x128xf32, #tpu.memory_space<vmem>>, vector<1x16xf32>,
          %parallel_loop3A_200 = vector.shape_cast %parallel_loop3A_199 : vector<1x16xf32> to vector<16xf32>
          %parallel_loop3A_201 = arith.addf %parallel_loop3A_196, %parallel_loop3A_200 : vector<16xf32>
          %parallel_loop3A_202 = arith.index_cast %parallel_loop3A_136 : i32 to index
          %parallel_loop3A_203 = arith.constant 64 : index
          %parallel_loop3A_204 = tpu.vector_load %arg17[%parallel_loop3A_202, %parallel_loop3A_203] {strides = array<i32>} : memref<80x128xf32, #tpu.memory_space<vmem>>, vector<1x16xf32>,
          %parallel_loop3A_205 = vector.shape_cast %parallel_loop3A_204 : vector<1x16xf32> to vector<16xf32>
          %parallel_loop3A_206 = vector.shape_cast %parallel_loop3A_201 : vector<16xf32> to vector<1x16xf32>
          tpu.vector_store %arg17[%parallel_loop3A_202, %parallel_loop3A_203], %parallel_loop3A_206 {strides = array<i32>} : memref<80x128xf32, #tpu.memory_space<vmem>>, vector<1x16xf32>,
          %parallel_loop3A_207 = arith.index_cast %parallel_loop3A_136 : i32 to index
          %parallel_loop3A_208 = arith.constant 80 : index
          %parallel_loop3A_209 = tpu.vector_load %arg15[%parallel_loop3A_207, %parallel_loop3A_208] {strides = array<i32>} : memref<80x128xf32, #tpu.memory_space<vmem>>, vector<1x16xf32>,
          %parallel_loop3A_210 = vector.shape_cast %parallel_loop3A_209 : vector<1x16xf32> to vector<16xf32>
          %parallel_loop3A_211 = arith.index_cast %parallel_loop3A_136 : i32 to index
          %parallel_loop3A_212 = arith.constant 80 : index
          %parallel_loop3A_213 = tpu.vector_load %arg16[%parallel_loop3A_211, %parallel_loop3A_212] {strides = array<i32>} : memref<80x128xf32, #tpu.memory_space<vmem>>, vector<1x16xf32>,
          %parallel_loop3A_214 = vector.shape_cast %parallel_loop3A_213 : vector<1x16xf32> to vector<16xf32>
          %parallel_loop3A_215 = arith.addf %parallel_loop3A_210, %parallel_loop3A_214 : vector<16xf32>
          %parallel_loop3A_216 = arith.index_cast %parallel_loop3A_136 : i32 to index
          %parallel_loop3A_217 = arith.constant 80 : index
          %parallel_loop3A_218 = tpu.vector_load %arg17[%parallel_loop3A_216, %parallel_loop3A_217] {strides = array<i32>} : memref<80x128xf32, #tpu.memory_space<vmem>>, vector<1x16xf32>,
          %parallel_loop3A_219 = vector.shape_cast %parallel_loop3A_218 : vector<1x16xf32> to vector<16xf32>
          %parallel_loop3A_220 = vector.shape_cast %parallel_loop3A_215 : vector<16xf32> to vector<1x16xf32>
          tpu.vector_store %arg17[%parallel_loop3A_216, %parallel_loop3A_217], %parallel_loop3A_220 {strides = array<i32>} : memref<80x128xf32, #tpu.memory_space<vmem>>, vector<1x16xf32>,
          %parallel_loop3A_221 = arith.index_cast %parallel_loop3A_136 : i32 to index
          %parallel_loop3A_222 = arith.constant 96 : index
          %parallel_loop3A_223 = tpu.vector_load %arg15[%parallel_loop3A_221, %parallel_loop3A_222] {strides = array<i32>} : memref<80x128xf32, #tpu.memory_space<vmem>>, vector<1x16xf32>,
          %parallel_loop3A_224 = vector.shape_cast %parallel_loop3A_223 : vector<1x16xf32> to vector<16xf32>
          %parallel_loop3A_225 = arith.index_cast %parallel_loop3A_136 : i32 to index
          %parallel_loop3A_226 = arith.constant 96 : index
          %parallel_loop3A_227 = tpu.vector_load %arg16[%parallel_loop3A_225, %parallel_loop3A_226] {strides = array<i32>} : memref<80x128xf32, #tpu.memory_space<vmem>>, vector<1x16xf32>,
          %parallel_loop3A_228 = vector.shape_cast %parallel_loop3A_227 : vector<1x16xf32> to vector<16xf32>
          %parallel_loop3A_229 = arith.addf %parallel_loop3A_224, %parallel_loop3A_228 : vector<16xf32>
          %parallel_loop3A_230 = arith.index_cast %parallel_loop3A_136 : i32 to index
          %parallel_loop3A_231 = arith.constant 96 : index
          %parallel_loop3A_232 = tpu.vector_load %arg17[%parallel_loop3A_230, %parallel_loop3A_231] {strides = array<i32>} : memref<80x128xf32, #tpu.memory_space<vmem>>, vector<1x16xf32>,
          %parallel_loop3A_233 = vector.shape_cast %parallel_loop3A_232 : vector<1x16xf32> to vector<16xf32>
          %parallel_loop3A_234 = vector.shape_cast %parallel_loop3A_229 : vector<16xf32> to vector<1x16xf32>
          tpu.vector_store %arg17[%parallel_loop3A_230, %parallel_loop3A_231], %parallel_loop3A_234 {strides = array<i32>} : memref<80x128xf32, #tpu.memory_space<vmem>>, vector<1x16xf32>,
          %parallel_loop3A_235 = arith.index_cast %parallel_loop3A_136 : i32 to index
          %parallel_loop3A_236 = arith.constant 112 : index
          %parallel_loop3A_237 = tpu.vector_load %arg15[%parallel_loop3A_235, %parallel_loop3A_236] {strides = array<i32>} : memref<80x128xf32, #tpu.memory_space<vmem>>, vector<1x16xf32>,
          %parallel_loop3A_238 = vector.shape_cast %parallel_loop3A_237 : vector<1x16xf32> to vector<16xf32>
          %parallel_loop3A_239 = arith.index_cast %parallel_loop3A_136 : i32 to index
          %parallel_loop3A_240 = arith.constant 112 : index
          %parallel_loop3A_241 = tpu.vector_load %arg16[%parallel_loop3A_239, %parallel_loop3A_240] {strides = array<i32>} : memref<80x128xf32, #tpu.memory_space<vmem>>, vector<1x16xf32>,
          %parallel_loop3A_242 = vector.shape_cast %parallel_loop3A_241 : vector<1x16xf32> to vector<16xf32>
          %parallel_loop3A_243 = arith.addf %parallel_loop3A_238, %parallel_loop3A_242 : vector<16xf32>
          %parallel_loop3A_244 = arith.index_cast %parallel_loop3A_136 : i32 to index
          %parallel_loop3A_245 = arith.constant 112 : index
          %parallel_loop3A_246 = tpu.vector_load %arg17[%parallel_loop3A_244, %parallel_loop3A_245] {strides = array<i32>} : memref<80x128xf32, #tpu.memory_space<vmem>>, vector<1x16xf32>,
          %parallel_loop3A_247 = vector.shape_cast %parallel_loop3A_246 : vector<1x16xf32> to vector<16xf32>
          %parallel_loop3A_248 = vector.shape_cast %parallel_loop3A_243 : vector<16xf32> to vector<1x16xf32>
          tpu.vector_store %arg17[%parallel_loop3A_244, %parallel_loop3A_245], %parallel_loop3A_248 {strides = array<i32>} : memref<80x128xf32, #tpu.memory_space<vmem>>, vector<1x16xf32>,
        } {sc.loop_unroll_factor = 4 : i64, sc.parallel_access}
        %mul3A_122 = arith.constant 80 : i32
        %mul3A_123 = arith.muli %add3A_91, %mul3A_122 : i32
        %add3A_124 = arith.addi %add3A_4, %mul3A_123 : i32
        %dma_start3A_125 = arith.constant 0 : i32
        %dma_start3A_126 = tpu.memref_slice %arg6[%add3A_124, %dma_start3A_125] : memref<320000x128xf32, #tpu.memory_space<hbm>> -> memref<80x128xf32, #tpu.memory_space<hbm>>
        %dma_start3A_127 = arith.constant 0 : i32
        %dma_start3A_128 = tpu.memref_slice %arg6[%add3A_124, %dma_start3A_127] : memref<320000x128xf32, #tpu.memory_space<hbm>> -> memref<80x128xf32, #tpu.memory_space<hbm>>
        tpu.enqueue_dma source(%arg17 : memref<80x128xf32, #tpu.memory_space<vmem>>) target(%dma_start3A_128 : memref<80x128xf32, #tpu.memory_space<hbm>>) target_semaphore(%arg26 : memref<!tpu.dma_semaphore, #tpu.memory_space<semaphore_mem>>)
        %add3A_129 = arith.constant 4 : i32
        %add3A_130 = arith.addi %add3A_91, %add3A_129 : i32
        %lt3A_131 = arith.constant 25 : i32
        %lt3A_132 = arith.cmpi slt, %add3A_130, %lt3A_131 : i32
        %convert_element_type3A_133 = arith.extui %lt3A_132 : i1 to i32
        %cond3A_134 = arith.constant 0 : i32
        %cond3A_135 = arith.cmpi ne, %convert_element_type3A_133, %cond3A_134 : i32
        scf.if %cond3A_135 {
          %add3A_136 = arith.constant 4 : i32
          %add3A_137 = arith.addi %add3A_91, %add3A_136 : i32
          %mul3A_138 = arith.constant 80 : i32
          %mul3A_139 = arith.muli %add3A_137, %mul3A_138 : i32
          %dma_start3A_140 = tpu.memref_slice %arg7[%mul3A_139] : memref<2000xi32, #tpu.memory_space<vmem>> -> memref<80xi32, #tpu.memory_space<vmem>>
          %dma_start3A_141 = arith.constant 0 : i32
          %dma_start3A_142 = arith.constant 0 : i32
          %dma_start3A_143 = tpu.memref_slice %arg2[%dma_start3A_141, %dma_start3A_142] : memref<10000x128xf32, #tpu.memory_space<hbm>> -> memref<10000x128xf32, #tpu.memory_space<hbm>>
          tpu.enqueue_indirect_dma source(%dma_start3A_143 : memref<10000x128xf32, #tpu.memory_space<hbm>>) target(%arg15 : memref<80x128xf32, #tpu.memory_space<vmem>>) offsets(%dma_start3A_140 : memref<80xi32, #tpu.memory_space<vmem>>) semaphore(%arg25 : memref<!tpu.dma_semaphore, #tpu.memory_space<semaphore_mem>>)
          %dma_start3A_144 = tpu.memref_slice %arg8[%mul3A_139] : memref<2000xi32, #tpu.memory_space<vmem>> -> memref<80xi32, #tpu.memory_space<vmem>>
          %dma_start3A_145 = arith.constant 0 : i32
          %dma_start3A_146 = arith.constant 0 : i32
          %dma_start3A_147 = tpu.memref_slice %arg3[%dma_start3A_145, %dma_start3A_146] : memref<10000x128xf32, #tpu.memory_space<hbm>> -> memref<10000x128xf32, #tpu.memory_space<hbm>>
          tpu.enqueue_indirect_dma source(%dma_start3A_147 : memref<10000x128xf32, #tpu.memory_space<hbm>>) target(%arg16 : memref<80x128xf32, #tpu.memory_space<vmem>>) offsets(%dma_start3A_144 : memref<80xi32, #tpu.memory_space<vmem>>) semaphore(%arg25 : memref<!tpu.dma_semaphore, #tpu.memory_space<semaphore_mem>>)
        } else {
        }
      } else {
      }
      %mul3A_97 = arith.constant 4 : i32
      %mul3A_98 = arith.muli %mul3A_97, %scan3A_72 : i32
      %add3A_99 = arith.constant 3 : i32
      %add3A_100 = arith.addi %mul3A_98, %add3A_99 : i32
      %lt3A_101 = arith.constant 25 : i32
      %lt3A_102 = arith.cmpi slt, %add3A_100, %lt3A_101 : i32
      %convert_element_type3A_103 = arith.extui %lt3A_102 : i1 to i32
      %cond3A_104 = arith.constant 0 : i32
      %cond3A_105 = arith.cmpi ne, %convert_element_type3A_103, %cond3A_104 : i32
      scf.if %cond3A_105 {
        %dma_wait3A_106 = arith.constant 0 : i32
        %dma_wait3A_107 = tpu.memref_slice %arg7[%dma_wait3A_106] : memref<2000xi32, #tpu.memory_space<vmem>> -> memref<80xi32, #tpu.memory_space<vmem>>
        %dma_wait3A_108 = arith.constant 0 : i32
        %dma_wait3A_109 = arith.constant 0 : i32
        %dma_wait3A_110 = tpu.memref_slice %arg2[%dma_wait3A_108, %dma_wait3A_109] : memref<10000x128xf32, #tpu.memory_space<hbm>> -> memref<10000x128xf32, #tpu.memory_space<hbm>>
        tpu.wait_indirect_dma semaphore(%arg27 : memref<!tpu.dma_semaphore, #tpu.memory_space<semaphore_mem>>) src(%dma_wait3A_110 : memref<10000x128xf32, #tpu.memory_space<hbm>>) dst(%arg18 : memref<80x128xf32, #tpu.memory_space<vmem>>)
        %dma_wait3A_111 = arith.constant 0 : i32
        %dma_wait3A_112 = tpu.memref_slice %arg8[%dma_wait3A_111] : memref<2000xi32, #tpu.memory_space<vmem>> -> memref<80xi32, #tpu.memory_space<vmem>>
        %dma_wait3A_113 = arith.constant 0 : i32
        %dma_wait3A_114 = arith.constant 0 : i32
        %dma_wait3A_115 = tpu.memref_slice %arg3[%dma_wait3A_113, %dma_wait3A_114] : memref<10000x128xf32, #tpu.memory_space<hbm>> -> memref<10000x128xf32, #tpu.memory_space<hbm>>
        tpu.wait_indirect_dma semaphore(%arg27 : memref<!tpu.dma_semaphore, #tpu.memory_space<semaphore_mem>>) src(%dma_wait3A_115 : memref<10000x128xf32, #tpu.memory_space<hbm>>) dst(%arg19 : memref<80x128xf32, #tpu.memory_space<vmem>>)
        %ge3A = arith.constant 4 : i32
        %ge3A_116 = arith.cmpi sge, %add3A_100, %ge3A : i32
        %convert_element_type3A_117 = arith.extui %ge3A_116 : i1 to i32
        %cond3A_118 = arith.constant 0 : i32
        %cond3A_119 = arith.cmpi ne, %convert_element_type3A_117, %cond3A_118 : i32
        scf.if %cond3A_119 {
          %dma_wait3A_136 = arith.constant 0 : i32
          %dma_wait3A_137 = arith.constant 0 : i32
          %dma_wait3A_138 = tpu.memref_slice %arg6[%dma_wait3A_136, %dma_wait3A_137] : memref<320000x128xf32, #tpu.memory_space<hbm>> -> memref<80x128xf32, #tpu.memory_space<hbm>>
          %dma_wait3A_139 = arith.constant 0 : i32
          %dma_wait3A_140 = arith.constant 0 : i32
          %dma_wait3A_141 = tpu.memref_slice %arg6[%dma_wait3A_139, %dma_wait3A_140] : memref<320000x128xf32, #tpu.memory_space<hbm>> -> memref<80x128xf32, #tpu.memory_space<hbm>>
          tpu.wait_dma2 semaphore(%arg28 : memref<!tpu.dma_semaphore, #tpu.memory_space<semaphore_mem>>) src(%arg20 : memref<80x128xf32, #tpu.memory_space<vmem>>) dst(%dma_wait3A_141 : memref<80x128xf32, #tpu.memory_space<hbm>>)
        } else {
        }
        %parallel_loop3A = arith.constant 0 : i32
        %parallel_loop3A_120 = arith.constant 80 : i32
        %parallel_loop3A_121 = arith.constant 1 : i32
        scf.for %parallel_loop3A_136 = %parallel_loop3A to %parallel_loop3A_120 step %parallel_loop3A_121  : i32 {
          %parallel_loop3A_137 = arith.index_cast %parallel_loop3A_136 : i32 to index
          %parallel_loop3A_138 = arith.constant 0 : index
          %parallel_loop3A_139 = tpu.vector_load %arg18[%parallel_loop3A_137, %parallel_loop3A_138] {strides = array<i32>} : memref<80x128xf32, #tpu.memory_space<vmem>>, vector<1x16xf32>,
          %parallel_loop3A_140 = vector.shape_cast %parallel_loop3A_139 : vector<1x16xf32> to vector<16xf32>
          %parallel_loop3A_141 = arith.index_cast %parallel_loop3A_136 : i32 to index
          %parallel_loop3A_142 = arith.constant 0 : index
          %parallel_loop3A_143 = tpu.vector_load %arg19[%parallel_loop3A_141, %parallel_loop3A_142] {strides = array<i32>} : memref<80x128xf32, #tpu.memory_space<vmem>>, vector<1x16xf32>,
          %parallel_loop3A_144 = vector.shape_cast %parallel_loop3A_143 : vector<1x16xf32> to vector<16xf32>
          %parallel_loop3A_145 = arith.addf %parallel_loop3A_140, %parallel_loop3A_144 : vector<16xf32>
          %parallel_loop3A_146 = arith.index_cast %parallel_loop3A_136 : i32 to index
          %parallel_loop3A_147 = arith.constant 0 : index
          %parallel_loop3A_148 = tpu.vector_load %arg20[%parallel_loop3A_146, %parallel_loop3A_147] {strides = array<i32>} : memref<80x128xf32, #tpu.memory_space<vmem>>, vector<1x16xf32>,
          %parallel_loop3A_149 = vector.shape_cast %parallel_loop3A_148 : vector<1x16xf32> to vector<16xf32>
          %parallel_loop3A_150 = vector.shape_cast %parallel_loop3A_145 : vector<16xf32> to vector<1x16xf32>
          tpu.vector_store %arg20[%parallel_loop3A_146, %parallel_loop3A_147], %parallel_loop3A_150 {strides = array<i32>} : memref<80x128xf32, #tpu.memory_space<vmem>>, vector<1x16xf32>,
          %parallel_loop3A_151 = arith.index_cast %parallel_loop3A_136 : i32 to index
          %parallel_loop3A_152 = arith.constant 16 : index
          %parallel_loop3A_153 = tpu.vector_load %arg18[%parallel_loop3A_151, %parallel_loop3A_152] {strides = array<i32>} : memref<80x128xf32, #tpu.memory_space<vmem>>, vector<1x16xf32>,
          %parallel_loop3A_154 = vector.shape_cast %parallel_loop3A_153 : vector<1x16xf32> to vector<16xf32>
          %parallel_loop3A_155 = arith.index_cast %parallel_loop3A_136 : i32 to index
          %parallel_loop3A_156 = arith.constant 16 : index
          %parallel_loop3A_157 = tpu.vector_load %arg19[%parallel_loop3A_155, %parallel_loop3A_156] {strides = array<i32>} : memref<80x128xf32, #tpu.memory_space<vmem>>, vector<1x16xf32>,
          %parallel_loop3A_158 = vector.shape_cast %parallel_loop3A_157 : vector<1x16xf32> to vector<16xf32>
          %parallel_loop3A_159 = arith.addf %parallel_loop3A_154, %parallel_loop3A_158 : vector<16xf32>
          %parallel_loop3A_160 = arith.index_cast %parallel_loop3A_136 : i32 to index
          %parallel_loop3A_161 = arith.constant 16 : index
          %parallel_loop3A_162 = tpu.vector_load %arg20[%parallel_loop3A_160, %parallel_loop3A_161] {strides = array<i32>} : memref<80x128xf32, #tpu.memory_space<vmem>>, vector<1x16xf32>,
          %parallel_loop3A_163 = vector.shape_cast %parallel_loop3A_162 : vector<1x16xf32> to vector<16xf32>
          %parallel_loop3A_164 = vector.shape_cast %parallel_loop3A_159 : vector<16xf32> to vector<1x16xf32>
          tpu.vector_store %arg20[%parallel_loop3A_160, %parallel_loop3A_161], %parallel_loop3A_164 {strides = array<i32>} : memref<80x128xf32, #tpu.memory_space<vmem>>, vector<1x16xf32>,
          %parallel_loop3A_165 = arith.index_cast %parallel_loop3A_136 : i32 to index
          %parallel_loop3A_166 = arith.constant 32 : index
          %parallel_loop3A_167 = tpu.vector_load %arg18[%parallel_loop3A_165, %parallel_loop3A_166] {strides = array<i32>} : memref<80x128xf32, #tpu.memory_space<vmem>>, vector<1x16xf32>,
          %parallel_loop3A_168 = vector.shape_cast %parallel_loop3A_167 : vector<1x16xf32> to vector<16xf32>
          %parallel_loop3A_169 = arith.index_cast %parallel_loop3A_136 : i32 to index
          %parallel_loop3A_170 = arith.constant 32 : index
          %parallel_loop3A_171 = tpu.vector_load %arg19[%parallel_loop3A_169, %parallel_loop3A_170] {strides = array<i32>} : memref<80x128xf32, #tpu.memory_space<vmem>>, vector<1x16xf32>,
          %parallel_loop3A_172 = vector.shape_cast %parallel_loop3A_171 : vector<1x16xf32> to vector<16xf32>
          %parallel_loop3A_173 = arith.addf %parallel_loop3A_168, %parallel_loop3A_172 : vector<16xf32>
          %parallel_loop3A_174 = arith.index_cast %parallel_loop3A_136 : i32 to index
          %parallel_loop3A_175 = arith.constant 32 : index
          %parallel_loop3A_176 = tpu.vector_load %arg20[%parallel_loop3A_174, %parallel_loop3A_175] {strides = array<i32>} : memref<80x128xf32, #tpu.memory_space<vmem>>, vector<1x16xf32>,
          %parallel_loop3A_177 = vector.shape_cast %parallel_loop3A_176 : vector<1x16xf32> to vector<16xf32>
          %parallel_loop3A_178 = vector.shape_cast %parallel_loop3A_173 : vector<16xf32> to vector<1x16xf32>
          tpu.vector_store %arg20[%parallel_loop3A_174, %parallel_loop3A_175], %parallel_loop3A_178 {strides = array<i32>} : memref<80x128xf32, #tpu.memory_space<vmem>>, vector<1x16xf32>,
          %parallel_loop3A_179 = arith.index_cast %parallel_loop3A_136 : i32 to index
          %parallel_loop3A_180 = arith.constant 48 : index
          %parallel_loop3A_181 = tpu.vector_load %arg18[%parallel_loop3A_179, %parallel_loop3A_180] {strides = array<i32>} : memref<80x128xf32, #tpu.memory_space<vmem>>, vector<1x16xf32>,
          %parallel_loop3A_182 = vector.shape_cast %parallel_loop3A_181 : vector<1x16xf32> to vector<16xf32>
          %parallel_loop3A_183 = arith.index_cast %parallel_loop3A_136 : i32 to index
          %parallel_loop3A_184 = arith.constant 48 : index
          %parallel_loop3A_185 = tpu.vector_load %arg19[%parallel_loop3A_183, %parallel_loop3A_184] {strides = array<i32>} : memref<80x128xf32, #tpu.memory_space<vmem>>, vector<1x16xf32>,
          %parallel_loop3A_186 = vector.shape_cast %parallel_loop3A_185 : vector<1x16xf32> to vector<16xf32>
          %parallel_loop3A_187 = arith.addf %parallel_loop3A_182, %parallel_loop3A_186 : vector<16xf32>
          %parallel_loop3A_188 = arith.index_cast %parallel_loop3A_136 : i32 to index
          %parallel_loop3A_189 = arith.constant 48 : index
          %parallel_loop3A_190 = tpu.vector_load %arg20[%parallel_loop3A_188, %parallel_loop3A_189] {strides = array<i32>} : memref<80x128xf32, #tpu.memory_space<vmem>>, vector<1x16xf32>,
          %parallel_loop3A_191 = vector.shape_cast %parallel_loop3A_190 : vector<1x16xf32> to vector<16xf32>
          %parallel_loop3A_192 = vector.shape_cast %parallel_loop3A_187 : vector<16xf32> to vector<1x16xf32>
          tpu.vector_store %arg20[%parallel_loop3A_188, %parallel_loop3A_189], %parallel_loop3A_192 {strides = array<i32>} : memref<80x128xf32, #tpu.memory_space<vmem>>, vector<1x16xf32>,
          %parallel_loop3A_193 = arith.index_cast %parallel_loop3A_136 : i32 to index
          %parallel_loop3A_194 = arith.constant 64 : index
          %parallel_loop3A_195 = tpu.vector_load %arg18[%parallel_loop3A_193, %parallel_loop3A_194] {strides = array<i32>} : memref<80x128xf32, #tpu.memory_space<vmem>>, vector<1x16xf32>,
          %parallel_loop3A_196 = vector.shape_cast %parallel_loop3A_195 : vector<1x16xf32> to vector<16xf32>
          %parallel_loop3A_197 = arith.index_cast %parallel_loop3A_136 : i32 to index
          %parallel_loop3A_198 = arith.constant 64 : index
          %parallel_loop3A_199 = tpu.vector_load %arg19[%parallel_loop3A_197, %parallel_loop3A_198] {strides = array<i32>} : memref<80x128xf32, #tpu.memory_space<vmem>>, vector<1x16xf32>,
          %parallel_loop3A_200 = vector.shape_cast %parallel_loop3A_199 : vector<1x16xf32> to vector<16xf32>
          %parallel_loop3A_201 = arith.addf %parallel_loop3A_196, %parallel_loop3A_200 : vector<16xf32>
          %parallel_loop3A_202 = arith.index_cast %parallel_loop3A_136 : i32 to index
          %parallel_loop3A_203 = arith.constant 64 : index
          %parallel_loop3A_204 = tpu.vector_load %arg20[%parallel_loop3A_202, %parallel_loop3A_203] {strides = array<i32>} : memref<80x128xf32, #tpu.memory_space<vmem>>, vector<1x16xf32>,
          %parallel_loop3A_205 = vector.shape_cast %parallel_loop3A_204 : vector<1x16xf32> to vector<16xf32>
          %parallel_loop3A_206 = vector.shape_cast %parallel_loop3A_201 : vector<16xf32> to vector<1x16xf32>
          tpu.vector_store %arg20[%parallel_loop3A_202, %parallel_loop3A_203], %parallel_loop3A_206 {strides = array<i32>} : memref<80x128xf32, #tpu.memory_space<vmem>>, vector<1x16xf32>,
          %parallel_loop3A_207 = arith.index_cast %parallel_loop3A_136 : i32 to index
          %parallel_loop3A_208 = arith.constant 80 : index
          %parallel_loop3A_209 = tpu.vector_load %arg18[%parallel_loop3A_207, %parallel_loop3A_208] {strides = array<i32>} : memref<80x128xf32, #tpu.memory_space<vmem>>, vector<1x16xf32>,
          %parallel_loop3A_210 = vector.shape_cast %parallel_loop3A_209 : vector<1x16xf32> to vector<16xf32>
          %parallel_loop3A_211 = arith.index_cast %parallel_loop3A_136 : i32 to index
          %parallel_loop3A_212 = arith.constant 80 : index
          %parallel_loop3A_213 = tpu.vector_load %arg19[%parallel_loop3A_211, %parallel_loop3A_212] {strides = array<i32>} : memref<80x128xf32, #tpu.memory_space<vmem>>, vector<1x16xf32>,
          %parallel_loop3A_214 = vector.shape_cast %parallel_loop3A_213 : vector<1x16xf32> to vector<16xf32>
          %parallel_loop3A_215 = arith.addf %parallel_loop3A_210, %parallel_loop3A_214 : vector<16xf32>
          %parallel_loop3A_216 = arith.index_cast %parallel_loop3A_136 : i32 to index
          %parallel_loop3A_217 = arith.constant 80 : index
          %parallel_loop3A_218 = tpu.vector_load %arg20[%parallel_loop3A_216, %parallel_loop3A_217] {strides = array<i32>} : memref<80x128xf32, #tpu.memory_space<vmem>>, vector<1x16xf32>,
          %parallel_loop3A_219 = vector.shape_cast %parallel_loop3A_218 : vector<1x16xf32> to vector<16xf32>
          %parallel_loop3A_220 = vector.shape_cast %parallel_loop3A_215 : vector<16xf32> to vector<1x16xf32>
          tpu.vector_store %arg20[%parallel_loop3A_216, %parallel_loop3A_217], %parallel_loop3A_220 {strides = array<i32>} : memref<80x128xf32, #tpu.memory_space<vmem>>, vector<1x16xf32>,
          %parallel_loop3A_221 = arith.index_cast %parallel_loop3A_136 : i32 to index
          %parallel_loop3A_222 = arith.constant 96 : index
          %parallel_loop3A_223 = tpu.vector_load %arg18[%parallel_loop3A_221, %parallel_loop3A_222] {strides = array<i32>} : memref<80x128xf32, #tpu.memory_space<vmem>>, vector<1x16xf32>,
          %parallel_loop3A_224 = vector.shape_cast %parallel_loop3A_223 : vector<1x16xf32> to vector<16xf32>
          %parallel_loop3A_225 = arith.index_cast %parallel_loop3A_136 : i32 to index
          %parallel_loop3A_226 = arith.constant 96 : index
          %parallel_loop3A_227 = tpu.vector_load %arg19[%parallel_loop3A_225, %parallel_loop3A_226] {strides = array<i32>} : memref<80x128xf32, #tpu.memory_space<vmem>>, vector<1x16xf32>,
          %parallel_loop3A_228 = vector.shape_cast %parallel_loop3A_227 : vector<1x16xf32> to vector<16xf32>
          %parallel_loop3A_229 = arith.addf %parallel_loop3A_224, %parallel_loop3A_228 : vector<16xf32>
          %parallel_loop3A_230 = arith.index_cast %parallel_loop3A_136 : i32 to index
          %parallel_loop3A_231 = arith.constant 96 : index
          %parallel_loop3A_232 = tpu.vector_load %arg20[%parallel_loop3A_230, %parallel_loop3A_231] {strides = array<i32>} : memref<80x128xf32, #tpu.memory_space<vmem>>, vector<1x16xf32>,
          %parallel_loop3A_233 = vector.shape_cast %parallel_loop3A_232 : vector<1x16xf32> to vector<16xf32>
          %parallel_loop3A_234 = vector.shape_cast %parallel_loop3A_229 : vector<16xf32> to vector<1x16xf32>
          tpu.vector_store %arg20[%parallel_loop3A_230, %parallel_loop3A_231], %parallel_loop3A_234 {strides = array<i32>} : memref<80x128xf32, #tpu.memory_space<vmem>>, vector<1x16xf32>,
          %parallel_loop3A_235 = arith.index_cast %parallel_loop3A_136 : i32 to index
          %parallel_loop3A_236 = arith.constant 112 : index
          %parallel_loop3A_237 = tpu.vector_load %arg18[%parallel_loop3A_235, %parallel_loop3A_236] {strides = array<i32>} : memref<80x128xf32, #tpu.memory_space<vmem>>, vector<1x16xf32>,
          %parallel_loop3A_238 = vector.shape_cast %parallel_loop3A_237 : vector<1x16xf32> to vector<16xf32>
          %parallel_loop3A_239 = arith.index_cast %parallel_loop3A_136 : i32 to index
          %parallel_loop3A_240 = arith.constant 112 : index
          %parallel_loop3A_241 = tpu.vector_load %arg19[%parallel_loop3A_239, %parallel_loop3A_240] {strides = array<i32>} : memref<80x128xf32, #tpu.memory_space<vmem>>, vector<1x16xf32>,
          %parallel_loop3A_242 = vector.shape_cast %parallel_loop3A_241 : vector<1x16xf32> to vector<16xf32>
          %parallel_loop3A_243 = arith.addf %parallel_loop3A_238, %parallel_loop3A_242 : vector<16xf32>
          %parallel_loop3A_244 = arith.index_cast %parallel_loop3A_136 : i32 to index
          %parallel_loop3A_245 = arith.constant 112 : index
          %parallel_loop3A_246 = tpu.vector_load %arg20[%parallel_loop3A_244, %parallel_loop3A_245] {strides = array<i32>} : memref<80x128xf32, #tpu.memory_space<vmem>>, vector<1x16xf32>,
          %parallel_loop3A_247 = vector.shape_cast %parallel_loop3A_246 : vector<1x16xf32> to vector<16xf32>
          %parallel_loop3A_248 = vector.shape_cast %parallel_loop3A_243 : vector<16xf32> to vector<1x16xf32>
          tpu.vector_store %arg20[%parallel_loop3A_244, %parallel_loop3A_245], %parallel_loop3A_248 {strides = array<i32>} : memref<80x128xf32, #tpu.memory_space<vmem>>, vector<1x16xf32>,
        } {sc.loop_unroll_factor = 4 : i64, sc.parallel_access}
        %mul3A_122 = arith.constant 80 : i32
        %mul3A_123 = arith.muli %add3A_100, %mul3A_122 : i32
        %add3A_124 = arith.addi %add3A_4, %mul3A_123 : i32
        %dma_start3A_125 = arith.constant 0 : i32
        %dma_start3A_126 = tpu.memref_slice %arg6[%add3A_124, %dma_start3A_125] : memref<320000x128xf32, #tpu.memory_space<hbm>> -> memref<80x128xf32, #tpu.memory_space<hbm>>
        %dma_start3A_127 = arith.constant 0 : i32
        %dma_start3A_128 = tpu.memref_slice %arg6[%add3A_124, %dma_start3A_127] : memref<320000x128xf32, #tpu.memory_space<hbm>> -> memref<80x128xf32, #tpu.memory_space<hbm>>
        tpu.enqueue_dma source(%arg20 : memref<80x128xf32, #tpu.memory_space<vmem>>) target(%dma_start3A_128 : memref<80x128xf32, #tpu.memory_space<hbm>>) target_semaphore(%arg28 : memref<!tpu.dma_semaphore, #tpu.memory_space<semaphore_mem>>)
        %add3A_129 = arith.constant 4 : i32
        %add3A_130 = arith.addi %add3A_100, %add3A_129 : i32
        %lt3A_131 = arith.constant 25 : i32
        %lt3A_132 = arith.cmpi slt, %add3A_130, %lt3A_131 : i32
        %convert_element_type3A_133 = arith.extui %lt3A_132 : i1 to i32
        %cond3A_134 = arith.constant 0 : i32
        %cond3A_135 = arith.cmpi ne, %convert_element_type3A_133, %cond3A_134 : i32
        scf.if %cond3A_135 {
          %add3A_136 = arith.constant 4 : i32
          %add3A_137 = arith.addi %add3A_100, %add3A_136 : i32
          %mul3A_138 = arith.constant 80 : i32
          %mul3A_139 = arith.muli %add3A_137, %mul3A_138 : i32
          %dma_start3A_140 = tpu.memref_slice %arg7[%mul3A_139] : memref<2000xi32, #tpu.memory_space<vmem>> -> memref<80xi32, #tpu.memory_space<vmem>>
          %dma_start3A_141 = arith.constant 0 : i32
          %dma_start3A_142 = arith.constant 0 : i32
          %dma_start3A_143 = tpu.memref_slice %arg2[%dma_start3A_141, %dma_start3A_142] : memref<10000x128xf32, #tpu.memory_space<hbm>> -> memref<10000x128xf32, #tpu.memory_space<hbm>>
          tpu.enqueue_indirect_dma source(%dma_start3A_143 : memref<10000x128xf32, #tpu.memory_space<hbm>>) target(%arg18 : memref<80x128xf32, #tpu.memory_space<vmem>>) offsets(%dma_start3A_140 : memref<80xi32, #tpu.memory_space<vmem>>) semaphore(%arg27 : memref<!tpu.dma_semaphore, #tpu.memory_space<semaphore_mem>>)
          %dma_start3A_144 = tpu.memref_slice %arg8[%mul3A_139] : memref<2000xi32, #tpu.memory_space<vmem>> -> memref<80xi32, #tpu.memory_space<vmem>>
          %dma_start3A_145 = arith.constant 0 : i32
          %dma_start3A_146 = arith.constant 0 : i32
          %dma_start3A_147 = tpu.memref_slice %arg3[%dma_start3A_145, %dma_start3A_146] : memref<10000x128xf32, #tpu.memory_space<hbm>> -> memref<10000x128xf32, #tpu.memory_space<hbm>>
          tpu.enqueue_indirect_dma source(%dma_start3A_147 : memref<10000x128xf32, #tpu.memory_space<hbm>>) target(%arg19 : memref<80x128xf32, #tpu.memory_space<vmem>>) offsets(%dma_start3A_144 : memref<80xi32, #tpu.memory_space<vmem>>) semaphore(%arg27 : memref<!tpu.dma_semaphore, #tpu.memory_space<semaphore_mem>>)
        } else {
        }
      } else {
      }
    }
    %scan3A_48 = arith.constant 7 : i32
    %dma_wait3A = arith.constant 0 : i32
    %dma_wait3A_49 = arith.constant 0 : i32
    %dma_wait3A_50 = tpu.memref_slice %arg6[%dma_wait3A, %dma_wait3A_49] : memref<320000x128xf32, #tpu.memory_space<hbm>> -> memref<80x128xf32, #tpu.memory_space<hbm>>
    %dma_wait3A_51 = arith.constant 0 : i32
    %dma_wait3A_52 = arith.constant 0 : i32
    %dma_wait3A_53 = tpu.memref_slice %arg6[%dma_wait3A_51, %dma_wait3A_52] : memref<320000x128xf32, #tpu.memory_space<hbm>> -> memref<80x128xf32, #tpu.memory_space<hbm>>
    tpu.wait_dma2 semaphore(%arg22 : memref<!tpu.dma_semaphore, #tpu.memory_space<semaphore_mem>>) src(%arg11 : memref<80x128xf32, #tpu.memory_space<vmem>>) dst(%dma_wait3A_53 : memref<80x128xf32, #tpu.memory_space<hbm>>)
    %dma_wait3A_54 = arith.constant 0 : i32
    %dma_wait3A_55 = arith.constant 0 : i32
    %dma_wait3A_56 = tpu.memref_slice %arg6[%dma_wait3A_54, %dma_wait3A_55] : memref<320000x128xf32, #tpu.memory_space<hbm>> -> memref<80x128xf32, #tpu.memory_space<hbm>>
    %dma_wait3A_57 = arith.constant 0 : i32
    %dma_wait3A_58 = arith.constant 0 : i32
    %dma_wait3A_59 = tpu.memref_slice %arg6[%dma_wait3A_57, %dma_wait3A_58] : memref<320000x128xf32, #tpu.memory_space<hbm>> -> memref<80x128xf32, #tpu.memory_space<hbm>>
    tpu.wait_dma2 semaphore(%arg24 : memref<!tpu.dma_semaphore, #tpu.memory_space<semaphore_mem>>) src(%arg14 : memref<80x128xf32, #tpu.memory_space<vmem>>) dst(%dma_wait3A_59 : memref<80x128xf32, #tpu.memory_space<hbm>>)
    %dma_wait3A_60 = arith.constant 0 : i32
    %dma_wait3A_61 = arith.constant 0 : i32
    %dma_wait3A_62 = tpu.memref_slice %arg6[%dma_wait3A_60, %dma_wait3A_61] : memref<320000x128xf32, #tpu.memory_space<hbm>> -> memref<80x128xf32, #tpu.memory_space<hbm>>
    %dma_wait3A_63 = arith.constant 0 : i32
    %dma_wait3A_64 = arith.constant 0 : i32
    %dma_wait3A_65 = tpu.memref_slice %arg6[%dma_wait3A_63, %dma_wait3A_64] : memref<320000x128xf32, #tpu.memory_space<hbm>> -> memref<80x128xf32, #tpu.memory_space<hbm>>
    tpu.wait_dma2 semaphore(%arg26 : memref<!tpu.dma_semaphore, #tpu.memory_space<semaphore_mem>>) src(%arg17 : memref<80x128xf32, #tpu.memory_space<vmem>>) dst(%dma_wait3A_65 : memref<80x128xf32, #tpu.memory_space<hbm>>)
    %dma_wait3A_66 = arith.constant 0 : i32
    %dma_wait3A_67 = arith.constant 0 : i32
    %dma_wait3A_68 = tpu.memref_slice %arg6[%dma_wait3A_66, %dma_wait3A_67] : memref<320000x128xf32, #tpu.memory_space<hbm>> -> memref<80x128xf32, #tpu.memory_space<hbm>>
    %dma_wait3A_69 = arith.constant 0 : i32
    %dma_wait3A_70 = arith.constant 0 : i32
    %dma_wait3A_71 = tpu.memref_slice %arg6[%dma_wait3A_69, %dma_wait3A_70] : memref<320000x128xf32, #tpu.memory_space<hbm>> -> memref<80x128xf32, #tpu.memory_space<hbm>>
    tpu.wait_dma2 semaphore(%arg28 : memref<!tpu.dma_semaphore, #tpu.memory_space<semaphore_mem>>) src(%arg20 : memref<80x128xf32, #tpu.memory_space<vmem>>) dst(%dma_wait3A_71 : memref<80x128xf32, #tpu.memory_space<hbm>>)
    return
  }
}

module attributes {stable_mosaic.version = 14 : i64} {
  func.func @_node_body(%arg0: i32, %arg1: memref<1x1900x9xi32, #tpu.memory_space<vmem>>, %arg2: memref<1x100x640xf32, #tpu.memory_space<vmem>>, %arg3: memref<1x640x128xf32, #tpu.memory_space<vmem>>, %arg4: memref<1x10x128xf32, #tpu.memory_space<vmem>>, %arg5: memref<9x120x128xbf16, #tpu.memory_space<vmem>>, %arg6: memref<128x128xf32, #tpu.memory_space<vmem>>, %arg7: memref<1x128xf32, #tpu.memory_space<vmem>>, %arg8: memref<128x128xf32, #tpu.memory_space<vmem>>, %arg9: memref<1x128xf32, #tpu.memory_space<vmem>>, %arg10: memref<128x128xf32, #tpu.memory_space<vmem>>, %arg11: memref<1x128xf32, #tpu.memory_space<vmem>>, %arg12: memref<128x128xf32, #tpu.memory_space<vmem>>, %arg13: memref<1x128xf32, #tpu.memory_space<vmem>>, %arg14: memref<128x128xf32, #tpu.memory_space<vmem>>, %arg15: memref<128x128xf32, #tpu.memory_space<vmem>>, %arg16: memref<1x128xf32, #tpu.memory_space<vmem>>, %arg17: memref<1x2000x128xf32, #tpu.memory_space<vmem>>, %arg18: memref<1x2000x128xf32, #tpu.memory_space<vmem>>, %arg19: memref<1x2000x128xf32, #tpu.memory_space<vmem>>) attributes {dimension_semantics = [#tpu.dimension_semantics<arbitrary>], iteration_bounds = array<i64: 5>, scalar_prefetch = 0 : i64, scratch_operands = 0 : i64, tpu.core_type = #tpu.core_type<tc>, window_params = [{transform_indices = @transform_0, window_bounds = array<i64: 1, 1900, 9>}, {transform_indices = @transform_1, window_bounds = array<i64: 1, 100, 640>}, {transform_indices = @transform_2, window_bounds = array<i64: 1, 640, 128>}, {pipeline_mode = #tpu.pipeline_mode<synchronous>, transform_indices = @transform_3, window_bounds = array<i64: 1, 10, 128>}, {pipeline_mode = #tpu.pipeline_mode<synchronous>, transform_indices = @transform_4, window_bounds = array<i64: 9, 120, 128>}, {pipeline_mode = #tpu.pipeline_mode<synchronous>, transform_indices = @transform_5, window_bounds = array<i64: 128, 128>}, {pipeline_mode = #tpu.pipeline_mode<synchronous>, transform_indices = @transform_6, window_bounds = array<i64: 1, 128>}, {pipeline_mode = #tpu.pipeline_mode<synchronous>, transform_indices = @transform_7, window_bounds = array<i64: 128, 128>}, {pipeline_mode = #tpu.pipeline_mode<synchronous>, transform_indices = @transform_8, window_bounds = array<i64: 1, 128>}, {pipeline_mode = #tpu.pipeline_mode<synchronous>, transform_indices = @transform_9, window_bounds = array<i64: 128, 128>}, {pipeline_mode = #tpu.pipeline_mode<synchronous>, transform_indices = @transform_10, window_bounds = array<i64: 1, 128>}, {pipeline_mode = #tpu.pipeline_mode<synchronous>, transform_indices = @transform_11, window_bounds = array<i64: 128, 128>}, {pipeline_mode = #tpu.pipeline_mode<synchronous>, transform_indices = @transform_12, window_bounds = array<i64: 1, 128>}, {pipeline_mode = #tpu.pipeline_mode<synchronous>, transform_indices = @transform_13, window_bounds = array<i64: 128, 128>}, {pipeline_mode = #tpu.pipeline_mode<synchronous>, transform_indices = @transform_14, window_bounds = array<i64: 128, 128>}, {pipeline_mode = #tpu.pipeline_mode<synchronous>, transform_indices = @transform_15, window_bounds = array<i64: 1, 128>}, {transform_indices = @transform_16, window_bounds = array<i64: 1, 2000, 128>}, {transform_indices = @transform_17, window_bounds = array<i64: 1, 2000, 128>}, {transform_indices = @transform_18, window_bounds = array<i64: 1, 2000, 128>}]} {
    %get3A = arith.constant 0 : index
    %get3A_0 = arith.constant 0 : index
    %get3A_1 = arith.constant 0 : index
    %get3A_2 = vector.load %arg1[%get3A, %get3A_0, %get3A_1] : memref<1x1900x9xi32, #tpu.memory_space<vmem>>, vector<1x1900x9xi32>
    %get3A_3 = vector.shape_cast %get3A_2 : vector<1x1900x9xi32> to vector<1900x9xi32>
    %broadcast_in_dim3A = arith.constant 0.000000e+00 : f32
    %broadcast_in_dim3A_4 = vector.broadcast %broadcast_in_dim3A : f32 to vector<1900x128xf32>
    %iota3A = tpu.iota {dimensions = array<i32: 1>} : vector<1900x120xi32>
    %slice3A = vector.extract_strided_slice %get3A_3 {offsets = [0, 0], sizes = [1900, 1], strides = [1, 1]} : vector<1900x9xi32> to vector<1900x1xi32>
    %eq3A = vector.broadcast %slice3A : vector<1900x1xi32> to vector<1900x120xi32>
    %eq3A_5 = arith.cmpi eq, %eq3A, %iota3A : vector<1900x120xi32>
    %convert_element_type3A = arith.extui %eq3A_5 : vector<1900x120xi1> to vector<1900x120xi32>
    %convert_element_type3A_6 = arith.sitofp %convert_element_type3A : vector<1900x120xi32> to vector<1900x120xf32>
    %convert_element_type3A_7 = arith.truncf %convert_element_type3A_6 : vector<1900x120xf32> to vector<1900x120xbf16>
    %get3A_8 = arith.constant 0 : index
    %get3A_9 = arith.constant 0 : index
    %get3A_10 = arith.constant 0 : index
    %get3A_11 = vector.load %arg5[%get3A_8, %get3A_9, %get3A_10] : memref<9x120x128xbf16, #tpu.memory_space<vmem>>, vector<1x120x128xbf16>
    %get3A_12 = vector.shape_cast %get3A_11 : vector<1x120x128xbf16> to vector<120x128xbf16>
    %dot_general3A = arith.constant dense<0.000000e+00> : vector<1900x128xf32>
    %dot_general3A_13 = tpu.matmul %convert_element_type3A_7, %get3A_12, %dot_general3A {dimension_numbers = #tpu.dot_dimension_numbers<[1], [0], [0], [1], [0, 0, 1, 1], [], []>, transpose_lhs_hint = false} : vector<1900x120xbf16>, vector<120x128xbf16>, vector<1900x128xf32> -> vector<1900x128xf32>
    %add3A = arith.addf %broadcast_in_dim3A_4, %dot_general3A_13 : vector<1900x128xf32>
    %slice3A_14 = vector.extract_strided_slice %get3A_3 {offsets = [0, 1], sizes = [1900, 1], strides = [1, 1]} : vector<1900x9xi32> to vector<1900x1xi32>
    %eq3A_15 = vector.broadcast %slice3A_14 : vector<1900x1xi32> to vector<1900x120xi32>
    %eq3A_16 = arith.cmpi eq, %eq3A_15, %iota3A : vector<1900x120xi32>
    %convert_element_type3A_17 = arith.extui %eq3A_16 : vector<1900x120xi1> to vector<1900x120xi32>
    %convert_element_type3A_18 = arith.sitofp %convert_element_type3A_17 : vector<1900x120xi32> to vector<1900x120xf32>
    %convert_element_type3A_19 = arith.truncf %convert_element_type3A_18 : vector<1900x120xf32> to vector<1900x120xbf16>
    %get3A_20 = arith.constant 1 : index
    %get3A_21 = arith.constant 0 : index
    %get3A_22 = arith.constant 0 : index
    %get3A_23 = vector.load %arg5[%get3A_20, %get3A_21, %get3A_22] : memref<9x120x128xbf16, #tpu.memory_space<vmem>>, vector<1x120x128xbf16>
    %get3A_24 = vector.shape_cast %get3A_23 : vector<1x120x128xbf16> to vector<120x128xbf16>
    %dot_general3A_25 = arith.constant dense<0.000000e+00> : vector<1900x128xf32>
    %dot_general3A_26 = tpu.matmul %convert_element_type3A_19, %get3A_24, %dot_general3A_25 {dimension_numbers = #tpu.dot_dimension_numbers<[1], [0], [0], [1], [0, 0, 1, 1], [], []>, transpose_lhs_hint = false} : vector<1900x120xbf16>, vector<120x128xbf16>, vector<1900x128xf32> -> vector<1900x128xf32>
    %add3A_27 = arith.addf %add3A, %dot_general3A_26 : vector<1900x128xf32>
    %slice3A_28 = vector.extract_strided_slice %get3A_3 {offsets = [0, 2], sizes = [1900, 1], strides = [1, 1]} : vector<1900x9xi32> to vector<1900x1xi32>
    %eq3A_29 = vector.broadcast %slice3A_28 : vector<1900x1xi32> to vector<1900x120xi32>
    %eq3A_30 = arith.cmpi eq, %eq3A_29, %iota3A : vector<1900x120xi32>
    %convert_element_type3A_31 = arith.extui %eq3A_30 : vector<1900x120xi1> to vector<1900x120xi32>
    %convert_element_type3A_32 = arith.sitofp %convert_element_type3A_31 : vector<1900x120xi32> to vector<1900x120xf32>
    %convert_element_type3A_33 = arith.truncf %convert_element_type3A_32 : vector<1900x120xf32> to vector<1900x120xbf16>
    %get3A_34 = arith.constant 2 : index
    %get3A_35 = arith.constant 0 : index
    %get3A_36 = arith.constant 0 : index
    %get3A_37 = vector.load %arg5[%get3A_34, %get3A_35, %get3A_36] : memref<9x120x128xbf16, #tpu.memory_space<vmem>>, vector<1x120x128xbf16>
    %get3A_38 = vector.shape_cast %get3A_37 : vector<1x120x128xbf16> to vector<120x128xbf16>
    %dot_general3A_39 = arith.constant dense<0.000000e+00> : vector<1900x128xf32>
    %dot_general3A_40 = tpu.matmul %convert_element_type3A_33, %get3A_38, %dot_general3A_39 {dimension_numbers = #tpu.dot_dimension_numbers<[1], [0], [0], [1], [0, 0, 1, 1], [], []>, transpose_lhs_hint = false} : vector<1900x120xbf16>, vector<120x128xbf16>, vector<1900x128xf32> -> vector<1900x128xf32>
    %add3A_41 = arith.addf %add3A_27, %dot_general3A_40 : vector<1900x128xf32>
    %slice3A_42 = vector.extract_strided_slice %get3A_3 {offsets = [0, 3], sizes = [1900, 1], strides = [1, 1]} : vector<1900x9xi32> to vector<1900x1xi32>
    %eq3A_43 = vector.broadcast %slice3A_42 : vector<1900x1xi32> to vector<1900x120xi32>
    %eq3A_44 = arith.cmpi eq, %eq3A_43, %iota3A : vector<1900x120xi32>
    %convert_element_type3A_45 = arith.extui %eq3A_44 : vector<1900x120xi1> to vector<1900x120xi32>
    %convert_element_type3A_46 = arith.sitofp %convert_element_type3A_45 : vector<1900x120xi32> to vector<1900x120xf32>
    %convert_element_type3A_47 = arith.truncf %convert_element_type3A_46 : vector<1900x120xf32> to vector<1900x120xbf16>
    %get3A_48 = arith.constant 3 : index
    %get3A_49 = arith.constant 0 : index
    %get3A_50 = arith.constant 0 : index
    %get3A_51 = vector.load %arg5[%get3A_48, %get3A_49, %get3A_50] : memref<9x120x128xbf16, #tpu.memory_space<vmem>>, vector<1x120x128xbf16>
    %get3A_52 = vector.shape_cast %get3A_51 : vector<1x120x128xbf16> to vector<120x128xbf16>
    %dot_general3A_53 = arith.constant dense<0.000000e+00> : vector<1900x128xf32>
    %dot_general3A_54 = tpu.matmul %convert_element_type3A_47, %get3A_52, %dot_general3A_53 {dimension_numbers = #tpu.dot_dimension_numbers<[1], [0], [0], [1], [0, 0, 1, 1], [], []>, transpose_lhs_hint = false} : vector<1900x120xbf16>, vector<120x128xbf16>, vector<1900x128xf32> -> vector<1900x128xf32>
    %add3A_55 = arith.addf %add3A_41, %dot_general3A_54 : vector<1900x128xf32>
    %slice3A_56 = vector.extract_strided_slice %get3A_3 {offsets = [0, 4], sizes = [1900, 1], strides = [1, 1]} : vector<1900x9xi32> to vector<1900x1xi32>
    %eq3A_57 = vector.broadcast %slice3A_56 : vector<1900x1xi32> to vector<1900x120xi32>
    %eq3A_58 = arith.cmpi eq, %eq3A_57, %iota3A : vector<1900x120xi32>
    %convert_element_type3A_59 = arith.extui %eq3A_58 : vector<1900x120xi1> to vector<1900x120xi32>
    %convert_element_type3A_60 = arith.sitofp %convert_element_type3A_59 : vector<1900x120xi32> to vector<1900x120xf32>
    %convert_element_type3A_61 = arith.truncf %convert_element_type3A_60 : vector<1900x120xf32> to vector<1900x120xbf16>
    %get3A_62 = arith.constant 4 : index
    %get3A_63 = arith.constant 0 : index
    %get3A_64 = arith.constant 0 : index
    %get3A_65 = vector.load %arg5[%get3A_62, %get3A_63, %get3A_64] : memref<9x120x128xbf16, #tpu.memory_space<vmem>>, vector<1x120x128xbf16>
    %get3A_66 = vector.shape_cast %get3A_65 : vector<1x120x128xbf16> to vector<120x128xbf16>
    %dot_general3A_67 = arith.constant dense<0.000000e+00> : vector<1900x128xf32>
    %dot_general3A_68 = tpu.matmul %convert_element_type3A_61, %get3A_66, %dot_general3A_67 {dimension_numbers = #tpu.dot_dimension_numbers<[1], [0], [0], [1], [0, 0, 1, 1], [], []>, transpose_lhs_hint = false} : vector<1900x120xbf16>, vector<120x128xbf16>, vector<1900x128xf32> -> vector<1900x128xf32>
    %add3A_69 = arith.addf %add3A_55, %dot_general3A_68 : vector<1900x128xf32>
    %slice3A_70 = vector.extract_strided_slice %get3A_3 {offsets = [0, 5], sizes = [1900, 1], strides = [1, 1]} : vector<1900x9xi32> to vector<1900x1xi32>
    %eq3A_71 = vector.broadcast %slice3A_70 : vector<1900x1xi32> to vector<1900x120xi32>
    %eq3A_72 = arith.cmpi eq, %eq3A_71, %iota3A : vector<1900x120xi32>
    %convert_element_type3A_73 = arith.extui %eq3A_72 : vector<1900x120xi1> to vector<1900x120xi32>
    %convert_element_type3A_74 = arith.sitofp %convert_element_type3A_73 : vector<1900x120xi32> to vector<1900x120xf32>
    %convert_element_type3A_75 = arith.truncf %convert_element_type3A_74 : vector<1900x120xf32> to vector<1900x120xbf16>
    %get3A_76 = arith.constant 5 : index
    %get3A_77 = arith.constant 0 : index
    %get3A_78 = arith.constant 0 : index
    %get3A_79 = vector.load %arg5[%get3A_76, %get3A_77, %get3A_78] : memref<9x120x128xbf16, #tpu.memory_space<vmem>>, vector<1x120x128xbf16>
    %get3A_80 = vector.shape_cast %get3A_79 : vector<1x120x128xbf16> to vector<120x128xbf16>
    %dot_general3A_81 = arith.constant dense<0.000000e+00> : vector<1900x128xf32>
    %dot_general3A_82 = tpu.matmul %convert_element_type3A_75, %get3A_80, %dot_general3A_81 {dimension_numbers = #tpu.dot_dimension_numbers<[1], [0], [0], [1], [0, 0, 1, 1], [], []>, transpose_lhs_hint = false} : vector<1900x120xbf16>, vector<120x128xbf16>, vector<1900x128xf32> -> vector<1900x128xf32>
    %add3A_83 = arith.addf %add3A_69, %dot_general3A_82 : vector<1900x128xf32>
    %slice3A_84 = vector.extract_strided_slice %get3A_3 {offsets = [0, 6], sizes = [1900, 1], strides = [1, 1]} : vector<1900x9xi32> to vector<1900x1xi32>
    %eq3A_85 = vector.broadcast %slice3A_84 : vector<1900x1xi32> to vector<1900x120xi32>
    %eq3A_86 = arith.cmpi eq, %eq3A_85, %iota3A : vector<1900x120xi32>
    %convert_element_type3A_87 = arith.extui %eq3A_86 : vector<1900x120xi1> to vector<1900x120xi32>
    %convert_element_type3A_88 = arith.sitofp %convert_element_type3A_87 : vector<1900x120xi32> to vector<1900x120xf32>
    %convert_element_type3A_89 = arith.truncf %convert_element_type3A_88 : vector<1900x120xf32> to vector<1900x120xbf16>
    %get3A_90 = arith.constant 6 : index
    %get3A_91 = arith.constant 0 : index
    %get3A_92 = arith.constant 0 : index
    %get3A_93 = vector.load %arg5[%get3A_90, %get3A_91, %get3A_92] : memref<9x120x128xbf16, #tpu.memory_space<vmem>>, vector<1x120x128xbf16>
    %get3A_94 = vector.shape_cast %get3A_93 : vector<1x120x128xbf16> to vector<120x128xbf16>
    %dot_general3A_95 = arith.constant dense<0.000000e+00> : vector<1900x128xf32>
    %dot_general3A_96 = tpu.matmul %convert_element_type3A_89, %get3A_94, %dot_general3A_95 {dimension_numbers = #tpu.dot_dimension_numbers<[1], [0], [0], [1], [0, 0, 1, 1], [], []>, transpose_lhs_hint = false} : vector<1900x120xbf16>, vector<120x128xbf16>, vector<1900x128xf32> -> vector<1900x128xf32>
    %add3A_97 = arith.addf %add3A_83, %dot_general3A_96 : vector<1900x128xf32>
    %slice3A_98 = vector.extract_strided_slice %get3A_3 {offsets = [0, 7], sizes = [1900, 1], strides = [1, 1]} : vector<1900x9xi32> to vector<1900x1xi32>
    %eq3A_99 = vector.broadcast %slice3A_98 : vector<1900x1xi32> to vector<1900x120xi32>
    %eq3A_100 = arith.cmpi eq, %eq3A_99, %iota3A : vector<1900x120xi32>
    %convert_element_type3A_101 = arith.extui %eq3A_100 : vector<1900x120xi1> to vector<1900x120xi32>
    %convert_element_type3A_102 = arith.sitofp %convert_element_type3A_101 : vector<1900x120xi32> to vector<1900x120xf32>
    %convert_element_type3A_103 = arith.truncf %convert_element_type3A_102 : vector<1900x120xf32> to vector<1900x120xbf16>
    %get3A_104 = arith.constant 7 : index
    %get3A_105 = arith.constant 0 : index
    %get3A_106 = arith.constant 0 : index
    %get3A_107 = vector.load %arg5[%get3A_104, %get3A_105, %get3A_106] : memref<9x120x128xbf16, #tpu.memory_space<vmem>>, vector<1x120x128xbf16>
    %get3A_108 = vector.shape_cast %get3A_107 : vector<1x120x128xbf16> to vector<120x128xbf16>
    %dot_general3A_109 = arith.constant dense<0.000000e+00> : vector<1900x128xf32>
    %dot_general3A_110 = tpu.matmul %convert_element_type3A_103, %get3A_108, %dot_general3A_109 {dimension_numbers = #tpu.dot_dimension_numbers<[1], [0], [0], [1], [0, 0, 1, 1], [], []>, transpose_lhs_hint = false} : vector<1900x120xbf16>, vector<120x128xbf16>, vector<1900x128xf32> -> vector<1900x128xf32>
    %add3A_111 = arith.addf %add3A_97, %dot_general3A_110 : vector<1900x128xf32>
    %slice3A_112 = vector.extract_strided_slice %get3A_3 {offsets = [0, 8], sizes = [1900, 1], strides = [1, 1]} : vector<1900x9xi32> to vector<1900x1xi32>
    %eq3A_113 = vector.broadcast %slice3A_112 : vector<1900x1xi32> to vector<1900x120xi32>
    %eq3A_114 = arith.cmpi eq, %eq3A_113, %iota3A : vector<1900x120xi32>
    %convert_element_type3A_115 = arith.extui %eq3A_114 : vector<1900x120xi1> to vector<1900x120xi32>
    %convert_element_type3A_116 = arith.sitofp %convert_element_type3A_115 : vector<1900x120xi32> to vector<1900x120xf32>
    %convert_element_type3A_117 = arith.truncf %convert_element_type3A_116 : vector<1900x120xf32> to vector<1900x120xbf16>
    %get3A_118 = arith.constant 8 : index
    %get3A_119 = arith.constant 0 : index
    %get3A_120 = arith.constant 0 : index
    %get3A_121 = vector.load %arg5[%get3A_118, %get3A_119, %get3A_120] : memref<9x120x128xbf16, #tpu.memory_space<vmem>>, vector<1x120x128xbf16>
    %get3A_122 = vector.shape_cast %get3A_121 : vector<1x120x128xbf16> to vector<120x128xbf16>
    %dot_general3A_123 = arith.constant dense<0.000000e+00> : vector<1900x128xf32>
    %dot_general3A_124 = tpu.matmul %convert_element_type3A_117, %get3A_122, %dot_general3A_123 {dimension_numbers = #tpu.dot_dimension_numbers<[1], [0], [0], [1], [0, 0, 1, 1], [], []>, transpose_lhs_hint = false} : vector<1900x120xbf16>, vector<120x128xbf16>, vector<1900x128xf32> -> vector<1900x128xf32>
    %add3A_125 = arith.addf %add3A_111, %dot_general3A_124 : vector<1900x128xf32>
    %get3A_126 = arith.constant 0 : index
    %get3A_127 = arith.constant 0 : index
    %get3A_128 = arith.constant 0 : index
    %get3A_129 = vector.load %arg3[%get3A_126, %get3A_127, %get3A_128] : memref<1x640x128xf32, #tpu.memory_space<vmem>>, vector<1x640x128xf32>
    %get3A_130 = vector.shape_cast %get3A_129 : vector<1x640x128xf32> to vector<640x128xf32>
    %get3A_131 = arith.constant 0 : index
    %get3A_132 = arith.constant 0 : index
    %get3A_133 = vector.load %arg8[%get3A_131, %get3A_132] : memref<128x128xf32, #tpu.memory_space<vmem>>, vector<128x128xf32>
    %dot_general3A_134 = arith.constant dense<0.000000e+00> : vector<640x128xf32>
    %dot_general3A_135 = tpu.matmul %get3A_130, %get3A_133, %dot_general3A_134 {dimension_numbers = #tpu.dot_dimension_numbers<[1], [0], [0], [1], [0, 0, 1, 1], [], []>, transpose_lhs_hint = false} : vector<640x128xf32>, vector<128x128xf32>, vector<640x128xf32> -> vector<640x128xf32>
    %get3A_136 = arith.constant 0 : index
    %get3A_137 = arith.constant 0 : index
    %get3A_138 = vector.load %arg9[%get3A_136, %get3A_137] : memref<1x128xf32, #tpu.memory_space<vmem>>, vector<1x128xf32>
    %get3A_139 = vector.shape_cast %get3A_138 : vector<1x128xf32> to vector<128xf32>
    %broadcast_in_dim3A_140 = vector.shape_cast %get3A_139 : vector<128xf32> to vector<1x128xf32>
    %add3A_141 = vector.broadcast %broadcast_in_dim3A_140 : vector<1x128xf32> to vector<640x128xf32>
    %add3A_142 = arith.addf %dot_general3A_135, %add3A_141 : vector<640x128xf32>
    %get3A_143 = arith.constant 0 : index
    %get3A_144 = arith.constant 0 : index
    %get3A_145 = vector.load %arg10[%get3A_143, %get3A_144] : memref<128x128xf32, #tpu.memory_space<vmem>>, vector<128x128xf32>
    %dot_general3A_146 = arith.constant dense<0.000000e+00> : vector<640x128xf32>
    %dot_general3A_147 = tpu.matmul %get3A_130, %get3A_145, %dot_general3A_146 {dimension_numbers = #tpu.dot_dimension_numbers<[1], [0], [0], [1], [0, 0, 1, 1], [], []>, transpose_lhs_hint = false} : vector<640x128xf32>, vector<128x128xf32>, vector<640x128xf32> -> vector<640x128xf32>
    %get3A_148 = arith.constant 0 : index
    %get3A_149 = arith.constant 0 : index
    %get3A_150 = vector.load %arg11[%get3A_148, %get3A_149] : memref<1x128xf32, #tpu.memory_space<vmem>>, vector<1x128xf32>
    %get3A_151 = vector.shape_cast %get3A_150 : vector<1x128xf32> to vector<128xf32>
    %broadcast_in_dim3A_152 = vector.shape_cast %get3A_151 : vector<128xf32> to vector<1x128xf32>
    %add3A_153 = vector.broadcast %broadcast_in_dim3A_152 : vector<1x128xf32> to vector<640x128xf32>
    %add3A_154 = arith.addf %dot_general3A_147, %add3A_153 : vector<640x128xf32>
    %get3A_155 = arith.constant 0 : index
    %get3A_156 = arith.constant 0 : index
    %get3A_157 = arith.constant 0 : index
    %get3A_158 = vector.load %arg4[%get3A_155, %get3A_156, %get3A_157] : memref<1x10x128xf32, #tpu.memory_space<vmem>>, vector<1x10x128xf32>
    %get3A_159 = vector.shape_cast %get3A_158 : vector<1x10x128xf32> to vector<10x128xf32>
    %get3A_160 = arith.constant 0 : index
    %get3A_161 = arith.constant 0 : index
    %get3A_162 = vector.load %arg6[%get3A_160, %get3A_161] : memref<128x128xf32, #tpu.memory_space<vmem>>, vector<128x128xf32>
    %dot_general3A_163 = arith.constant dense<0.000000e+00> : vector<10x128xf32>
    %dot_general3A_164 = tpu.matmul %get3A_159, %get3A_162, %dot_general3A_163 {dimension_numbers = #tpu.dot_dimension_numbers<[1], [0], [0], [1], [0, 0, 1, 1], [], []>, transpose_lhs_hint = false} : vector<10x128xf32>, vector<128x128xf32>, vector<10x128xf32> -> vector<10x128xf32>
    %get3A_165 = arith.constant 0 : index
    %get3A_166 = arith.constant 0 : index
    %get3A_167 = vector.load %arg7[%get3A_165, %get3A_166] : memref<1x128xf32, #tpu.memory_space<vmem>>, vector<1x128xf32>
    %get3A_168 = vector.shape_cast %get3A_167 : vector<1x128xf32> to vector<128xf32>
    %broadcast_in_dim3A_169 = vector.shape_cast %get3A_168 : vector<128xf32> to vector<1x128xf32>
    %add3A_170 = vector.broadcast %broadcast_in_dim3A_169 : vector<1x128xf32> to vector<10x128xf32>
    %add3A_171 = arith.addf %dot_general3A_164, %add3A_170 : vector<10x128xf32>
    %broadcast_in_dim3A_172 = vector.shape_cast %add3A_171 : vector<10x128xf32> to vector<1x10x128xf32>
    %broadcast_in_dim3A_173 = vector.shape_cast %broadcast_in_dim3A_172 : vector<1x10x128xf32> to vector<1x10x128xf32>
    %broadcast_in_dim3A_174 = vector.broadcast %broadcast_in_dim3A_173 : vector<1x10x128xf32> to vector<10x10x128xf32>
    %reshape3A = vector.shape_cast %broadcast_in_dim3A_174 : vector<10x10x128xf32> to vector<100x128xf32>
    %get3A_175 = arith.constant 0 : index
    %get3A_176 = arith.constant 0 : index
    %get3A_177 = arith.constant 0 : index
    %get3A_178 = vector.load %arg2[%get3A_175, %get3A_176, %get3A_177] : memref<1x100x640xf32, #tpu.memory_space<vmem>>, vector<1x100x640xf32>
    %get3A_179 = vector.shape_cast %get3A_178 : vector<1x100x640xf32> to vector<100x640xf32>
    %slice3A_180 = vector.extract_strided_slice %reshape3A {offsets = [0, 0], sizes = [100, 64], strides = [1, 1]} : vector<100x128xf32> to vector<100x64xf32>
    %slice3A_181 = vector.extract_strided_slice %add3A_142 {offsets = [0, 0], sizes = [640, 64], strides = [1, 1]} : vector<640x128xf32> to vector<640x64xf32>
    %dot_general3A_182 = arith.constant dense<0.000000e+00> : vector<100x640xf32>
    %dot_general3A_183 = tpu.matmul %slice3A_180, %slice3A_181, %dot_general3A_182 {dimension_numbers = #tpu.dot_dimension_numbers<[1], [1], [0], [0], [0, 0, 1, 0], [], []>, transpose_lhs_hint = false} : vector<100x64xf32>, vector<640x64xf32>, vector<100x640xf32> -> vector<100x640xf32>
    %mul3A = arith.constant 1.250000e-01 : f32
    %mul3A_184 = vector.broadcast %mul3A : f32 to vector<100x640xf32>
    %mul3A_185 = arith.mulf %dot_general3A_183, %mul3A_184 : vector<100x640xf32>
    %add3A_186 = arith.addf %mul3A_185, %get3A_179 : vector<100x640xf32>
    %reduce_max3A = arith.constant dense<0xFF800000> : vector<100xf32>
    %reduce_max3A_187 = vector.multi_reduction <maximumf>, %add3A_186, %reduce_max3A [1] : vector<100x640xf32> to vector<100xf32>
    %broadcast_in_dim3A_188 = vector.shape_cast %reduce_max3A_187 : vector<100xf32> to vector<100x1xf32>
    %sub3A = vector.broadcast %broadcast_in_dim3A_188 : vector<100x1xf32> to vector<100x640xf32>
    %sub3A_189 = arith.subf %add3A_186, %sub3A : vector<100x640xf32>
    %exp3A = math.exp %sub3A_189 : vector<100x640xf32>
    %reduce_sum3A = arith.constant dense<0.000000e+00> : vector<100xf32>
    %reduce_sum3A_190 = vector.multi_reduction <add>, %exp3A, %reduce_sum3A [1] : vector<100x640xf32> to vector<100xf32>
    %broadcast_in_dim3A_191 = vector.shape_cast %reduce_sum3A_190 : vector<100xf32> to vector<100x1xf32>
    %div3A = vector.broadcast %broadcast_in_dim3A_191 : vector<100x1xf32> to vector<100x640xf32>
    %div3A_192 = arith.divf %exp3A, %div3A : vector<100x640xf32>
    %slice3A_193 = vector.extract_strided_slice %add3A_154 {offsets = [0, 0], sizes = [640, 64], strides = [1, 1]} : vector<640x128xf32> to vector<640x64xf32>
    %dot_general3A_194 = arith.constant dense<0.000000e+00> : vector<100x64xf32>
    %dot_general3A_195 = tpu.matmul %div3A_192, %slice3A_193, %dot_general3A_194 {dimension_numbers = #tpu.dot_dimension_numbers<[1], [0], [0], [1], [0, 0, 1, 1], [], []>, transpose_lhs_hint = false} : vector<100x640xf32>, vector<640x64xf32>, vector<100x64xf32> -> vector<100x64xf32>
    %slice3A_196 = vector.extract_strided_slice %reshape3A {offsets = [0, 64], sizes = [100, 64], strides = [1, 1]} : vector<100x128xf32> to vector<100x64xf32>
    %slice3A_197 = vector.extract_strided_slice %add3A_142 {offsets = [0, 64], sizes = [640, 64], strides = [1, 1]} : vector<640x128xf32> to vector<640x64xf32>
    %dot_general3A_198 = arith.constant dense<0.000000e+00> : vector<100x640xf32>
    %dot_general3A_199 = tpu.matmul %slice3A_196, %slice3A_197, %dot_general3A_198 {dimension_numbers = #tpu.dot_dimension_numbers<[1], [1], [0], [0], [0, 0, 1, 0], [], []>, transpose_lhs_hint = false} : vector<100x64xf32>, vector<640x64xf32>, vector<100x640xf32> -> vector<100x640xf32>
    %mul3A_200 = arith.constant 1.250000e-01 : f32
    %mul3A_201 = vector.broadcast %mul3A_200 : f32 to vector<100x640xf32>
    %mul3A_202 = arith.mulf %dot_general3A_199, %mul3A_201 : vector<100x640xf32>
    %add3A_203 = arith.addf %mul3A_202, %get3A_179 : vector<100x640xf32>
    %reduce_max3A_204 = arith.constant dense<0xFF800000> : vector<100xf32>
    %reduce_max3A_205 = vector.multi_reduction <maximumf>, %add3A_203, %reduce_max3A_204 [1] : vector<100x640xf32> to vector<100xf32>
    %broadcast_in_dim3A_206 = vector.shape_cast %reduce_max3A_205 : vector<100xf32> to vector<100x1xf32>
    %sub3A_207 = vector.broadcast %broadcast_in_dim3A_206 : vector<100x1xf32> to vector<100x640xf32>
    %sub3A_208 = arith.subf %add3A_203, %sub3A_207 : vector<100x640xf32>
    %exp3A_209 = math.exp %sub3A_208 : vector<100x640xf32>
    %reduce_sum3A_210 = arith.constant dense<0.000000e+00> : vector<100xf32>
    %reduce_sum3A_211 = vector.multi_reduction <add>, %exp3A_209, %reduce_sum3A_210 [1] : vector<100x640xf32> to vector<100xf32>
    %broadcast_in_dim3A_212 = vector.shape_cast %reduce_sum3A_211 : vector<100xf32> to vector<100x1xf32>
    %div3A_213 = vector.broadcast %broadcast_in_dim3A_212 : vector<100x1xf32> to vector<100x640xf32>
    %div3A_214 = arith.divf %exp3A_209, %div3A_213 : vector<100x640xf32>
    %slice3A_215 = vector.extract_strided_slice %add3A_154 {offsets = [0, 64], sizes = [640, 64], strides = [1, 1]} : vector<640x128xf32> to vector<640x64xf32>
    %dot_general3A_216 = arith.constant dense<0.000000e+00> : vector<100x64xf32>
    %dot_general3A_217 = tpu.matmul %div3A_214, %slice3A_215, %dot_general3A_216 {dimension_numbers = #tpu.dot_dimension_numbers<[1], [0], [0], [1], [0, 0, 1, 1], [], []>, transpose_lhs_hint = false} : vector<100x640xf32>, vector<640x64xf32>, vector<100x64xf32> -> vector<100x64xf32>
    %concatenate3A = tpu.concatenate %dot_general3A_195, %dot_general3A_217 in 1 : vector<100x64xf32>, vector<100x64xf32> -> vector<100x128xf32>
    %get3A_218 = arith.constant 0 : index
    %get3A_219 = arith.constant 0 : index
    %get3A_220 = vector.load %arg12[%get3A_218, %get3A_219] : memref<128x128xf32, #tpu.memory_space<vmem>>, vector<128x128xf32>
    %dot_general3A_221 = arith.constant dense<0.000000e+00> : vector<100x128xf32>
    %dot_general3A_222 = tpu.matmul %concatenate3A, %get3A_220, %dot_general3A_221 {dimension_numbers = #tpu.dot_dimension_numbers<[1], [0], [0], [1], [0, 0, 1, 1], [], []>, transpose_lhs_hint = false} : vector<100x128xf32>, vector<128x128xf32>, vector<100x128xf32> -> vector<100x128xf32>
    %get3A_223 = arith.constant 0 : index
    %get3A_224 = arith.constant 0 : index
    %get3A_225 = vector.load %arg13[%get3A_223, %get3A_224] : memref<1x128xf32, #tpu.memory_space<vmem>>, vector<1x128xf32>
    %get3A_226 = vector.shape_cast %get3A_225 : vector<1x128xf32> to vector<128xf32>
    %broadcast_in_dim3A_227 = vector.shape_cast %get3A_226 : vector<128xf32> to vector<1x128xf32>
    %add3A_228 = vector.broadcast %broadcast_in_dim3A_227 : vector<1x128xf32> to vector<100x128xf32>
    %add3A_229 = arith.addf %dot_general3A_222, %add3A_228 : vector<100x128xf32>
    %reshape3A_230 = vector.shape_cast %add3A_125 : vector<1900x128xf32> to vector<10x190x128xf32>
    %reshape3A_231 = vector.shape_cast %add3A_229 : vector<100x128xf32> to vector<10x10x128xf32>
    %concatenate3A_232 = tpu.concatenate %reshape3A_230, %reshape3A_231 in 1 : vector<10x190x128xf32>, vector<10x10x128xf32> -> vector<10x200x128xf32>
    %reshape3A_233 = vector.shape_cast %concatenate3A_232 : vector<10x200x128xf32> to vector<2000x128xf32>
    %swap3A = arith.constant 0 : index
    %swap3A_234 = arith.constant 0 : index
    %swap3A_235 = arith.constant 0 : index
    %swap3A_236 = vector.load %arg17[%swap3A, %swap3A_234, %swap3A_235] : memref<1x2000x128xf32, #tpu.memory_space<vmem>>, vector<1x2000x128xf32>
    %swap3A_237 = vector.shape_cast %swap3A_236 : vector<1x2000x128xf32> to vector<2000x128xf32>
    %swap3A_238 = vector.shape_cast %reshape3A_233 : vector<2000x128xf32> to vector<1x2000x128xf32>
    tpu.vector_store %arg17[%swap3A, %swap3A_234, %swap3A_235], %swap3A_238 {strides = array<i32>} : memref<1x2000x128xf32, #tpu.memory_space<vmem>>, vector<1x2000x128xf32>,
    %max3A = arith.constant 0.000000e+00 : f32
    %max3A_239 = vector.broadcast %max3A : f32 to vector<2000x128xf32>
    %max3A_240 = arith.maximumf %reshape3A_233, %max3A_239 : vector<2000x128xf32>
    %get3A_241 = arith.constant 0 : index
    %get3A_242 = arith.constant 0 : index
    %get3A_243 = vector.load %arg14[%get3A_241, %get3A_242] : memref<128x128xf32, #tpu.memory_space<vmem>>, vector<128x128xf32>
    %dot_general3A_244 = arith.constant dense<0.000000e+00> : vector<2000x128xf32>
    %dot_general3A_245 = tpu.matmul %max3A_240, %get3A_243, %dot_general3A_244 {dimension_numbers = #tpu.dot_dimension_numbers<[1], [0], [0], [1], [0, 0, 1, 1], [], []>, transpose_lhs_hint = false} : vector<2000x128xf32>, vector<128x128xf32>, vector<2000x128xf32> -> vector<2000x128xf32>
    %get3A_246 = arith.constant 0 : index
    %get3A_247 = arith.constant 0 : index
    %get3A_248 = vector.load %arg16[%get3A_246, %get3A_247] : memref<1x128xf32, #tpu.memory_space<vmem>>, vector<1x128xf32>
    %get3A_249 = vector.shape_cast %get3A_248 : vector<1x128xf32> to vector<128xf32>
    %broadcast_in_dim3A_250 = vector.shape_cast %get3A_249 : vector<128xf32> to vector<1x128xf32>
    %add3A_251 = vector.broadcast %broadcast_in_dim3A_250 : vector<1x128xf32> to vector<2000x128xf32>
    %add3A_252 = arith.addf %dot_general3A_245, %add3A_251 : vector<2000x128xf32>
    %swap3A_253 = arith.constant 0 : index
    %swap3A_254 = arith.constant 0 : index
    %swap3A_255 = arith.constant 0 : index
    %swap3A_256 = vector.load %arg18[%swap3A_253, %swap3A_254, %swap3A_255] : memref<1x2000x128xf32, #tpu.memory_space<vmem>>, vector<1x2000x128xf32>
    %swap3A_257 = vector.shape_cast %swap3A_256 : vector<1x2000x128xf32> to vector<2000x128xf32>
    %swap3A_258 = vector.shape_cast %add3A_252 : vector<2000x128xf32> to vector<1x2000x128xf32>
    tpu.vector_store %arg18[%swap3A_253, %swap3A_254, %swap3A_255], %swap3A_258 {strides = array<i32>} : memref<1x2000x128xf32, #tpu.memory_space<vmem>>, vector<1x2000x128xf32>,
    %get3A_259 = arith.constant 0 : index
    %get3A_260 = arith.constant 0 : index
    %get3A_261 = vector.load %arg15[%get3A_259, %get3A_260] : memref<128x128xf32, #tpu.memory_space<vmem>>, vector<128x128xf32>
    %dot_general3A_262 = arith.constant dense<0.000000e+00> : vector<2000x128xf32>
    %dot_general3A_263 = tpu.matmul %max3A_240, %get3A_261, %dot_general3A_262 {dimension_numbers = #tpu.dot_dimension_numbers<[1], [0], [0], [1], [0, 0, 1, 1], [], []>, transpose_lhs_hint = false} : vector<2000x128xf32>, vector<128x128xf32>, vector<2000x128xf32> -> vector<2000x128xf32>
    %swap3A_264 = arith.constant 0 : index
    %swap3A_265 = arith.constant 0 : index
    %swap3A_266 = arith.constant 0 : index
    %swap3A_267 = vector.load %arg19[%swap3A_264, %swap3A_265, %swap3A_266] : memref<1x2000x128xf32, #tpu.memory_space<vmem>>, vector<1x2000x128xf32>
    %swap3A_268 = vector.shape_cast %swap3A_267 : vector<1x2000x128xf32> to vector<2000x128xf32>
    %swap3A_269 = vector.shape_cast %dot_general3A_263 : vector<2000x128xf32> to vector<1x2000x128xf32>
    tpu.vector_store %arg19[%swap3A_264, %swap3A_265, %swap3A_266], %swap3A_269 {strides = array<i32>} : memref<1x2000x128xf32, #tpu.memory_space<vmem>>, vector<1x2000x128xf32>,
    return
  }
  func.func @transform_0(%arg0: i32) -> (i32, i32, i32) {
    %c0_i32 = arith.constant 0 : i32
    %c0_i32_0 = arith.constant 0 : i32
    %c0_i32_1 = arith.constant 0 : i32
    return %arg0, %c0_i32, %c0_i32_0 : i32, i32, i32
  }
  func.func @transform_1(%arg0: i32) -> (i32, i32, i32) {
    %c0_i32 = arith.constant 0 : i32
    %c0_i32_0 = arith.constant 0 : i32
    %c0_i32_1 = arith.constant 0 : i32
    return %arg0, %c0_i32, %c0_i32_0 : i32, i32, i32
  }
  func.func @transform_2(%arg0: i32) -> (i32, i32, i32) {
    %c0_i32 = arith.constant 0 : i32
    %c0_i32_0 = arith.constant 0 : i32
    %c0_i32_1 = arith.constant 0 : i32
    return %arg0, %c0_i32, %c0_i32_0 : i32, i32, i32
  }
  func.func @transform_3(%arg0: i32) -> (i32, i32, i32) {
    %c0_i32 = arith.constant 0 : i32
    %c0_i32_0 = arith.constant 0 : i32
    %c0_i32_1 = arith.constant 0 : i32
    %c0_i32_2 = arith.constant 0 : i32
    return %c0_i32, %c0_i32_0, %c0_i32_1 : i32, i32, i32
  }
  func.func @transform_4(%arg0: i32) -> (i32, i32, i32) {
    %c0_i32 = arith.constant 0 : i32
    %c0_i32_0 = arith.constant 0 : i32
    %c0_i32_1 = arith.constant 0 : i32
    %c0_i32_2 = arith.constant 0 : i32
    return %c0_i32, %c0_i32_0, %c0_i32_1 : i32, i32, i32
  }
  func.func @transform_5(%arg0: i32) -> (i32, i32) {
    %c0_i32 = arith.constant 0 : i32
    %c0_i32_0 = arith.constant 0 : i32
    %c0_i32_1 = arith.constant 0 : i32
    return %c0_i32, %c0_i32_0 : i32, i32
  }
  func.func @transform_6(%arg0: i32) -> (i32, i32) {
    %c0_i32 = arith.constant 0 : i32
    %c0_i32_0 = arith.constant 0 : i32
    %c0_i32_1 = arith.constant 0 : i32
    return %c0_i32, %c0_i32_0 : i32, i32
  }
  func.func @transform_7(%arg0: i32) -> (i32, i32) {
    %c0_i32 = arith.constant 0 : i32
    %c0_i32_0 = arith.constant 0 : i32
    %c0_i32_1 = arith.constant 0 : i32
    return %c0_i32, %c0_i32_0 : i32, i32
  }
  func.func @transform_8(%arg0: i32) -> (i32, i32) {
    %c0_i32 = arith.constant 0 : i32
    %c0_i32_0 = arith.constant 0 : i32
    %c0_i32_1 = arith.constant 0 : i32
    return %c0_i32, %c0_i32_0 : i32, i32
  }
  func.func @transform_9(%arg0: i32) -> (i32, i32) {
    %c0_i32 = arith.constant 0 : i32
    %c0_i32_0 = arith.constant 0 : i32
    %c0_i32_1 = arith.constant 0 : i32
    return %c0_i32, %c0_i32_0 : i32, i32
  }
  func.func @transform_10(%arg0: i32) -> (i32, i32) {
    %c0_i32 = arith.constant 0 : i32
    %c0_i32_0 = arith.constant 0 : i32
    %c0_i32_1 = arith.constant 0 : i32
    return %c0_i32, %c0_i32_0 : i32, i32
  }
  func.func @transform_11(%arg0: i32) -> (i32, i32) {
    %c0_i32 = arith.constant 0 : i32
    %c0_i32_0 = arith.constant 0 : i32
    %c0_i32_1 = arith.constant 0 : i32
    return %c0_i32, %c0_i32_0 : i32, i32
  }
  func.func @transform_12(%arg0: i32) -> (i32, i32) {
    %c0_i32 = arith.constant 0 : i32
    %c0_i32_0 = arith.constant 0 : i32
    %c0_i32_1 = arith.constant 0 : i32
    return %c0_i32, %c0_i32_0 : i32, i32
  }
  func.func @transform_13(%arg0: i32) -> (i32, i32) {
    %c0_i32 = arith.constant 0 : i32
    %c0_i32_0 = arith.constant 0 : i32
    %c0_i32_1 = arith.constant 0 : i32
    return %c0_i32, %c0_i32_0 : i32, i32
  }
  func.func @transform_14(%arg0: i32) -> (i32, i32) {
    %c0_i32 = arith.constant 0 : i32
    %c0_i32_0 = arith.constant 0 : i32
    %c0_i32_1 = arith.constant 0 : i32
    return %c0_i32, %c0_i32_0 : i32, i32
  }
  func.func @transform_15(%arg0: i32) -> (i32, i32) {
    %c0_i32 = arith.constant 0 : i32
    %c0_i32_0 = arith.constant 0 : i32
    %c0_i32_1 = arith.constant 0 : i32
    return %c0_i32, %c0_i32_0 : i32, i32
  }
  func.func @transform_16(%arg0: i32) -> (i32, i32, i32) {
    %c0_i32 = arith.constant 0 : i32
    %c0_i32_0 = arith.constant 0 : i32
    %c0_i32_1 = arith.constant 0 : i32
    return %arg0, %c0_i32, %c0_i32_0 : i32, i32, i32
  }
  func.func @transform_17(%arg0: i32) -> (i32, i32, i32) {
    %c0_i32 = arith.constant 0 : i32
    %c0_i32_0 = arith.constant 0 : i32
    %c0_i32_1 = arith.constant 0 : i32
    return %arg0, %c0_i32, %c0_i32_0 : i32, i32, i32
  }
  func.func @transform_18(%arg0: i32) -> (i32, i32, i32) {
    %c0_i32 = arith.constant 0 : i32
    %c0_i32_0 = arith.constant 0 : i32
    %c0_i32_1 = arith.constant 0 : i32
    return %arg0, %c0_i32, %c0_i32_0 : i32, i32, i32
  }
}

module attributes {stable_mosaic.version = 14 : i64} {
  func.func @_edge_body(%arg0: i32, %arg1: memref<320000x128xf32, #tpu.memory_space<hbm>>, %arg2: memref<1x3x16000xi32, #tpu.memory_space<vmem>>, %arg3: memref<24x128xbf16, #tpu.memory_space<vmem>>, %arg4: memref<1x128xf32, #tpu.memory_space<vmem>>, %arg5: memref<16000x128xf32, #tpu.memory_space<vmem>>) attributes {dimension_semantics = [#tpu.dimension_semantics<arbitrary>], iteration_bounds = array<i64: 16>, scalar_prefetch = 0 : i64, scratch_operands = 0 : i64, tpu.core_type = #tpu.core_type<tc>, window_params = [{}, {transform_indices = @transform_1, window_bounds = array<i64: 1, 3, 16000>}, {pipeline_mode = #tpu.pipeline_mode<synchronous>, transform_indices = @transform_2, window_bounds = array<i64: 24, 128>}, {pipeline_mode = #tpu.pipeline_mode<synchronous>, transform_indices = @transform_3, window_bounds = array<i64: 1, 128>}, {transform_indices = @transform_4, window_bounds = array<i64: 16000, 128>}]} {
    %lt3A = arith.constant 14 : i32
    %lt3A_0 = arith.cmpi slt, %arg0, %lt3A : i32
    %convert_element_type3A = arith.extui %lt3A_0 : i1 to i32
    %cond3A = arith.constant 0 : i32
    %cond3A_1 = arith.cmpi ne, %convert_element_type3A, %cond3A : i32
    scf.if %cond3A_1 {
      %get3A = arith.constant 0 : index
      %get3A_6 = arith.constant 0 : index
      %get3A_7 = arith.constant 0 : index
      %get3A_8 = vector.load %arg2[%get3A, %get3A_6, %get3A_7] : memref<1x3x16000xi32, #tpu.memory_space<vmem>>, vector<1x3x16000xi32>
      %get3A_9 = vector.shape_cast %get3A_8 : vector<1x3x16000xi32> to vector<3x16000xi32>
      %iota3A = tpu.iota {dimensions = array<i32: 0>} : vector<8x16000xi32>
      %slice3A = vector.extract_strided_slice %get3A_9 {offsets = [0, 0], sizes = [1, 16000], strides = [1, 1]} : vector<3x16000xi32> to vector<1x16000xi32>
      %broadcast_in_dim3A = vector.shape_cast %slice3A : vector<1x16000xi32> to vector<1x16000xi32>
      %broadcast_in_dim3A_10 = vector.broadcast %broadcast_in_dim3A : vector<1x16000xi32> to vector<8x16000xi32>
      %eq3A = arith.cmpi eq, %broadcast_in_dim3A_10, %iota3A : vector<8x16000xi32>
      %convert_element_type3A_11 = arith.extui %eq3A : vector<8x16000xi1> to vector<8x16000xi32>
      %convert_element_type3A_12 = arith.sitofp %convert_element_type3A_11 : vector<8x16000xi32> to vector<8x16000xf32>
      %convert_element_type3A_13 = arith.truncf %convert_element_type3A_12 : vector<8x16000xf32> to vector<8x16000xbf16>
      %slice3A_14 = vector.extract_strided_slice %get3A_9 {offsets = [1, 0], sizes = [1, 16000], strides = [1, 1]} : vector<3x16000xi32> to vector<1x16000xi32>
      %broadcast_in_dim3A_15 = vector.shape_cast %slice3A_14 : vector<1x16000xi32> to vector<1x16000xi32>
      %broadcast_in_dim3A_16 = vector.broadcast %broadcast_in_dim3A_15 : vector<1x16000xi32> to vector<8x16000xi32>
      %eq3A_17 = arith.cmpi eq, %broadcast_in_dim3A_16, %iota3A : vector<8x16000xi32>
      %convert_element_type3A_18 = arith.extui %eq3A_17 : vector<8x16000xi1> to vector<8x16000xi32>
      %convert_element_type3A_19 = arith.sitofp %convert_element_type3A_18 : vector<8x16000xi32> to vector<8x16000xf32>
      %convert_element_type3A_20 = arith.truncf %convert_element_type3A_19 : vector<8x16000xf32> to vector<8x16000xbf16>
      %slice3A_21 = vector.extract_strided_slice %get3A_9 {offsets = [2, 0], sizes = [1, 16000], strides = [1, 1]} : vector<3x16000xi32> to vector<1x16000xi32>
      %broadcast_in_dim3A_22 = vector.shape_cast %slice3A_21 : vector<1x16000xi32> to vector<1x16000xi32>
      %broadcast_in_dim3A_23 = vector.broadcast %broadcast_in_dim3A_22 : vector<1x16000xi32> to vector<8x16000xi32>
      %eq3A_24 = arith.cmpi eq, %broadcast_in_dim3A_23, %iota3A : vector<8x16000xi32>
      %convert_element_type3A_25 = arith.extui %eq3A_24 : vector<8x16000xi1> to vector<8x16000xi32>
      %convert_element_type3A_26 = arith.sitofp %convert_element_type3A_25 : vector<8x16000xi32> to vector<8x16000xf32>
      %convert_element_type3A_27 = arith.truncf %convert_element_type3A_26 : vector<8x16000xf32> to vector<8x16000xbf16>
      %concatenate3A = tpu.concatenate %convert_element_type3A_13, %convert_element_type3A_20, %convert_element_type3A_27 in 0 : vector<8x16000xbf16>, vector<8x16000xbf16>, vector<8x16000xbf16> -> vector<24x16000xbf16>
      %get3A_28 = arith.constant 0 : index
      %get3A_29 = arith.constant 0 : index
      %get3A_30 = vector.load %arg3[%get3A_28, %get3A_29] : memref<24x128xbf16, #tpu.memory_space<vmem>>, vector<24x128xbf16>
      %dot_general3A = arith.constant dense<0.000000e+00> : vector<16000x128xf32>
      %dot_general3A_31 = tpu.matmul %concatenate3A, %get3A_30, %dot_general3A {dimension_numbers = #tpu.dot_dimension_numbers<[0], [0], [1], [1], [0, 1, 1, 1], [], []>, transpose_lhs_hint = false} : vector<24x16000xbf16>, vector<24x128xbf16>, vector<16000x128xf32> -> vector<16000x128xf32>
      %swap3A = arith.constant 0 : index
      %swap3A_32 = arith.constant 0 : index
      %swap3A_33 = vector.load %arg5[%swap3A, %swap3A_32] : memref<16000x128xf32, #tpu.memory_space<vmem>>, vector<16000x128xf32>
      tpu.vector_store %arg5[%swap3A, %swap3A_32], %dot_general3A_31 {strides = array<i32>} : memref<16000x128xf32, #tpu.memory_space<vmem>>, vector<16000x128xf32>,
    } else {
    }
    %ge3A = arith.constant 14 : i32
    %ge3A_2 = arith.cmpi sge, %arg0, %ge3A : i32
    %convert_element_type3A_3 = arith.extui %ge3A_2 : i1 to i32
    %cond3A_4 = arith.constant 0 : i32
    %cond3A_5 = arith.cmpi ne, %convert_element_type3A_3, %cond3A_4 : i32
    scf.if %cond3A_5 {
      %get3A = arith.constant 0 : index
      %get3A_6 = arith.constant 0 : index
      %get3A_7 = vector.load %arg4[%get3A, %get3A_6] : memref<1x128xf32, #tpu.memory_space<vmem>>, vector<1x128xf32>
      %broadcast_in_dim3A = vector.shape_cast %get3A_7 : vector<1x128xf32> to vector<1x128xf32>
      %broadcast_in_dim3A_8 = vector.broadcast %broadcast_in_dim3A : vector<1x128xf32> to vector<16000x128xf32>
      %swap3A = arith.constant 0 : index
      %swap3A_9 = arith.constant 0 : index
      %swap3A_10 = vector.load %arg5[%swap3A, %swap3A_9] : memref<16000x128xf32, #tpu.memory_space<vmem>>, vector<16000x128xf32>
      tpu.vector_store %arg5[%swap3A, %swap3A_9], %broadcast_in_dim3A_8 {strides = array<i32>} : memref<16000x128xf32, #tpu.memory_space<vmem>>, vector<16000x128xf32>,
    } else {
    }
    return
  }
  func.func @transform_1(%arg0: i32) -> (i32, i32, i32) {
    %min3A = arith.constant 13 : i32
    %min3A_0 = arith.minsi %arg0, %min3A : i32
    %c0_i32 = arith.constant 0 : i32
    %c0_i32_1 = arith.constant 0 : i32
    %c0_i32_2 = arith.constant 0 : i32
    return %min3A_0, %c0_i32, %c0_i32_1 : i32, i32, i32
  }
  func.func @transform_2(%arg0: i32) -> (i32, i32) {
    %c0_i32 = arith.constant 0 : i32
    %c0_i32_0 = arith.constant 0 : i32
    %c0_i32_1 = arith.constant 0 : i32
    return %c0_i32, %c0_i32_0 : i32, i32
  }
  func.func @transform_3(%arg0: i32) -> (i32, i32) {
    %c0_i32 = arith.constant 0 : i32
    %c0_i32_0 = arith.constant 0 : i32
    %c0_i32_1 = arith.constant 0 : i32
    return %c0_i32, %c0_i32_0 : i32, i32
  }
  func.func @transform_4(%arg0: i32) -> (i32, i32) {
    %c0_i32 = arith.constant 0 : i32
    %c0_i32_0 = arith.constant 0 : i32
    return %arg0, %c0_i32 : i32, i32
  }
}

</mosaic_0001>

<sc_bundles>
// kernel: kernel.5.cloned.1.call-start
scs
__scs_entry_jumppad:
0x0: {  	(pc) =	sbr.rel $0x88, $3  }
0x1: {  	(tag) =	ssettag $0x0;
	lr =	simm.s32 $0x1  }
0x2: {  	[smem:$0x3F8E] =	sst lr;
	_ =	strace $0xD0000000  }
0x3: {  	_ = 	snop  }
0x4: {  	_ = 	snop  }
0x5: {  	_ = 	snop  }
0x6: {  	_ = 	snop  }
0x7: {  	_ = 	snop  }
__scs_overlays_trampoline_lowered:
0x8: {  	[smem:$0x3F9D] =	sst s0  }
0x9: {  	[smem:$0x3F9E] =	sst s1  }
0xa: {  	[smem:$0x3F9F] =	sst s2  }
0xb: {  	[smem:$0x3FA0] =	sst s3  }
0xc: {  	[smem:$0x3FA1] =	sst s4  }
0xd: {  	[smem:$0x3FA2] =	sst s5  }
0xe: {  	[smem:$0x3FA3] =	sst s6  }
0xf: {  	[smem:$0x3FA4] =	sst s7  }
0x10: {  	[smem:$0x3FA5] =	sst s8  }
0x11: {  	[smem:$0x3FA6] =	sst s9;
	s0 =	simm.s32 @!p0 $0x0  }
0x12: {  	s1 =	sld [smem:$0x3F8C];
	s0 =	simm.s32 @p0 $0x1  }
0x13: {  	[smem:$0x3FA7] =	sst s0;
	s0 =	simm.s32 @!p1 $0x0  }
0x14: {  	s2 =	sld [smem:$0x3F8B];
	s0 =	simm.s32 @p1 $0x1  }
0x15: {  	[smem:$0x3FA8] =	sst s0;
	s0 =	simm.s32 @!p2 $0x0  }
0x16: {  	s3 =	sld [smem:$0x3FDB];
	s0 =	simm.s32 @p2 $0x1  }
0x17: {  	s4 =	simm.s32 $0x1BF5;
	[smem:$0x3FAA] =	sst s0  }
0x18: {  	s0 =	sld [smem:$0x3F8D];
	_ =	swait.ge [sflag:s4], $0x0  }
0x19: {  	s7 =	sld [smem:$0x3F8E]  }
0x1a: {  	s8 =	sadd.s32 $0xFFFFE003, lr  }
0x1b: {  	s9 =	sadd.s32 $0xFFFFFEF7, lr;
	s5 =	simm.s32 $0xFFFFFFFF;
	p2 =	slt.u32 s8, $0xFFFFF086  }
0x1c: {  	p1 =	slt.u32 s9, $0xF7A;
	s5 =	simm.s32 @!p2 $0x0  }
0x1d: {  	s5 =	simm.s32 @p1 $0x1;
	p0 =	seq.s32 s7, s2  }
0x1e: {  	s7 =	smul.u32 @!p0 $0xF7A, s2;
	p2 =	seq.s32 @!p0 s5, $0x0  }
0x1f: {  	s9 =	smul.u32 $0xF7A, s1;
	s8 =	simm.s32 @!p0 $0x1BF5;
	p2 =	por !p2, p0  }
0x20: {  	[sflag:s8] =	ssyncset.s32 @!p0 $0xFFFFF086;
	s6 =	sadd.s32 @!p0 s3, s7;
	s7 =	simm.s32 @!p0 $0x108  }
0x21: {  	s3 =	sadd.s32 s3, s9;
	s6 =	sadd.s32 @!p0 $0x88, s6;
	s7 =	simm.s32 @p2 $0x1082  }
0x22: {  	[simem:s7], [sflag:s8] =	dma.local @!p0 [hbm:s6], $0xF7A  }
0x23: {  	s9 =	sor.u32 $0xD0000000, s2;
	s6 =	simm.s32 $0x108;
	_ =	swait.ge @!p0 [sflag:s8], $0x0  }
0x24: {  	s3 =	sadd.s32 $0x88, s3;
	s6 =	simm.s32 @!p1 $0x1082;
	[sflag:s4] =	ssyncset.s32 $0xFFFFF086  }
0x25: {  	[simem:s6], [sflag:s4] =	dma.local [hbm:s3], $0xF7A  }
0x26: {  	[smem:$0x3F8E] =	sst s1;
	(tag) =	ssettag s2;
	_ =	strace s9  }
0x27: {  	s1 =	sld [smem:$0x3F9E]  }
0x28: {  	s2 =	sld [smem:$0x3F9F]  }
0x29: {  	s4 =	sld [smem:$0x3FA1]  }
0x2a: {  	p0 =	seq.s32 s5, $0x0;
	s5 =	sld [smem:$0x3FA2]  }
0x2b: {  	s6 =	sld [smem:$0x3FA3]  }
0x2c: {  	s7 =	sld [smem:$0x3FA4]  }
0x2d: {  	s3 =	simm.s32 $0x108;
	s8 =	sld [smem:$0x3FA5]  }
0x2e: {  	s3 =	simm.s32 @!p0 $0x1082;
	s9 =	sld [smem:$0x3FA6]  }
0x2f: {  	lr =	sadd.s32 s0, s3;
	s0 =	sld [smem:$0x3F9D]  }
0x30: {  	s3 =	sld [smem:$0x3FA0]  }
0x31: {  	[smem:$0x3FA9] =	sst s10  }
0x32: {  	s10 =	sld [smem:$0x3FA7];
	_ =	sdelay $0x3  }
0x33: {  	p0 =	seq.s32 s10, $0x1;
	s10 =	sld [smem:$0x3FA9];
	_ =	sdelay $0x3  }
0x34: {  	[smem:$0x3FA9] =	sst s10  }
0x35: {  	s10 =	sld [smem:$0x3FA8];
	_ =	sdelay $0x3  }
0x36: {  	p1 =	seq.s32 s10, $0x1;
	s10 =	sld [smem:$0x3FA9];
	_ =	sdelay $0x3  }
0x37: {  	[smem:$0x3FA9] =	sst s10  }
0x38: {  	s10 =	sld [smem:$0x3FAA]  }
0x39: {  	_ = 	snop;
	(pc) =	sbr.ind lr, $3  }
0x3a: {  	_ = 	snop  }
0x3b: {  	_ = 	snop  }
0x3c: {  	p2 =	seq.s32 s10, $0x1;
	s10 =	sld [smem:$0x3FA9]  }
0x3d: {  	_ =	shalt  }
0x3e: {  	_ =	shalt  }
0x3f: {  	_ =	shalt  }
0x40: {  	_ =	shalt  }
0x41: {  	_ =	shalt  }
0x42: {  	_ =	shalt  }
0x43: {  	_ =	shalt  }
0x44: {  	_ =	shalt  }
0x45: {  	_ =	shalt  }
0x46: {  	_ =	shalt  }
0x47: {  	_ =	shalt  }
0x48: {  	_ =	shalt  }
0x49: {  	_ =	shalt  }
0x4a: {  	_ =	shalt  }
0x4b: {  	_ =	shalt  }
0x4c: {  	_ =	shalt  }
0x4d: {  	_ =	shalt  }
0x4e: {  	_ =	shalt  }
0x4f: {  	_ =	shalt  }
0x50: {  	_ =	shalt  }
0x51: {  	_ =	shalt  }
0x52: {  	_ =	shalt  }
0x53: {  	_ =	shalt  }
0x54: {  	_ =	shalt  }
0x55: {  	_ =	shalt  }
0x56: {  	_ =	shalt  }
0x57: {  	_ =	shalt  }
0x58: {  	_ =	shalt  }
0x59: {  	_ =	shalt  }
0x5a: {  	_ =	shalt  }
0x5b: {  	_ =	shalt  }
0x5c: {  	_ =	shalt  }
0x5d: {  	_ =	shalt  }
0x5e: {  	_ =	shalt  }
0x5f: {  	_ =	shalt  }
0x60: {  	_ =	shalt  }
0x61: {  	_ =	shalt  }
0x62: {  	_ =	shalt  }
0x63: {  	_ =	shalt  }
0x64: {  	_ =	shalt  }
0x65: {  	_ =	shalt  }
0x66: {  	_ =	shalt  }
0x67: {  	_ =	shalt  }
0x68: {  	_ =	shalt  }
0x69: {  	_ =	shalt  }
0x6a: {  	_ =	shalt  }
0x6b: {  	_ =	shalt  }
0x6c: {  	_ =	shalt  }
0x6d: {  	_ =	shalt  }
0x6e: {  	_ =	shalt  }
0x6f: {  	_ =	shalt  }
0x70: {  	_ =	shalt  }
0x71: {  	_ =	shalt  }
0x72: {  	_ =	shalt  }
0x73: {  	_ =	shalt  }
0x74: {  	_ =	shalt  }
0x75: {  	_ =	shalt  }
0x76: {  	_ =	shalt  }
0x77: {  	_ =	shalt  }
0x78: {  	_ =	shalt  }
0x79: {  	_ =	shalt  }
0x7a: {  	_ =	shalt  }
0x7b: {  	_ =	shalt  }
0x7c: {  	_ =	shalt  }
0x7d: {  	_ =	shalt  }
0x7e: {  	_ =	shalt  }
0x7f: {  	_ =	shalt  }
0x80: {  	_ =	shalt  }
0x81: {  	_ =	shalt  }
0x82: {  	_ =	shalt  }
0x83: {  	_ =	shalt  }
0x84: {  	_ =	shalt  }
0x85: {  	_ =	shalt  }
0x86: {  	_ =	shalt  }
0x87: {  	_ =	shalt  }
.Lfunc_end0:
.L_simem_size_0:
called_computation_lowered:
.L_overlay_start_0:
0x88: {  	s2 =	sld [smem:$0x3FD9]  }
0x89: {  	s3 =	sld [smem:$0x3FFE];
	_ =	sdelay $0x1  }
0x8a: {  	s1 =	srdreg.scid  }
0x8b: {  	s0 =	sand.u32 $0x1, s1  }
0x8c: {  	s14 =	sshll.u32 s0, $0xA;
	s2 =	sadd.s32 s3, s2  }
0x8d: {  	s2 =	sadd.s32 s2, s14  }
0x8e: {  	[smem:$0x3FB5] =	sst s2  }
0x8f: {  	_ = 	snop  }
0x90: {  	s2 =	sld [smem:$0x3FD0];
	_ =	sdelay $0x2  }
0x91: {  	s15 =	simm.s32 $0xA;
	s4 =	simm.s32 $0x10  }
0x92: {  	[smem:s4], [sflag:s15] =	dma.local [hbm:s2], $0x1  }
0x93: {  	_ =	swait.eq [sflag:s15], $0x1  }
0x94: {  	[sflag:s15] =	ssyncset.done $0x0  }
0x95: {  	[sflag:s15] =	ssyncadd.s32 $0xFFFFFFFF  }
0x96: {  	s16 =	sld [smem:$0x11];
	(tm) =	ssettm $0x1  }
0x97: {  	s17 =	sld [smem:$0x3FFB];
	_ =	sdelay $0x3  }
0x98: {  	_ =	strace s17  }
0x99: {  	s3 =	sld [smem:$0x3FFC];
	_ =	sdelay $0x3  }
0x9a: {  	_ =	strace s3  }
0x9b: {  	s3 =	sld [smem:$0x3FFD];
	_ =	sdelay $0x3  }
0x9c: {  	_ =	strace s3  }
0x9d: {  	_ =	strace $0x8FFFFFFF  }
0x9e: {  	s18 =	sld [smem:$0x3FDB];
	_ =	sdelay $0x1  }
0x9f: {  	s19 =	simm.s32 $_scs_section_size  }
0xa0: {  	s5 =	simm.s32 $_size__tile_overlayer_lowered;
	s6 =	simm.s32 $_tile_overlayer_lowered  }
0xa1: {  	s22 =	simm.s32 $0x1BFF;
	s21 =	sshll.u32 s6, $0x1;
	s3 =	sadd.s32 s19, s18  }
0xa2: {  	s7 =	simm.s32 $0x0;
	s20 =	sshll.u32 s5, $0x1;
	s5 =	sadd.s32 s21, s3  }
0xa3: {  	[timem:s7], [sflag:s22] =	dma.local [hbm:s5], s20  }
0xa4: {  	_ =	swait.ge [sflag:s22], s20  }
0xa5: {  	s4 =	ssub.s32 $0x0, s20;
	[sflag:s22] =	ssyncset.done $0x0  }
0xa6: {  	[sflag:s22] =	ssyncadd.s32 s4;
	_ =	sdelay $0x1  }
0xa7: {  	s23 =	simm.s32 $0x1B8B  }
0xa8: {  	_ =	swait.ge [sflag:s23], $0x1  }
0xa9: {  	[sflag:s23] =	ssyncset.done $0x0  }
0xaa: {  	s25 =	simm.s32 $0x1B8E;
	s24 =	sld [smem:$0x3FFE];
	[sflag:s23] =	ssyncadd.s32 $0xFFFFFFFF  }
0xab: {  	s26 =	simm.s32 $execute0_lowered;
	[smem:$0x3FD2] =	sst s25  }
0xac: {  	s5 =	sshll.u32 s26, $0x1;
	_ =	strace $0x80000046;
	[dreg:$0x1] =	wrdreg $0xFFFFFFFF  }
0xad: {  	s28 =	simm.s32 $_size_execute0_lowered;
	s3 =	sadd.s32 s3, s5;
	[dreg:$0x0] =	wrdreg $0x0  }
0xae: {  	s5 =	sshll.u32 s28, $0x1;
	[dreg:$0x2] =	wrdreg s3  }
0xaf: {  	[dreg:$0x3] =	wrdreg s5  }
0xb0: {  	[dreg:$0x4] =	wrdreg $0xC0  }
0xb1: {  	_ =	task [dreg:s7], $0x5FFFF  }
0xb2: {  	[dreg:$0x1] =	wrdreg $0xFFFFFFFF  }
0xb3: {  	[dreg:$0x0] =	wrdreg $0x60  }
0xb4: {  	[dreg:$0x2] =	wrdreg s24  }
0xb5: {  	[dreg:$0x3] =	wrdreg s16  }
0xb6: {  	[dreg:$0x4] =	wrdreg $0x9  }
0xb7: {  	_ =	task.clear_ibuf [dreg:s7], $0x5FFFF;
	_ =	strace $0x90000046  }
0xb8: {  	s29 =	simm.s32 $0x9;
	_ =	strace $0x80000048  }
0xb9: {  	_ =	swait.ge [sflag:s29], $0x1  }
0xba: {  	[sflag:s29] =	ssyncadd.s32 $0xFFFFFFFF  }
0xbb: {  	_ =	strace $0x90000048  }
0xbc: {  	_ =	sfence  }
0xbd: {  	s30 =	sld [smem:$0x0];
	_ =	sdelay $0x2  }
0xbe: {  	s31 =	sshll.u32 s1, $0xD;
	s1 =	sshrl.u32 s1, $0x2  }
0xbf: {  	s3 =	sand.u32 $0x4000, s31;
	s1 =	sadd.s32 s1, s30  }
0xc0: {  	s0 =	sor.u32 s3, s0;
	s1 =	sshll.u32 s1, $0x11  }
0xc1: {  	s0 =	sor.u32 s1, s0  }
0xc2: {  	s0 =	sadd.s32 $0x8F2B, s0  }
0xc3: {  	[sflag:s0] =	ssyncadd.remote.s32 $0x1  }
0xc4: {  	_ =	sfence.sel $0xFFFF  }
0xc5: {  	[dreg:$0x0] =	wrdreg $0xFFFFFFFF;
	(pc) =	sbr.abs _section_cstart, $3  }
0xc6: {  	[dreg:$0x1] =	wrdreg $0xFFFFFFFF  }
0xc7: {  	_ =	task.clear_ibuf [dreg:s7], $0x2FFFF;
	_ =	strace $0x9FFFFFFF  }
0xc8: {  	(tm) =	ssettm $0x7FFFFFFF  }
0xc9: {  	_ =	shalt  }
tec
execute0_lowered:
.L_overlay_start_1:
0x0: {  	(tag) =	ssettag $0x1  }
0x1: {  	s0 =	rddreg [dreg:$0x0];
	s1 =	srdreg.scid  }
0x2: {  	s3 =	stileid.u32;
	s2 =	rddreg [dreg:$0x1];
	s10 =	simm.s32 $0x9  }
0x3: {  	s12 =	simm.s32 $0x50;
	s13 =	simm.s32 $0x1000;
	s14 =	simm.s32 $0x3800  }
0x4: {  	s26 =	simm.s32 $0x1;
	s28 =	simm.s32 $0x6000;
	s31 =	simm.s32 $0x6  }
0x5: {  	s15 =	simm.s32 $0xD800;
	s16 =	simm.s32 $0x5;
	s17 =	simm.s32 $0x15000  }
0x6: {  	s18 =	simm.s32 $0x7;
	s1 =	sand.u32 $0x1, s1;
	s4 =	sshll.u32 s3, $0x1  }
0x7: {  	s19 =	simm.s32 $0x1C800;
	s20 =	simm.s32 $0x0;
	s4 =	sor.u32 s1, s4  }
0x8: {  	s3 =	simm.s32 $0x0;
	s1 =	ssub.s32 $0x2, s1;
	s6 =	smul.u32 $0x7D0, s4  }
0x9: {  	s5 =	sadd.s32 $0x2D200, s0;
	[smem:$0x7FF] =	sst s3;
	s8 =	sshrl.u32 s1, $0x1  }
.Ltmp0:
0xa: {  	s1 =	ssub.s32 s1, s8;
	s7 =	sshrl.u32 s6, $0x3;
	(pc) =	sbr.rel .LBB2_1-.Ltmp0, $4  }
0xb: {  	s4 =	sadd.s32 $0x6000, s0;
	s30 =	smax.u32 s1, $0x1;
	s0 =	sadd.s32 s7, s0  }
0xc: {  	_ =	strace $0x80000047;
	[dreg:$0x5] =	wrdreg s30;
	s7 =	sadd.s32 $0x4000, s0  }
0xd: {  	s6 =	sadd.s32 $0x3E800, s6;
	s0 =	sadd.s32 $0x2000, s0;
	[dreg:$0x3] =	wrdreg s7  }
0xe: {  	s1 =	simm.s32 $0x8;
	[dreg:$0x4] =	wrdreg s0;
	s0 =	simm.s32 $0x3  }
.LBB2_18:
0xf: {  	s7 =	simm.s32 $0x2  }
0x10: {  	_ =	swait.ge [sflag:s7], $0x2800  }
0x11: {  	[sflag:s7] =	ssyncset.done $0x0  }
0x12: {  	s29 =	simm.s32 $0x4;
	[sflag:s7] =	ssyncadd.s32 $0xFFFFD800  }
0x13: {  	_ =	swait.ge [sflag:s29], $0x2800  }
0x14: {  	[sflag:s29] =	ssyncset.done $0x0  }
0x15: {  	[sflag:s29] =	ssyncadd.s32 $0xFFFFD800  }
0x16: {  	_ =	swait.ge [sflag:s31], $0x2800  }
0x17: {  	[sflag:s31] =	ssyncset.done $0x0  }
0x18: {  	[sflag:s31] =	ssyncadd.s32 $0xFFFFD800  }
0x19: {  	_ =	swait.ge [sflag:s1], $0x2800  }
0x1a: {  	s20 =	sadd.s32 $0x1, s20;
	s30 =	rddreg [dreg:$0x5]  }
0x1b: {  	p0 =	sne.s32 s20, s30  }
.Ltmp1:
0x1c: {  	_ = 	snop;
	(pc) =	sbr.rel @!p0 .LBB2_19-.Ltmp1, $3  }
0x1d: {  	_ =	sdelay $0x1  }
0x1e: {  	[sflag:s1] =	ssyncset.done $0x0  }
0x1f: {  	[sflag:s1] =	ssyncadd.s32 $0xFFFFD800  }
.LBB2_1:
0x20: {  	s7 =	rddreg [dreg:$0x3]  }
0x21: {  	[tilespmem:s3], [sflag:$0x9] =	stream.linear.gather [hbm4b:s7+s3], $0x7D0, $0x38;
	[tilespmem:$0x1F000] =	vst v63  }
0x22: {  	_ =	swait.ge [sflag:s10], $0x7D0  }
0x23: {  	[sflag:s10] =	ssyncset.done $0x0  }
0x24: {  	s8 =	simm.s32 $0x800;
	s29 =	rddreg [dreg:$0x4];
	[sflag:s10] =	ssyncadd.s32 $0xFFFFF830  }
0x25: {  	[tilespmem:s8], [sflag:$0x9] =	stream.linear.gather [hbm4b:s29+s3], $0x7D0, $0x38;
	[tilespmem:$0x1F000] =	vst v63  }
0x26: {  	_ =	swait.ge [sflag:s10], $0x7D0  }
0x27: {  	[sflag:s10] =	ssyncset.done $0x0  }
0x28: {  	[sflag:s10] =	ssyncadd.s32 $0xFFFFF830  }
0x29: {  	[tilespmem:s13], [sflag:$0x1] =	stream.indirect.gather [hbm4b:s4+s12], $0x80, s3, s12, $0xb8;
	[tilespmem:$0x1F000] =	vst v63  }
0x2a: {  	_ = 	snop  }
0x2b: {  	[tilespmem:s14], [sflag:$0x1] =	stream.indirect.gather [hbm4b:s5+s12], $0x80, s8, s12, $0xb8;
	[tilespmem:$0x1F000] =	vst v63  }
0x2c: {  	s30 =	simm.s32 $0x8800  }
0x2d: {  	[tilespmem:s30], [sflag:$0x3] =	stream.indirect.gather [hbm4b:s4+s12], $0x80, s12, s12, $0xb8;
	[tilespmem:$0x1F000] =	vst v63  }
0x2e: {  	s9 =	simm.s32 $0xB000;
	s8 =	simm.s32 $0x850  }
0x2f: {  	[tilespmem:s9], [sflag:$0x3] =	stream.indirect.gather [hbm4b:s5+s12], $0x80, s8, s12, $0xb8;
	[tilespmem:$0x1F000] =	vst v63  }
0x30: {  	s11 =	simm.s32 $0xA0;
	s21 =	simm.s32 $0x10000  }
0x31: {  	[tilespmem:s21], [sflag:$0x5] =	stream.indirect.gather [hbm4b:s4+s12], $0x80, s11, s12, $0xb8;
	[tilespmem:$0x1F000] =	vst v63  }
0x32: {  	s22 =	simm.s32 $0x8A0;
	s23 =	simm.s32 $0x12800  }
0x33: {  	[tilespmem:s23], [sflag:$0x5] =	stream.indirect.gather [hbm4b:s5+s12], $0x80, s22, s12, $0xb8;
	[tilespmem:$0x1F000] =	vst v63  }
.Ltmp2:
0x34: {  	_ = 	snop;
	(pc) =	sbr.rel .LBB2_2-.Ltmp2, $4  }
0x35: {  	s24 =	simm.s32 $0xF0;
	s25 =	simm.s32 $0x17800  }
0x36: {  	[tilespmem:s25], [sflag:$0x7] =	stream.indirect.gather [hbm4b:s4+s12], $0x80, s24, s12, $0xb8;
	[tilespmem:$0x1F000] =	vst v63  }
0x37: {  	s29 =	simm.s32 $0x8F0;
	s30 =	simm.s32 $0x1A000;
	s21 =	simm.s32 $0x0  }
0x38: {  	[tilespmem:s30], [sflag:$0x7] =	stream.indirect.gather [hbm4b:s5+s12], $0x80, s29, s12, $0xb8;
	[tilespmem:$0x1F000] =	vst v63  }
.LBB2_17:
0x39: {  	s21 =	sadd.s32 $0x1, s21  }
0x3a: {  	p0 =	sne.s32 s21, $0x7  }
.Ltmp3:
0x3b: {  	_ = 	snop;
	(pc) =	sbr.rel @!p0 .LBB2_18-.Ltmp3, $1  }
0x3c: {  	_ =	sdelay $0x3  }
.LBB2_2:
0x3d: {  	_ =	swait.ge [sflag:s26], $0x2800  }
0x3e: {  	[sflag:s26] =	ssyncset.done $0x0  }
0x3f: {  	[sflag:s26] =	ssyncadd.s32 $0xFFFFD800  }
0x40: {  	_ =	swait.ge [sflag:s26], $0x2800  }
0x41: {  	p0 =	seq.s32 s21, $0x0;
	[sflag:s26] =	ssyncset.done $0x0  }
0x42: {  	s7 =	simm.s32 @!p0 $0x2;
	[sflag:s26] =	ssyncadd.s32 $0xFFFFD800  }
0x43: {  	_ =	swait.ge @!p0 [sflag:s7], $0x2800  }
0x44: {  	[sflag:s7] =	ssyncset.done @!p0 $0x0  }
0x45: {  	s22 =	simm.s32 $0x1100;
	[sflag:s7] =	ssyncadd.s32 @!p0 $0xFFFFD800  }
0x46: {  	s24 =	simm.s32 $0x3900;
	v0 =	vld [tilespmem:s22+$0x80]  }
0x47: {  	v1 =	vld [tilespmem:s24+$0x80];
	_ =	sdelay $0x2  }
0x48: {  	v2 =	vld [tilespmem:s22+$0xFFFFFF80]  }
0x49: {  	v3 =	vld [tilespmem:s24+$0xFFFFFF80]  }
0x4a: {  	v4 =	vld [tilespmem:s24+$0xFFFFFF00];
	v0 =	vadd.f32 v1, v0  }
0x4b: {  	s11 =	simm.s32 $0x6100;
	v1 =	vld [tilespmem:s22+$0xFFFFFF00]  }
0x4c: {  	[tilespmem:s11+$0x80] =	vst v0  }
0x4d: {  	v0 =	vld [tilespmem:s22+$0x90]  }
0x4e: {  	v2 =	vadd.f32 v3, v2;
	v3 =	vld [tilespmem:s24+$0x90]  }
0x4f: {  	v5 =	vld [tilespmem:s22+$0x0]  }
0x50: {  	v6 =	vld [tilespmem:s24+$0x0];
	[tilespmem:s11+$0xFFFFFF80] =	vst v2;
	v1 =	vadd.f32 v4, v1  }
0x51: {  	v2 =	vld [tilespmem:s22+$0xFFFFFF90]  }
0x52: {  	v4 =	vld [tilespmem:s24+$0xFFFFFF90];
	[tilespmem:s11+$0xFFFFFF00] =	vst v1  }
0x53: {  	v1 =	vld [tilespmem:s22+$0xFFFFFF10];
	v0 =	vadd.f32 v3, v0  }
0x54: {  	v3 =	vld [tilespmem:s24+$0xFFFFFF10]  }
0x55: {  	v5 =	vadd.f32 v6, v5;
	[tilespmem:s11+$0x90] =	vst v0  }
0x56: {  	v0 =	vld [tilespmem:s22+$0xA0]  }
0x57: {  	[tilespmem:s11+$0x0] =	vst v5;
	v2 =	vadd.f32 v4, v2;
	v4 =	vld [tilespmem:s24+$0xA0]  }
0x58: {  	v5 =	vld [tilespmem:s22+$0x10]  }
0x59: {  	v6 =	vld [tilespmem:s24+$0x10];
	[tilespmem:s11+$0xFFFFFF90] =	vst v2;
	v1 =	vadd.f32 v3, v1  }
0x5a: {  	v2 =	vld [tilespmem:s22+$0xFFFFFFA0]  }
0x5b: {  	v3 =	vld [tilespmem:s24+$0xFFFFFFA0];
	[tilespmem:s11+$0xFFFFFF10] =	vst v1  }
0x5c: {  	v1 =	vld [tilespmem:s22+$0xFFFFFF20];
	v0 =	vadd.f32 v4, v0  }
0x5d: {  	v4 =	vld [tilespmem:s24+$0xFFFFFF20]  }
0x5e: {  	v5 =	vadd.f32 v6, v5;
	[tilespmem:s11+$0xA0] =	vst v0  }
0x5f: {  	v0 =	vld [tilespmem:s22+$0xB0]  }
0x60: {  	[tilespmem:s11+$0x10] =	vst v5;
	v2 =	vadd.f32 v3, v2;
	v3 =	vld [tilespmem:s24+$0xB0]  }
0x61: {  	v5 =	vld [tilespmem:s22+$0x20]  }
0x62: {  	[tilespmem:s11+$0xFFFFFFA0] =	vst v2;
	v2 =	vld [tilespmem:s24+$0x20];
	v1 =	vadd.f32 v4, v1  }
0x63: {  	v4 =	vld [tilespmem:s22+$0xFFFFFFB0]  }
0x64: {  	v6 =	vld [tilespmem:s24+$0xFFFFFFB0];
	[tilespmem:s11+$0xFFFFFF20] =	vst v1  }
0x65: {  	v1 =	vld [tilespmem:s22+$0xFFFFFF30];
	v0 =	vadd.f32 v3, v0  }
0x66: {  	v3 =	vld [tilespmem:s24+$0xFFFFFF30]  }
0x67: {  	v2 =	vadd.f32 v2, v5;
	[tilespmem:s11+$0xB0] =	vst v0  }
0x68: {  	v0 =	vld [tilespmem:s22+$0xC0]  }
0x69: {  	v4 =	vadd.f32 v6, v4;
	[tilespmem:s11+$0x20] =	vst v2;
	v2 =	vld [tilespmem:s24+$0xC0]  }
0x6a: {  	v5 =	vld [tilespmem:s22+$0x30]  }
0x6b: {  	[tilespmem:s11+$0xFFFFFFB0] =	vst v4;
	v1 =	vadd.f32 v3, v1;
	v3 =	vld [tilespmem:s24+$0x30]  }
0x6c: {  	v4 =	vld [tilespmem:s22+$0xFFFFFFC0]  }
0x6d: {  	[tilespmem:s11+$0xFFFFFF30] =	vst v1;
	v1 =	vld [tilespmem:s24+$0xFFFFFFC0]  }
0x6e: {  	v6 =	vld [tilespmem:s22+$0xFFFFFF40];
	v0 =	vadd.f32 v2, v0  }
0x6f: {  	v2 =	vld [tilespmem:s24+$0xFFFFFF40]  }
0x70: {  	v3 =	vadd.f32 v3, v5;
	[tilespmem:s11+$0xC0] =	vst v0  }
0x71: {  	v0 =	vld [tilespmem:s22+$0xD0]  }
0x72: {  	v1 =	vadd.f32 v1, v4;
	[tilespmem:s11+$0x30] =	vst v3;
	v3 =	vld [tilespmem:s24+$0xD0]  }
0x73: {  	v4 =	vld [tilespmem:s22+$0x40]  }
0x74: {  	v2 =	vadd.f32 v2, v6;
	[tilespmem:s11+$0xFFFFFFC0] =	vst v1;
	v1 =	vld [tilespmem:s24+$0x40]  }
0x75: {  	v5 =	vld [tilespmem:s22+$0xFFFFFFD0]  }
0x76: {  	[tilespmem:s11+$0xFFFFFF40] =	vst v2;
	v2 =	vld [tilespmem:s24+$0xFFFFFFD0]  }
0x77: {  	v6 =	vld [tilespmem:s22+$0xFFFFFF50];
	v0 =	vadd.f32 v3, v0  }
0x78: {  	v3 =	vld [tilespmem:s24+$0xFFFFFF50]  }
0x79: {  	v1 =	vadd.f32 v1, v4;
	[tilespmem:s11+$0xD0] =	vst v0  }
0x7a: {  	v7 =	vld [tilespmem:s22+$0xE0]  }
0x7b: {  	v0 =	vadd.f32 v2, v5;
	v5 =	vld [tilespmem:s24+$0xE0];
	[tilespmem:s11+$0x40] =	vst v1  }
0x7c: {  	v1 =	vld [tilespmem:s22+$0x50]  }
0x7d: {  	v2 =	vadd.f32 v3, v6;
	[tilespmem:s11+$0xFFFFFFD0] =	vst v0;
	v4 =	vld [tilespmem:s24+$0x50]  }
0x7e: {  	v0 =	vld [tilespmem:s22+$0xFFFFFFE0]  }
0x7f: {  	v3 =	vld [tilespmem:s24+$0xFFFFFFE0];
	[tilespmem:s11+$0xFFFFFF50] =	vst v2  }
0x80: {  	s23 =	sshll.u32 s21, $0x2;
	s8 =	simm.s32 $0x0;
	v2 =	vld [tilespmem:s22+$0xFFFFFF60];
	v6 =	vadd.f32 v5, v7  }
0x81: {  	s9 =	simm.s32 $0x1300;
	s25 =	simm.s32 $0x3900;
	s7 =	simm.s32 $0x6100;
	v5 =	vld [tilespmem:s24+$0xFFFFFF60]  }
.LBB2_3:
0x82: {  	v7 =	vld [tilespmem:s9+$0x80];
	v1 =	vadd.f32 v4, v1;
	[tilespmem:s11+$0xE0] =	vst v6  }
0x83: {  	v4 =	vld [tilespmem:s22+$0xF0]  }
0x84: {  	s25 =	sadd.s32 $0x200, s25;
	v0 =	vadd.f32 v3, v0;
	[tilespmem:s11+$0x50] =	vst v1;
	v1 =	vld [tilespmem:s24+$0xF0]  }
0x85: {  	v3 =	vld [tilespmem:s25+$0x80]  }
0x86: {  	v6 =	vld [tilespmem:s25+$0xFFFFFF00];
	v2 =	vadd.f32 v5, v2;
	[tilespmem:s11+$0xFFFFFFE0] =	vst v0  }
0x87: {  	v0 =	vld [tilespmem:s9+$0xFFFFFF80]  }
0x88: {  	v5 =	vld [tilespmem:s25+$0xFFFFFF80];
	[tilespmem:s11+$0xFFFFFF60] =	vst v2  }
0x89: {  	v2 =	vld [tilespmem:s9+$0x0];
	v1 =	vadd.f32 v1, v4  }
0x8a: {  	v4 =	vld [tilespmem:s25+$0x0];
	v3 =	vadd.f32 v3, v7  }
0x8b: {  	s11 =	sadd.s32 $0x200, s11;
	v7 =	vld [tilespmem:s9+$0xFFFFFF00];
	[tilespmem:s7+$0xF0] =	vst v1  }
0x8c: {  	s8 =	sadd.s32 $0x4, s8;
	[tilespmem:s11+$0x80] =	vst v3;
	v1 =	vld [tilespmem:s22+$0x60]  }
0x8d: {  	p1 =	slt.u32 s8, $0x4C;
	v0 =	vadd.f32 v5, v0;
	v3 =	vld [tilespmem:s9+$0x90]  }
0x8e: {  	v5 =	vld [tilespmem:s25+$0x90]  }
0x8f: {  	[tilespmem:s11+$0xFFFFFF80] =	vst v0;
	v0 =	vadd.f32 v4, v2;
	v2 =	vld [tilespmem:s24+$0x60]  }
0x90: {  	v4 =	vadd.f32 v6, v7;
	v6 =	vld [tilespmem:s9+$0xFFFFFF90]  }
0x91: {  	v7 =	vld [tilespmem:s25+$0xFFFFFF90];
	[tilespmem:s11+$0x0] =	vst v0  }
0x92: {  	[tilespmem:s11+$0xFFFFFF00] =	vst v4;
	v0 =	vld [tilespmem:s9+$0x10]  }
0x93: {  	v4 =	vld [tilespmem:s9+$0xFFFFFF10];
	v3 =	vadd.f32 v5, v3  }
0x94: {  	v5 =	vld [tilespmem:s25+$0xFFFFFF10];
	v1 =	vadd.f32 v2, v1  }
0x95: {  	v2 =	vld [tilespmem:s25+$0x10];
	[tilespmem:s11+$0x90] =	vst v3  }
0x96: {  	v3 =	vadd.f32 v7, v6;
	v6 =	vld [tilespmem:s9+$0xA0];
	[tilespmem:s7+$0x60] =	vst v1  }
0x97: {  	v1 =	vld [tilespmem:s25+$0xA0]  }
0x98: {  	[tilespmem:s11+$0xFFFFFF90] =	vst v3;
	v3 =	vld [tilespmem:s22+$0xFFFFFF70]  }
0x99: {  	v4 =	vadd.f32 v5, v4;
	v5 =	vld [tilespmem:s9+$0xFFFFFFA0]  }
0x9a: {  	v7 =	vld [tilespmem:s25+$0xFFFFFFA0];
	v0 =	vadd.f32 v2, v0  }
0x9b: {  	[tilespmem:s11+$0xFFFFFF10] =	vst v4;
	v2 =	vld [tilespmem:s24+$0xFFFFFF70]  }
0x9c: {  	v4 =	vld [tilespmem:s9+$0xFFFFFF20];
	[tilespmem:s11+$0x10] =	vst v0;
	v0 =	vadd.f32 v1, v6  }
0x9d: {  	v1 =	vld [tilespmem:s25+$0xFFFFFF20]  }
0x9e: {  	v6 =	vld [tilespmem:s9+$0x20];
	[tilespmem:s11+$0xA0] =	vst v0  }
0x9f: {  	v0 =	vadd.f32 v7, v5;
	v5 =	vld [tilespmem:s9+$0xB0]  }
0xa0: {  	v7 =	vld [tilespmem:s25+$0xB0];
	v2 =	vadd.f32 v2, v3  }
0xa1: {  	[tilespmem:s11+$0xFFFFFFA0] =	vst v0;
	v0 =	vld [tilespmem:s25+$0x20]  }
0xa2: {  	v1 =	vadd.f32 v1, v4;
	v3 =	vld [tilespmem:s9+$0xFFFFFFB0];
	[tilespmem:s7+$0xFFFFFF70] =	vst v2  }
0xa3: {  	v2 =	vld [tilespmem:s25+$0xFFFFFFB0]  }
0xa4: {  	[tilespmem:s11+$0xFFFFFF20] =	vst v1;
	v1 =	vld [tilespmem:s22+$0xFFFFFFF0]  }
0xa5: {  	v4 =	vld [tilespmem:s9+$0xFFFFFF30];
	v5 =	vadd.f32 v7, v5  }
0xa6: {  	v7 =	vld [tilespmem:s25+$0xFFFFFF30];
	v0 =	vadd.f32 v0, v6  }
0xa7: {  	[tilespmem:s11+$0xB0] =	vst v5;
	v5 =	vld [tilespmem:s24+$0xFFFFFFF0]  }
0xa8: {  	v2 =	vadd.f32 v2, v3;
	[tilespmem:s11+$0x20] =	vst v0;
	v0 =	vld [tilespmem:s9+$0xC0]  }
0xa9: {  	v3 =	vld [tilespmem:s25+$0xC0]  }
0xaa: {  	[tilespmem:s11+$0xFFFFFFB0] =	vst v2;
	v2 =	vld [tilespmem:s9+$0x30]  }
0xab: {  	v4 =	vadd.f32 v7, v4;
	v6 =	vld [tilespmem:s25+$0x30]  }
0xac: {  	v7 =	vld [tilespmem:s9+$0xFFFFFFC0];
	v1 =	vadd.f32 v5, v1  }
0xad: {  	[tilespmem:s11+$0xFFFFFF30] =	vst v4;
	v4 =	vld [tilespmem:s25+$0xFFFFFFC0]  }
0xae: {  	v5 =	vld [tilespmem:s9+$0xFFFFFF40];
	v0 =	vadd.f32 v3, v0;
	[tilespmem:s7+$0xFFFFFFF0] =	vst v1  }
0xaf: {  	v1 =	vld [tilespmem:s25+$0xFFFFFF40]  }
0xb0: {  	v2 =	vadd.f32 v6, v2;
	[tilespmem:s11+$0xC0] =	vst v0;
	v3 =	vld [tilespmem:s22+$0x70];
	s22 =	smov.u32 s9  }
0xb1: {  	v0 =	vld [tilespmem:s9+$0xD0]  }
0xb2: {  	v4 =	vadd.f32 v4, v7;
	[tilespmem:s11+$0x30] =	vst v2;
	v2 =	vld [tilespmem:s25+$0xD0]  }
0xb3: {  	v6 =	vld [tilespmem:s9+$0x40]  }
0xb4: {  	v1 =	vadd.f32 v1, v5;
	[tilespmem:s11+$0xFFFFFFC0] =	vst v4;
	v4 =	vld [tilespmem:s25+$0x40]  }
0xb5: {  	v5 =	vld [tilespmem:s9+$0xFFFFFFD0]  }
0xb6: {  	[tilespmem:s11+$0xFFFFFF40] =	vst v1;
	v1 =	vld [tilespmem:s25+$0xFFFFFFD0]  }
0xb7: {  	v7 =	vld [tilespmem:s9+$0xFFFFFF50];
	v0 =	vadd.f32 v2, v0  }
0xb8: {  	v2 =	vld [tilespmem:s25+$0xFFFFFF50]  }
0xb9: {  	v4 =	vadd.f32 v4, v6;
	[tilespmem:s11+$0xD0] =	vst v0;
	v6 =	vld [tilespmem:s24+$0x70];
	s24 =	smov.u32 s25  }
0xba: {  	v8 =	vld [tilespmem:s9+$0xE0]  }
0xbb: {  	v0 =	vadd.f32 v1, v5;
	[tilespmem:s11+$0x40] =	vst v4;
	v5 =	vld [tilespmem:s25+$0xE0]  }
0xbc: {  	v1 =	vld [tilespmem:s9+$0x50]  }
.Ltmp4:
0xbd: {  	v2 =	vadd.f32 v2, v7;
	[tilespmem:s11+$0xFFFFFFD0] =	vst v0;
	v4 =	vld [tilespmem:s25+$0x50];
	(pc) =	sbr.rel @p1 .LBB2_3-.Ltmp4, $4  }
0xbe: {  	v0 =	vld [tilespmem:s9+$0xFFFFFFE0];
	v7 =	vadd.f32 v6, v3  }
0xbf: {  	[tilespmem:s11+$0xFFFFFF50] =	vst v2;
	v3 =	vld [tilespmem:s25+$0xFFFFFFE0]  }
0xc0: {  	v2 =	vld [tilespmem:s9+$0xFFFFFF60];
	v6 =	vadd.f32 v5, v8;
	[tilespmem:s7+$0x70] =	vst v7;
	s7 =	smov.u32 s11  }
0xc1: {  	s9 =	sadd.s32 $0x200, s9;
	v5 =	vld [tilespmem:s25+$0xFFFFFF60]  }
0xc2: {  	v1 =	vadd.f32 v4, v1;
	_ =	sdelay $0x1  }
0xc3: {  	[tilespmem:s11+$0x50] =	vst v1  }
0xc4: {  	v1 =	vld [tilespmem:s22+$0x60]  }
0xc5: {  	v55 =	vld [tilespmem:s24+$0x60]  }
0xc6: {  	[tilespmem:s11+$0xE0] =	vst v6;
	v0 =	vadd.f32 v3, v0  }
0xc7: {  	v56 =	vld [tilespmem:s22+$0xF0]  }
0xc8: {  	v57 =	vld [tilespmem:s24+$0xF0];
	v2 =	vadd.f32 v5, v2;
	[tilespmem:s11+$0xFFFFFFE0] =	vst v0  }
0xc9: {  	v60 =	vld [tilespmem:s22+$0xFFFFFFF0]  }
0xca: {  	v61 =	vld [tilespmem:s24+$0xFFFFFFF0];
	[tilespmem:s11+$0xFFFFFF60] =	vst v2;
	v58 =	vadd.f32 v55, v1  }
0xcb: {  	v2 =	vld [tilespmem:s22+$0xFFFFFF70]  }
0xcc: {  	v59 =	vld [tilespmem:s24+$0xFFFFFF70];
	[tilespmem:s7+$0x60] =	vst v58  }
0xcd: {  	v62 =	vld [tilespmem:s22+$0x70]  }
0xce: {  	v7 =	vld [tilespmem:s24+$0x70];
	_ =	sdelay $0x1  }
0xcf: {  	v3 =	vadd.f32 v57, v56  }
0xd0: {  	p1 =	seq.s32 s21, $0x6;
	v0 =	vadd.f32 v61, v60;
	s22 =	smul.u32 $0x140, s21  }
.Ltmp5:
0xd1: {  	[tilespmem:s7+$0xF0] =	vst v3;
	v1 =	vadd.f32 v59, v2;
	(pc) =	sbr.rel @p1 .LBB2_18-.Ltmp5, $4  }
0xd2: {  	[tilespmem:s7+$0xFFFFFFF0] =	vst v0;
	s8 =	sadd.s32 s6, s22;
	v63 =	vadd.f32 v7, v62  }
0xd3: {  	[tilespmem:s7+$0xFFFFFF70] =	vst v1;
	s8 =	sshll.u32 s8, $0x4  }
0xd4: {  	s30 =	sadd.s32 s2, s8;
	[tilespmem:s7+$0x70] =	vst v63  }
0xd5: {  	[hbm4b:s30+s3] =	stream.linear.scatter [tilespmem:s28], [sflag:$0x2], $0x2800, $0x38;
	[tilespmem:$0x1F000] =	vst v63  }
0xd6: {  	s24 =	sor.u32 $0x1, s23  }
0xd7: {  	p1 =	sgt.u32 s24, $0x18  }
.Ltmp6:
0xd8: {  	_ = 	snop;
	(pc) =	sbr.rel @p1 .LBB2_9-.Ltmp6, $4  }
0xd9: {  	s7 =	sadd.s32 $0x140, s22  }
0xda: {  	[tilespmem:s13], [sflag:$0x1] =	stream.indirect.gather [hbm4b:s4+s12], $0x80, s7, s12, $0xb8;
	[tilespmem:$0x1F000] =	vst v63  }
0xdb: {  	s30 =	sadd.s32 $0x940, s22  }
0xdc: {  	[tilespmem:s14], [sflag:$0x1] =	stream.indirect.gather [hbm4b:s5+s12], $0x80, s30, s12, $0xb8;
	[tilespmem:$0x1F000] =	vst v63  }
0xdd: {  	_ =	swait.ge [sflag:s0], $0x2800  }
0xde: {  	[sflag:s0] =	ssyncset.done $0x0  }
0xdf: {  	[sflag:s0] =	ssyncadd.s32 $0xFFFFD800  }
0xe0: {  	_ =	swait.ge [sflag:s0], $0x2800  }
0xe1: {  	[sflag:s0] =	ssyncset.done $0x0  }
0xe2: {  	s7 =	simm.s32 @!p0 $0x4;
	[sflag:s0] =	ssyncadd.s32 $0xFFFFD800  }
0xe3: {  	_ =	swait.ge @!p0 [sflag:s7], $0x2800  }
0xe4: {  	[sflag:s7] =	ssyncset.done @!p0 $0x0  }
0xe5: {  	s25 =	simm.s32 $0x8900;
	[sflag:s7] =	ssyncadd.s32 @!p0 $0xFFFFD800  }
0xe6: {  	s11 =	simm.s32 $0xB100;
	v0 =	vld [tilespmem:s25+$0x80]  }
0xe7: {  	v1 =	vld [tilespmem:s11+$0x80];
	_ =	sdelay $0x2  }
0xe8: {  	v2 =	vld [tilespmem:s25+$0xFFFFFF80]  }
0xe9: {  	v3 =	vld [tilespmem:s11+$0xFFFFFF80]  }
0xea: {  	v4 =	vld [tilespmem:s11+$0xFFFFFF00];
	v0 =	vadd.f32 v1, v0  }
0xeb: {  	s7 =	simm.s32 $0xD900;
	v1 =	vld [tilespmem:s25+$0xFFFFFF00]  }
0xec: {  	[tilespmem:s7+$0x80] =	vst v0  }
0xed: {  	v0 =	vld [tilespmem:s25+$0x90]  }
0xee: {  	v2 =	vadd.f32 v3, v2;
	v3 =	vld [tilespmem:s11+$0x90]  }
0xef: {  	v5 =	vld [tilespmem:s25+$0x0]  }
0xf0: {  	v6 =	vld [tilespmem:s11+$0x0];
	[tilespmem:s7+$0xFFFFFF80] =	vst v2;
	v1 =	vadd.f32 v4, v1  }
0xf1: {  	v2 =	vld [tilespmem:s25+$0xFFFFFF90]  }
0xf2: {  	v4 =	vld [tilespmem:s11+$0xFFFFFF90];
	[tilespmem:s7+$0xFFFFFF00] =	vst v1  }
0xf3: {  	v1 =	vld [tilespmem:s25+$0xFFFFFF10];
	v0 =	vadd.f32 v3, v0  }
0xf4: {  	v3 =	vld [tilespmem:s11+$0xFFFFFF10]  }
0xf5: {  	v5 =	vadd.f32 v6, v5;
	[tilespmem:s7+$0x90] =	vst v0  }
0xf6: {  	v0 =	vld [tilespmem:s25+$0xA0]  }
0xf7: {  	[tilespmem:s7+$0x0] =	vst v5;
	v2 =	vadd.f32 v4, v2;
	v4 =	vld [tilespmem:s11+$0xA0]  }
0xf8: {  	v5 =	vld [tilespmem:s25+$0x10]  }
0xf9: {  	v6 =	vld [tilespmem:s11+$0x10];
	[tilespmem:s7+$0xFFFFFF90] =	vst v2;
	v1 =	vadd.f32 v3, v1  }
0xfa: {  	v2 =	vld [tilespmem:s25+$0xFFFFFFA0]  }
0xfb: {  	v3 =	vld [tilespmem:s11+$0xFFFFFFA0];
	[tilespmem:s7+$0xFFFFFF10] =	vst v1  }
0xfc: {  	v1 =	vld [tilespmem:s25+$0xFFFFFF20];
	v0 =	vadd.f32 v4, v0  }
0xfd: {  	v4 =	vld [tilespmem:s11+$0xFFFFFF20]  }
0xfe: {  	v5 =	vadd.f32 v6, v5;
	[tilespmem:s7+$0xA0] =	vst v0  }
0xff: {  	v0 =	vld [tilespmem:s25+$0xB0]  }
0x100: {  	[tilespmem:s7+$0x10] =	vst v5;
	v2 =	vadd.f32 v3, v2;
	v3 =	vld [tilespmem:s11+$0xB0]  }
0x101: {  	v5 =	vld [tilespmem:s25+$0x20]  }
0x102: {  	[tilespmem:s7+$0xFFFFFFA0] =	vst v2;
	v2 =	vld [tilespmem:s11+$0x20];
	v1 =	vadd.f32 v4, v1  }
0x103: {  	v4 =	vld [tilespmem:s25+$0xFFFFFFB0]  }
0x104: {  	v6 =	vld [tilespmem:s11+$0xFFFFFFB0];
	[tilespmem:s7+$0xFFFFFF20] =	vst v1  }
0x105: {  	v1 =	vld [tilespmem:s25+$0xFFFFFF30];
	v0 =	vadd.f32 v3, v0  }
0x106: {  	v3 =	vld [tilespmem:s11+$0xFFFFFF30]  }
0x107: {  	v2 =	vadd.f32 v2, v5;
	[tilespmem:s7+$0xB0] =	vst v0  }
0x108: {  	v0 =	vld [tilespmem:s25+$0xC0]  }
0x109: {  	v4 =	vadd.f32 v6, v4;
	[tilespmem:s7+$0x20] =	vst v2;
	v2 =	vld [tilespmem:s11+$0xC0]  }
0x10a: {  	v5 =	vld [tilespmem:s25+$0x30]  }
0x10b: {  	[tilespmem:s7+$0xFFFFFFB0] =	vst v4;
	v1 =	vadd.f32 v3, v1;
	v3 =	vld [tilespmem:s11+$0x30]  }
0x10c: {  	v4 =	vld [tilespmem:s25+$0xFFFFFFC0]  }
0x10d: {  	[tilespmem:s7+$0xFFFFFF30] =	vst v1;
	v1 =	vld [tilespmem:s11+$0xFFFFFFC0]  }
0x10e: {  	v6 =	vld [tilespmem:s25+$0xFFFFFF40];
	v0 =	vadd.f32 v2, v0  }
0x10f: {  	v2 =	vld [tilespmem:s11+$0xFFFFFF40]  }
0x110: {  	v3 =	vadd.f32 v3, v5;
	[tilespmem:s7+$0xC0] =	vst v0  }
0x111: {  	v0 =	vld [tilespmem:s25+$0xD0]  }
0x112: {  	v1 =	vadd.f32 v1, v4;
	[tilespmem:s7+$0x30] =	vst v3;
	v3 =	vld [tilespmem:s11+$0xD0]  }
0x113: {  	v4 =	vld [tilespmem:s25+$0x40]  }
0x114: {  	v2 =	vadd.f32 v2, v6;
	[tilespmem:s7+$0xFFFFFFC0] =	vst v1;
	v1 =	vld [tilespmem:s11+$0x40]  }
0x115: {  	v5 =	vld [tilespmem:s25+$0xFFFFFFD0]  }
0x116: {  	[tilespmem:s7+$0xFFFFFF40] =	vst v2;
	v2 =	vld [tilespmem:s11+$0xFFFFFFD0]  }
0x117: {  	v6 =	vld [tilespmem:s25+$0xFFFFFF50];
	v0 =	vadd.f32 v3, v0  }
0x118: {  	v3 =	vld [tilespmem:s11+$0xFFFFFF50]  }
0x119: {  	v1 =	vadd.f32 v1, v4;
	[tilespmem:s7+$0xD0] =	vst v0  }
0x11a: {  	v7 =	vld [tilespmem:s25+$0xE0]  }
0x11b: {  	v0 =	vadd.f32 v2, v5;
	v5 =	vld [tilespmem:s11+$0xE0];
	[tilespmem:s7+$0x40] =	vst v1  }
0x11c: {  	v1 =	vld [tilespmem:s25+$0x50]  }
0x11d: {  	v2 =	vadd.f32 v3, v6;
	[tilespmem:s7+$0xFFFFFFD0] =	vst v0;
	v4 =	vld [tilespmem:s11+$0x50]  }
0x11e: {  	v0 =	vld [tilespmem:s25+$0xFFFFFFE0]  }
0x11f: {  	v3 =	vld [tilespmem:s11+$0xFFFFFFE0];
	[tilespmem:s7+$0xFFFFFF50] =	vst v2  }
0x120: {  	s9 =	simm.s32 $0x0;
	v2 =	vld [tilespmem:s25+$0xFFFFFF60];
	v6 =	vadd.f32 v5, v7  }
0x121: {  	s29 =	simm.s32 $0x8B00;
	s30 =	simm.s32 $0xB100;
	s8 =	simm.s32 $0xD900;
	v5 =	vld [tilespmem:s11+$0xFFFFFF60]  }
.LBB2_7:
0x122: {  	v7 =	vld [tilespmem:s29+$0x80];
	v1 =	vadd.f32 v4, v1;
	[tilespmem:s7+$0xE0] =	vst v6  }
0x123: {  	v4 =	vld [tilespmem:s25+$0xF0]  }
0x124: {  	s30 =	sadd.s32 $0x200, s30;
	v0 =	vadd.f32 v3, v0;
	[tilespmem:s7+$0x50] =	vst v1;
	v1 =	vld [tilespmem:s11+$0xF0]  }
0x125: {  	v3 =	vld [tilespmem:s30+$0x80]  }
0x126: {  	v6 =	vld [tilespmem:s30+$0xFFFFFF00];
	v2 =	vadd.f32 v5, v2;
	[tilespmem:s7+$0xFFFFFFE0] =	vst v0  }
0x127: {  	v0 =	vld [tilespmem:s29+$0xFFFFFF80]  }
0x128: {  	v5 =	vld [tilespmem:s30+$0xFFFFFF80];
	[tilespmem:s7+$0xFFFFFF60] =	vst v2  }
0x129: {  	v2 =	vld [tilespmem:s29+$0x0];
	v1 =	vadd.f32 v1, v4  }
0x12a: {  	v4 =	vld [tilespmem:s30+$0x0];
	v3 =	vadd.f32 v3, v7  }
0x12b: {  	s7 =	sadd.s32 $0x200, s7;
	v7 =	vld [tilespmem:s29+$0xFFFFFF00];
	[tilespmem:s8+$0xF0] =	vst v1  }
0x12c: {  	s9 =	sadd.s32 $0x4, s9;
	[tilespmem:s7+$0x80] =	vst v3;
	v1 =	vld [tilespmem:s25+$0x60]  }
0x12d: {  	p1 =	slt.u32 s9, $0x4C;
	v0 =	vadd.f32 v5, v0;
	v3 =	vld [tilespmem:s29+$0x90]  }
0x12e: {  	v5 =	vld [tilespmem:s30+$0x90]  }
0x12f: {  	[tilespmem:s7+$0xFFFFFF80] =	vst v0;
	v0 =	vadd.f32 v4, v2;
	v2 =	vld [tilespmem:s11+$0x60]  }
0x130: {  	v4 =	vadd.f32 v6, v7;
	v6 =	vld [tilespmem:s29+$0xFFFFFF90]  }
0x131: {  	v7 =	vld [tilespmem:s30+$0xFFFFFF90];
	[tilespmem:s7+$0x0] =	vst v0  }
0x132: {  	[tilespmem:s7+$0xFFFFFF00] =	vst v4;
	v0 =	vld [tilespmem:s29+$0x10]  }
0x133: {  	v4 =	vld [tilespmem:s29+$0xFFFFFF10];
	v3 =	vadd.f32 v5, v3  }
0x134: {  	v5 =	vld [tilespmem:s30+$0xFFFFFF10];
	v1 =	vadd.f32 v2, v1  }
0x135: {  	v2 =	vld [tilespmem:s30+$0x10];
	[tilespmem:s7+$0x90] =	vst v3  }
0x136: {  	v3 =	vadd.f32 v7, v6;
	v6 =	vld [tilespmem:s29+$0xA0];
	[tilespmem:s8+$0x60] =	vst v1  }
0x137: {  	v1 =	vld [tilespmem:s30+$0xA0]  }
0x138: {  	[tilespmem:s7+$0xFFFFFF90] =	vst v3;
	v3 =	vld [tilespmem:s25+$0xFFFFFF70]  }
0x139: {  	v4 =	vadd.f32 v5, v4;
	v5 =	vld [tilespmem:s29+$0xFFFFFFA0]  }
0x13a: {  	v7 =	vld [tilespmem:s30+$0xFFFFFFA0];
	v0 =	vadd.f32 v2, v0  }
0x13b: {  	[tilespmem:s7+$0xFFFFFF10] =	vst v4;
	v2 =	vld [tilespmem:s11+$0xFFFFFF70]  }
0x13c: {  	v4 =	vld [tilespmem:s29+$0xFFFFFF20];
	[tilespmem:s7+$0x10] =	vst v0;
	v0 =	vadd.f32 v1, v6  }
0x13d: {  	v1 =	vld [tilespmem:s30+$0xFFFFFF20]  }
0x13e: {  	v6 =	vld [tilespmem:s29+$0x20];
	[tilespmem:s7+$0xA0] =	vst v0  }
0x13f: {  	v0 =	vadd.f32 v7, v5;
	v5 =	vld [tilespmem:s29+$0xB0]  }
0x140: {  	v7 =	vld [tilespmem:s30+$0xB0];
	v2 =	vadd.f32 v2, v3  }
0x141: {  	[tilespmem:s7+$0xFFFFFFA0] =	vst v0;
	v0 =	vld [tilespmem:s30+$0x20]  }
0x142: {  	v1 =	vadd.f32 v1, v4;
	v3 =	vld [tilespmem:s29+$0xFFFFFFB0];
	[tilespmem:s8+$0xFFFFFF70] =	vst v2  }
0x143: {  	v2 =	vld [tilespmem:s30+$0xFFFFFFB0]  }
0x144: {  	[tilespmem:s7+$0xFFFFFF20] =	vst v1;
	v1 =	vld [tilespmem:s25+$0xFFFFFFF0]  }
0x145: {  	v4 =	vld [tilespmem:s29+$0xFFFFFF30];
	v5 =	vadd.f32 v7, v5  }
0x146: {  	v7 =	vld [tilespmem:s30+$0xFFFFFF30];
	v0 =	vadd.f32 v0, v6  }
0x147: {  	[tilespmem:s7+$0xB0] =	vst v5;
	v5 =	vld [tilespmem:s11+$0xFFFFFFF0]  }
0x148: {  	v2 =	vadd.f32 v2, v3;
	[tilespmem:s7+$0x20] =	vst v0;
	v0 =	vld [tilespmem:s29+$0xC0]  }
0x149: {  	v3 =	vld [tilespmem:s30+$0xC0]  }
0x14a: {  	[tilespmem:s7+$0xFFFFFFB0] =	vst v2;
	v2 =	vld [tilespmem:s29+$0x30]  }
0x14b: {  	v4 =	vadd.f32 v7, v4;
	v6 =	vld [tilespmem:s30+$0x30]  }
0x14c: {  	v7 =	vld [tilespmem:s29+$0xFFFFFFC0];
	v1 =	vadd.f32 v5, v1  }
0x14d: {  	[tilespmem:s7+$0xFFFFFF30] =	vst v4;
	v4 =	vld [tilespmem:s30+$0xFFFFFFC0]  }
0x14e: {  	v5 =	vld [tilespmem:s29+$0xFFFFFF40];
	v0 =	vadd.f32 v3, v0;
	[tilespmem:s8+$0xFFFFFFF0] =	vst v1  }
0x14f: {  	v1 =	vld [tilespmem:s30+$0xFFFFFF40]  }
0x150: {  	v2 =	vadd.f32 v6, v2;
	[tilespmem:s7+$0xC0] =	vst v0;
	v3 =	vld [tilespmem:s25+$0x70];
	s25 =	smov.u32 s29  }
0x151: {  	v0 =	vld [tilespmem:s29+$0xD0]  }
0x152: {  	v4 =	vadd.f32 v4, v7;
	[tilespmem:s7+$0x30] =	vst v2;
	v2 =	vld [tilespmem:s30+$0xD0]  }
0x153: {  	v6 =	vld [tilespmem:s29+$0x40]  }
0x154: {  	v1 =	vadd.f32 v1, v5;
	[tilespmem:s7+$0xFFFFFFC0] =	vst v4;
	v4 =	vld [tilespmem:s30+$0x40]  }
0x155: {  	v5 =	vld [tilespmem:s29+$0xFFFFFFD0]  }
0x156: {  	[tilespmem:s7+$0xFFFFFF40] =	vst v1;
	v1 =	vld [tilespmem:s30+$0xFFFFFFD0]  }
0x157: {  	v7 =	vld [tilespmem:s29+$0xFFFFFF50];
	v0 =	vadd.f32 v2, v0  }
0x158: {  	v2 =	vld [tilespmem:s30+$0xFFFFFF50]  }
0x159: {  	v4 =	vadd.f32 v4, v6;
	[tilespmem:s7+$0xD0] =	vst v0;
	v6 =	vld [tilespmem:s11+$0x70];
	s11 =	smov.u32 s30  }
0x15a: {  	v8 =	vld [tilespmem:s29+$0xE0]  }
0x15b: {  	v0 =	vadd.f32 v1, v5;
	[tilespmem:s7+$0x40] =	vst v4;
	v5 =	vld [tilespmem:s30+$0xE0]  }
0x15c: {  	v1 =	vld [tilespmem:s29+$0x50]  }
.Ltmp7:
0x15d: {  	v2 =	vadd.f32 v2, v7;
	[tilespmem:s7+$0xFFFFFFD0] =	vst v0;
	v4 =	vld [tilespmem:s30+$0x50];
	(pc) =	sbr.rel @p1 .LBB2_7-.Ltmp7, $4  }
0x15e: {  	v0 =	vld [tilespmem:s29+$0xFFFFFFE0];
	v7 =	vadd.f32 v6, v3  }
0x15f: {  	[tilespmem:s7+$0xFFFFFF50] =	vst v2;
	v3 =	vld [tilespmem:s30+$0xFFFFFFE0]  }
0x160: {  	v2 =	vld [tilespmem:s29+$0xFFFFFF60];
	v6 =	vadd.f32 v5, v8;
	[tilespmem:s8+$0x70] =	vst v7;
	s8 =	smov.u32 s7  }
0x161: {  	s29 =	sadd.s32 $0x200, s29;
	v5 =	vld [tilespmem:s30+$0xFFFFFF60]  }
0x162: {  	v1 =	vadd.f32 v4, v1;
	_ =	sdelay $0x1  }
0x163: {  	[tilespmem:s7+$0x50] =	vst v1  }
0x164: {  	v1 =	vld [tilespmem:s25+$0x60]  }
0x165: {  	v55 =	vld [tilespmem:s11+$0x60]  }
0x166: {  	[tilespmem:s7+$0xE0] =	vst v6;
	v0 =	vadd.f32 v3, v0  }
0x167: {  	v56 =	vld [tilespmem:s25+$0xF0]  }
0x168: {  	v57 =	vld [tilespmem:s11+$0xF0];
	v2 =	vadd.f32 v5, v2;
	[tilespmem:s7+$0xFFFFFFE0] =	vst v0  }
0x169: {  	v60 =	vld [tilespmem:s25+$0xFFFFFFF0]  }
0x16a: {  	v61 =	vld [tilespmem:s11+$0xFFFFFFF0];
	[tilespmem:s7+$0xFFFFFF60] =	vst v2;
	v58 =	vadd.f32 v55, v1  }
0x16b: {  	v2 =	vld [tilespmem:s25+$0xFFFFFF70]  }
0x16c: {  	v59 =	vld [tilespmem:s11+$0xFFFFFF70];
	[tilespmem:s8+$0x60] =	vst v58  }
0x16d: {  	v62 =	vld [tilespmem:s25+$0x70]  }
0x16e: {  	v7 =	vld [tilespmem:s11+$0x70];
	_ =	sdelay $0x1  }
0x16f: {  	v3 =	vadd.f32 v57, v56  }
0x170: {  	s30 =	smul.u32 $0x50, s24;
	v0 =	vadd.f32 v61, v60  }
0x171: {  	[tilespmem:s8+$0xF0] =	vst v3;
	v1 =	vadd.f32 v59, v2  }
0x172: {  	s7 =	sadd.s32 s6, s30;
	[tilespmem:s8+$0xFFFFFFF0] =	vst v0;
	v63 =	vadd.f32 v7, v62  }
0x173: {  	s7 =	sshll.u32 s7, $0x4;
	[tilespmem:s8+$0xFFFFFF70] =	vst v1  }
0x174: {  	p1 =	sgt.u32 s21, $0x4;
	s7 =	sadd.s32 s2, s7;
	[tilespmem:s8+$0x70] =	vst v63  }
0x175: {  	[hbm4b:s7+s3] =	stream.linear.scatter [tilespmem:s15], [sflag:$0x4], $0x2800, $0x38;
	[tilespmem:$0x1F000] =	vst v63  }
0x176: {  	s9 =	simm.s32 @!p1 $0x8800;
	s8 =	simm.s32 @!p1 $0x50;
	s7 =	sadd.s32 @!p1 $0x190, s22  }
0x177: {  	[tilespmem:s9], [sflag:$0x3] =	stream.indirect.gather @!p1 [hbm4b:s4+s8], $0x80, s7, s8, $0xb8;
	[tilespmem:$0x1F000] =	vst v63  }
0x178: {  	s7 =	sadd.s32 @!p1 $0x990, s22;
	s9 =	simm.s32 @!p1 $0xB000  }
0x179: {  	[tilespmem:s9], [sflag:$0x3] =	stream.indirect.gather @!p1 [hbm4b:s5+s8], $0x80, s7, s8, $0xb8;
	[tilespmem:$0x1F000] =	vst v63  }
.LBB2_9:
0x17a: {  	s24 =	sor.u32 $0x2, s23  }
0x17b: {  	p1 =	sgt.u32 s24, $0x18  }
.Ltmp8:
0x17c: {  	_ = 	snop;
	(pc) =	sbr.rel @p1 .LBB2_13-.Ltmp8, $1  }
0x17d: {  	_ =	sdelay $0x3  }
0x17e: {  	_ =	swait.ge [sflag:s16], $0x2800  }
0x17f: {  	[sflag:s16] =	ssyncset.done $0x0  }
0x180: {  	[sflag:s16] =	ssyncadd.s32 $0xFFFFD800  }
0x181: {  	_ =	swait.ge [sflag:s16], $0x2800  }
0x182: {  	[sflag:s16] =	ssyncset.done $0x0  }
0x183: {  	s7 =	simm.s32 @!p0 $0x6;
	[sflag:s16] =	ssyncadd.s32 $0xFFFFD800  }
0x184: {  	_ =	swait.ge @!p0 [sflag:s7], $0x2800  }
0x185: {  	[sflag:s7] =	ssyncset.done @!p0 $0x0  }
0x186: {  	s11 =	simm.s32 $0x10100;
	[sflag:s7] =	ssyncadd.s32 @!p0 $0xFFFFD800  }
0x187: {  	s25 =	simm.s32 $0x12900;
	v0 =	vld [tilespmem:s11+$0x80]  }
0x188: {  	v1 =	vld [tilespmem:s25+$0x80];
	_ =	sdelay $0x2  }
0x189: {  	v2 =	vld [tilespmem:s11+$0xFFFFFF80]  }
0x18a: {  	v3 =	vld [tilespmem:s25+$0xFFFFFF80]  }
0x18b: {  	v4 =	vld [tilespmem:s25+$0xFFFFFF00];
	v0 =	vadd.f32 v1, v0  }
0x18c: {  	s7 =	simm.s32 $0x15100;
	v1 =	vld [tilespmem:s11+$0xFFFFFF00]  }
0x18d: {  	[tilespmem:s7+$0x80] =	vst v0  }
0x18e: {  	v0 =	vld [tilespmem:s11+$0x90]  }
0x18f: {  	v2 =	vadd.f32 v3, v2;
	v3 =	vld [tilespmem:s25+$0x90]  }
0x190: {  	v5 =	vld [tilespmem:s11+$0x0]  }
0x191: {  	v6 =	vld [tilespmem:s25+$0x0];
	[tilespmem:s7+$0xFFFFFF80] =	vst v2;
	v1 =	vadd.f32 v4, v1  }
0x192: {  	v2 =	vld [tilespmem:s11+$0xFFFFFF90]  }
0x193: {  	v4 =	vld [tilespmem:s25+$0xFFFFFF90];
	[tilespmem:s7+$0xFFFFFF00] =	vst v1  }
0x194: {  	v1 =	vld [tilespmem:s11+$0xFFFFFF10];
	v0 =	vadd.f32 v3, v0  }
0x195: {  	v3 =	vld [tilespmem:s25+$0xFFFFFF10]  }
0x196: {  	v5 =	vadd.f32 v6, v5;
	[tilespmem:s7+$0x90] =	vst v0  }
0x197: {  	v0 =	vld [tilespmem:s11+$0xA0]  }
0x198: {  	[tilespmem:s7+$0x0] =	vst v5;
	v2 =	vadd.f32 v4, v2;
	v4 =	vld [tilespmem:s25+$0xA0]  }
0x199: {  	v5 =	vld [tilespmem:s11+$0x10]  }
0x19a: {  	v6 =	vld [tilespmem:s25+$0x10];
	[tilespmem:s7+$0xFFFFFF90] =	vst v2;
	v1 =	vadd.f32 v3, v1  }
0x19b: {  	v2 =	vld [tilespmem:s11+$0xFFFFFFA0]  }
0x19c: {  	v3 =	vld [tilespmem:s25+$0xFFFFFFA0];
	[tilespmem:s7+$0xFFFFFF10] =	vst v1  }
0x19d: {  	v1 =	vld [tilespmem:s11+$0xFFFFFF20];
	v0 =	vadd.f32 v4, v0  }
0x19e: {  	v4 =	vld [tilespmem:s25+$0xFFFFFF20]  }
0x19f: {  	v5 =	vadd.f32 v6, v5;
	[tilespmem:s7+$0xA0] =	vst v0  }
0x1a0: {  	v0 =	vld [tilespmem:s11+$0xB0]  }
0x1a1: {  	[tilespmem:s7+$0x10] =	vst v5;
	v2 =	vadd.f32 v3, v2;
	v3 =	vld [tilespmem:s25+$0xB0]  }
0x1a2: {  	v5 =	vld [tilespmem:s11+$0x20]  }
0x1a3: {  	[tilespmem:s7+$0xFFFFFFA0] =	vst v2;
	v2 =	vld [tilespmem:s25+$0x20];
	v1 =	vadd.f32 v4, v1  }
0x1a4: {  	v4 =	vld [tilespmem:s11+$0xFFFFFFB0]  }
0x1a5: {  	v6 =	vld [tilespmem:s25+$0xFFFFFFB0];
	[tilespmem:s7+$0xFFFFFF20] =	vst v1  }
0x1a6: {  	v1 =	vld [tilespmem:s11+$0xFFFFFF30];
	v0 =	vadd.f32 v3, v0  }
0x1a7: {  	v3 =	vld [tilespmem:s25+$0xFFFFFF30]  }
0x1a8: {  	v2 =	vadd.f32 v2, v5;
	[tilespmem:s7+$0xB0] =	vst v0  }
0x1a9: {  	v0 =	vld [tilespmem:s11+$0xC0]  }
0x1aa: {  	v4 =	vadd.f32 v6, v4;
	[tilespmem:s7+$0x20] =	vst v2;
	v2 =	vld [tilespmem:s25+$0xC0]  }
0x1ab: {  	v5 =	vld [tilespmem:s11+$0x30]  }
0x1ac: {  	[tilespmem:s7+$0xFFFFFFB0] =	vst v4;
	v1 =	vadd.f32 v3, v1;
	v3 =	vld [tilespmem:s25+$0x30]  }
0x1ad: {  	v4 =	vld [tilespmem:s11+$0xFFFFFFC0]  }
0x1ae: {  	[tilespmem:s7+$0xFFFFFF30] =	vst v1;
	v1 =	vld [tilespmem:s25+$0xFFFFFFC0]  }
0x1af: {  	v6 =	vld [tilespmem:s11+$0xFFFFFF40];
	v0 =	vadd.f32 v2, v0  }
0x1b0: {  	v2 =	vld [tilespmem:s25+$0xFFFFFF40]  }
0x1b1: {  	v3 =	vadd.f32 v3, v5;
	[tilespmem:s7+$0xC0] =	vst v0  }
0x1b2: {  	v0 =	vld [tilespmem:s11+$0xD0]  }
0x1b3: {  	v1 =	vadd.f32 v1, v4;
	[tilespmem:s7+$0x30] =	vst v3;
	v3 =	vld [tilespmem:s25+$0xD0]  }
0x1b4: {  	v4 =	vld [tilespmem:s11+$0x40]  }
0x1b5: {  	v2 =	vadd.f32 v2, v6;
	[tilespmem:s7+$0xFFFFFFC0] =	vst v1;
	v1 =	vld [tilespmem:s25+$0x40]  }
0x1b6: {  	v5 =	vld [tilespmem:s11+$0xFFFFFFD0]  }
0x1b7: {  	[tilespmem:s7+$0xFFFFFF40] =	vst v2;
	v2 =	vld [tilespmem:s25+$0xFFFFFFD0]  }
0x1b8: {  	v6 =	vld [tilespmem:s11+$0xFFFFFF50];
	v0 =	vadd.f32 v3, v0  }
0x1b9: {  	v3 =	vld [tilespmem:s25+$0xFFFFFF50]  }
0x1ba: {  	v1 =	vadd.f32 v1, v4;
	[tilespmem:s7+$0xD0] =	vst v0  }
0x1bb: {  	v7 =	vld [tilespmem:s11+$0xE0]  }
0x1bc: {  	v0 =	vadd.f32 v2, v5;
	v5 =	vld [tilespmem:s25+$0xE0];
	[tilespmem:s7+$0x40] =	vst v1  }
0x1bd: {  	v1 =	vld [tilespmem:s11+$0x50]  }
0x1be: {  	v2 =	vadd.f32 v3, v6;
	[tilespmem:s7+$0xFFFFFFD0] =	vst v0;
	v4 =	vld [tilespmem:s25+$0x50]  }
0x1bf: {  	v0 =	vld [tilespmem:s11+$0xFFFFFFE0]  }
0x1c0: {  	v3 =	vld [tilespmem:s25+$0xFFFFFFE0];
	[tilespmem:s7+$0xFFFFFF50] =	vst v2  }
0x1c1: {  	s9 =	simm.s32 $0x0;
	v2 =	vld [tilespmem:s11+$0xFFFFFF60];
	v6 =	vadd.f32 v5, v7  }
0x1c2: {  	s29 =	simm.s32 $0x10300;
	s30 =	simm.s32 $0x12900;
	s8 =	simm.s32 $0x15100;
	v5 =	vld [tilespmem:s25+$0xFFFFFF60]  }
.LBB2_11:
0x1c3: {  	v7 =	vld [tilespmem:s29+$0x80];
	v1 =	vadd.f32 v4, v1;
	[tilespmem:s7+$0xE0] =	vst v6  }
0x1c4: {  	v4 =	vld [tilespmem:s11+$0xF0]  }
0x1c5: {  	s30 =	sadd.s32 $0x200, s30;
	v0 =	vadd.f32 v3, v0;
	[tilespmem:s7+$0x50] =	vst v1;
	v1 =	vld [tilespmem:s25+$0xF0]  }
0x1c6: {  	v3 =	vld [tilespmem:s30+$0x80]  }
0x1c7: {  	v6 =	vld [tilespmem:s30+$0xFFFFFF00];
	v2 =	vadd.f32 v5, v2;
	[tilespmem:s7+$0xFFFFFFE0] =	vst v0  }
0x1c8: {  	v0 =	vld [tilespmem:s29+$0xFFFFFF80]  }
0x1c9: {  	v5 =	vld [tilespmem:s30+$0xFFFFFF80];
	[tilespmem:s7+$0xFFFFFF60] =	vst v2  }
0x1ca: {  	v2 =	vld [tilespmem:s29+$0x0];
	v1 =	vadd.f32 v1, v4  }
0x1cb: {  	v4 =	vld [tilespmem:s30+$0x0];
	v3 =	vadd.f32 v3, v7  }
0x1cc: {  	s7 =	sadd.s32 $0x200, s7;
	v7 =	vld [tilespmem:s29+$0xFFFFFF00];
	[tilespmem:s8+$0xF0] =	vst v1  }
0x1cd: {  	s9 =	sadd.s32 $0x4, s9;
	[tilespmem:s7+$0x80] =	vst v3;
	v1 =	vld [tilespmem:s11+$0x60]  }
0x1ce: {  	p1 =	slt.u32 s9, $0x4C;
	v0 =	vadd.f32 v5, v0;
	v3 =	vld [tilespmem:s29+$0x90]  }
0x1cf: {  	v5 =	vld [tilespmem:s30+$0x90]  }
0x1d0: {  	[tilespmem:s7+$0xFFFFFF80] =	vst v0;
	v0 =	vadd.f32 v4, v2;
	v2 =	vld [tilespmem:s25+$0x60]  }
0x1d1: {  	v4 =	vadd.f32 v6, v7;
	v6 =	vld [tilespmem:s29+$0xFFFFFF90]  }
0x1d2: {  	v7 =	vld [tilespmem:s30+$0xFFFFFF90];
	[tilespmem:s7+$0x0] =	vst v0  }
0x1d3: {  	[tilespmem:s7+$0xFFFFFF00] =	vst v4;
	v0 =	vld [tilespmem:s29+$0x10]  }
0x1d4: {  	v4 =	vld [tilespmem:s29+$0xFFFFFF10];
	v3 =	vadd.f32 v5, v3  }
0x1d5: {  	v5 =	vld [tilespmem:s30+$0xFFFFFF10];
	v1 =	vadd.f32 v2, v1  }
0x1d6: {  	v2 =	vld [tilespmem:s30+$0x10];
	[tilespmem:s7+$0x90] =	vst v3  }
0x1d7: {  	v3 =	vadd.f32 v7, v6;
	v6 =	vld [tilespmem:s29+$0xA0];
	[tilespmem:s8+$0x60] =	vst v1  }
0x1d8: {  	v1 =	vld [tilespmem:s30+$0xA0]  }
0x1d9: {  	[tilespmem:s7+$0xFFFFFF90] =	vst v3;
	v3 =	vld [tilespmem:s11+$0xFFFFFF70]  }
0x1da: {  	v4 =	vadd.f32 v5, v4;
	v5 =	vld [tilespmem:s29+$0xFFFFFFA0]  }
0x1db: {  	v7 =	vld [tilespmem:s30+$0xFFFFFFA0];
	v0 =	vadd.f32 v2, v0  }
0x1dc: {  	[tilespmem:s7+$0xFFFFFF10] =	vst v4;
	v2 =	vld [tilespmem:s25+$0xFFFFFF70]  }
0x1dd: {  	v4 =	vld [tilespmem:s29+$0xFFFFFF20];
	[tilespmem:s7+$0x10] =	vst v0;
	v0 =	vadd.f32 v1, v6  }
0x1de: {  	v1 =	vld [tilespmem:s30+$0xFFFFFF20]  }
0x1df: {  	v6 =	vld [tilespmem:s29+$0x20];
	[tilespmem:s7+$0xA0] =	vst v0  }
0x1e0: {  	v0 =	vadd.f32 v7, v5;
	v5 =	vld [tilespmem:s29+$0xB0]  }
0x1e1: {  	v7 =	vld [tilespmem:s30+$0xB0];
	v2 =	vadd.f32 v2, v3  }
0x1e2: {  	[tilespmem:s7+$0xFFFFFFA0] =	vst v0;
	v0 =	vld [tilespmem:s30+$0x20]  }
0x1e3: {  	v1 =	vadd.f32 v1, v4;
	v3 =	vld [tilespmem:s29+$0xFFFFFFB0];
	[tilespmem:s8+$0xFFFFFF70] =	vst v2  }
0x1e4: {  	v2 =	vld [tilespmem:s30+$0xFFFFFFB0]  }
0x1e5: {  	[tilespmem:s7+$0xFFFFFF20] =	vst v1;
	v1 =	vld [tilespmem:s11+$0xFFFFFFF0]  }
0x1e6: {  	v4 =	vld [tilespmem:s29+$0xFFFFFF30];
	v5 =	vadd.f32 v7, v5  }
0x1e7: {  	v7 =	vld [tilespmem:s30+$0xFFFFFF30];
	v0 =	vadd.f32 v0, v6  }
0x1e8: {  	[tilespmem:s7+$0xB0] =	vst v5;
	v5 =	vld [tilespmem:s25+$0xFFFFFFF0]  }
0x1e9: {  	v2 =	vadd.f32 v2, v3;
	[tilespmem:s7+$0x20] =	vst v0;
	v0 =	vld [tilespmem:s29+$0xC0]  }
0x1ea: {  	v3 =	vld [tilespmem:s30+$0xC0]  }
0x1eb: {  	[tilespmem:s7+$0xFFFFFFB0] =	vst v2;
	v2 =	vld [tilespmem:s29+$0x30]  }
0x1ec: {  	v4 =	vadd.f32 v7, v4;
	v6 =	vld [tilespmem:s30+$0x30]  }
0x1ed: {  	v7 =	vld [tilespmem:s29+$0xFFFFFFC0];
	v1 =	vadd.f32 v5, v1  }
0x1ee: {  	[tilespmem:s7+$0xFFFFFF30] =	vst v4;
	v4 =	vld [tilespmem:s30+$0xFFFFFFC0]  }
0x1ef: {  	v5 =	vld [tilespmem:s29+$0xFFFFFF40];
	v0 =	vadd.f32 v3, v0;
	[tilespmem:s8+$0xFFFFFFF0] =	vst v1  }
0x1f0: {  	v1 =	vld [tilespmem:s30+$0xFFFFFF40]  }
0x1f1: {  	v2 =	vadd.f32 v6, v2;
	[tilespmem:s7+$0xC0] =	vst v0;
	v3 =	vld [tilespmem:s11+$0x70];
	s11 =	smov.u32 s29  }
0x1f2: {  	v0 =	vld [tilespmem:s29+$0xD0]  }
0x1f3: {  	v4 =	vadd.f32 v4, v7;
	[tilespmem:s7+$0x30] =	vst v2;
	v2 =	vld [tilespmem:s30+$0xD0]  }
0x1f4: {  	v6 =	vld [tilespmem:s29+$0x40]  }
0x1f5: {  	v1 =	vadd.f32 v1, v5;
	[tilespmem:s7+$0xFFFFFFC0] =	vst v4;
	v4 =	vld [tilespmem:s30+$0x40]  }
0x1f6: {  	v5 =	vld [tilespmem:s29+$0xFFFFFFD0]  }
0x1f7: {  	[tilespmem:s7+$0xFFFFFF40] =	vst v1;
	v1 =	vld [tilespmem:s30+$0xFFFFFFD0]  }
0x1f8: {  	v7 =	vld [tilespmem:s29+$0xFFFFFF50];
	v0 =	vadd.f32 v2, v0  }
0x1f9: {  	v2 =	vld [tilespmem:s30+$0xFFFFFF50]  }
0x1fa: {  	v4 =	vadd.f32 v4, v6;
	[tilespmem:s7+$0xD0] =	vst v0;
	v6 =	vld [tilespmem:s25+$0x70];
	s25 =	smov.u32 s30  }
0x1fb: {  	v8 =	vld [tilespmem:s29+$0xE0]  }
0x1fc: {  	v0 =	vadd.f32 v1, v5;
	[tilespmem:s7+$0x40] =	vst v4;
	v5 =	vld [tilespmem:s30+$0xE0]  }
0x1fd: {  	v1 =	vld [tilespmem:s29+$0x50]  }
.Ltmp9:
0x1fe: {  	v2 =	vadd.f32 v2, v7;
	[tilespmem:s7+$0xFFFFFFD0] =	vst v0;
	v4 =	vld [tilespmem:s30+$0x50];
	(pc) =	sbr.rel @p1 .LBB2_11-.Ltmp9, $4  }
0x1ff: {  	v0 =	vld [tilespmem:s29+$0xFFFFFFE0];
	v7 =	vadd.f32 v6, v3  }
0x200: {  	[tilespmem:s7+$0xFFFFFF50] =	vst v2;
	v3 =	vld [tilespmem:s30+$0xFFFFFFE0]  }
0x201: {  	v2 =	vld [tilespmem:s29+$0xFFFFFF60];
	v6 =	vadd.f32 v5, v8;
	[tilespmem:s8+$0x70] =	vst v7;
	s8 =	smov.u32 s7  }
0x202: {  	s29 =	sadd.s32 $0x200, s29;
	v5 =	vld [tilespmem:s30+$0xFFFFFF60]  }
0x203: {  	v1 =	vadd.f32 v4, v1;
	_ =	sdelay $0x1  }
0x204: {  	[tilespmem:s7+$0x50] =	vst v1  }
0x205: {  	v1 =	vld [tilespmem:s11+$0x60]  }
0x206: {  	v55 =	vld [tilespmem:s25+$0x60]  }
0x207: {  	[tilespmem:s7+$0xE0] =	vst v6;
	v0 =	vadd.f32 v3, v0  }
0x208: {  	v56 =	vld [tilespmem:s11+$0xF0]  }
0x209: {  	v57 =	vld [tilespmem:s25+$0xF0];
	v2 =	vadd.f32 v5, v2;
	[tilespmem:s7+$0xFFFFFFE0] =	vst v0  }
0x20a: {  	v60 =	vld [tilespmem:s11+$0xFFFFFFF0]  }
0x20b: {  	v61 =	vld [tilespmem:s25+$0xFFFFFFF0];
	[tilespmem:s7+$0xFFFFFF60] =	vst v2;
	v58 =	vadd.f32 v55, v1  }
0x20c: {  	v2 =	vld [tilespmem:s11+$0xFFFFFF70]  }
0x20d: {  	v59 =	vld [tilespmem:s25+$0xFFFFFF70];
	[tilespmem:s8+$0x60] =	vst v58  }
0x20e: {  	v62 =	vld [tilespmem:s11+$0x70]  }
0x20f: {  	v7 =	vld [tilespmem:s25+$0x70];
	_ =	sdelay $0x1  }
0x210: {  	v3 =	vadd.f32 v57, v56  }
0x211: {  	s30 =	smul.u32 $0x50, s24;
	v0 =	vadd.f32 v61, v60  }
0x212: {  	[tilespmem:s8+$0xF0] =	vst v3;
	v1 =	vadd.f32 v59, v2  }
0x213: {  	s7 =	sadd.s32 s6, s30;
	[tilespmem:s8+$0xFFFFFFF0] =	vst v0;
	v63 =	vadd.f32 v7, v62  }
0x214: {  	s7 =	sshll.u32 s7, $0x4;
	[tilespmem:s8+$0xFFFFFF70] =	vst v1  }
0x215: {  	p1 =	sgt.u32 s21, $0x4;
	s7 =	sadd.s32 s2, s7;
	[tilespmem:s8+$0x70] =	vst v63  }
0x216: {  	[hbm4b:s7+s3] =	stream.linear.scatter [tilespmem:s17], [sflag:$0x6], $0x2800, $0x38;
	[tilespmem:$0x1F000] =	vst v63  }
0x217: {  	s9 =	simm.s32 @!p1 $0x10000;
	s8 =	simm.s32 @!p1 $0x50;
	s7 =	sadd.s32 @!p1 $0x1E0, s22  }
0x218: {  	[tilespmem:s9], [sflag:$0x5] =	stream.indirect.gather @!p1 [hbm4b:s4+s8], $0x80, s7, s8, $0xb8;
	[tilespmem:$0x1F000] =	vst v63  }
0x219: {  	s7 =	sadd.s32 @!p1 $0x9E0, s22;
	s9 =	simm.s32 @!p1 $0x12800  }
0x21a: {  	[tilespmem:s9], [sflag:$0x5] =	stream.indirect.gather @!p1 [hbm4b:s5+s8], $0x80, s7, s8, $0xb8;
	[tilespmem:$0x1F000] =	vst v63  }
.LBB2_13:
0x21b: {  	s23 =	sor.u32 $0x3, s23  }
0x21c: {  	p1 =	sgt.u32 s23, $0x18  }
.Ltmp10:
0x21d: {  	_ = 	snop;
	(pc) =	sbr.rel @p1 .LBB2_17-.Ltmp10, $1  }
0x21e: {  	_ =	sdelay $0x3  }
0x21f: {  	_ =	swait.ge [sflag:s18], $0x2800  }
0x220: {  	[sflag:s18] =	ssyncset.done $0x0  }
0x221: {  	[sflag:s18] =	ssyncadd.s32 $0xFFFFD800  }
0x222: {  	_ =	swait.ge [sflag:s18], $0x2800  }
0x223: {  	[sflag:s18] =	ssyncset.done $0x0  }
0x224: {  	s7 =	simm.s32 @!p0 $0x8;
	[sflag:s18] =	ssyncadd.s32 $0xFFFFD800  }
0x225: {  	_ =	swait.ge @!p0 [sflag:s7], $0x2800  }
0x226: {  	[sflag:s7] =	ssyncset.done @!p0 $0x0  }
0x227: {  	s11 =	simm.s32 $0x17900;
	[sflag:s7] =	ssyncadd.s32 @!p0 $0xFFFFD800  }
0x228: {  	s24 =	simm.s32 $0x1A100;
	v0 =	vld [tilespmem:s11+$0x80]  }
0x229: {  	v1 =	vld [tilespmem:s24+$0x80];
	_ =	sdelay $0x2  }
0x22a: {  	v2 =	vld [tilespmem:s11+$0xFFFFFF80]  }
0x22b: {  	v3 =	vld [tilespmem:s24+$0xFFFFFF80]  }
0x22c: {  	v4 =	vld [tilespmem:s24+$0xFFFFFF00];
	v0 =	vadd.f32 v1, v0  }
0x22d: {  	s7 =	simm.s32 $0x1C900;
	v1 =	vld [tilespmem:s11+$0xFFFFFF00]  }
0x22e: {  	[tilespmem:s7+$0x80] =	vst v0  }
0x22f: {  	v0 =	vld [tilespmem:s11+$0x90]  }
0x230: {  	v2 =	vadd.f32 v3, v2;
	v3 =	vld [tilespmem:s24+$0x90]  }
0x231: {  	v5 =	vld [tilespmem:s11+$0x0]  }
0x232: {  	v6 =	vld [tilespmem:s24+$0x0];
	[tilespmem:s7+$0xFFFFFF80] =	vst v2;
	v1 =	vadd.f32 v4, v1  }
0x233: {  	v2 =	vld [tilespmem:s11+$0xFFFFFF90]  }
0x234: {  	v4 =	vld [tilespmem:s24+$0xFFFFFF90];
	[tilespmem:s7+$0xFFFFFF00] =	vst v1  }
0x235: {  	v1 =	vld [tilespmem:s11+$0xFFFFFF10];
	v0 =	vadd.f32 v3, v0  }
0x236: {  	v3 =	vld [tilespmem:s24+$0xFFFFFF10]  }
0x237: {  	v5 =	vadd.f32 v6, v5;
	[tilespmem:s7+$0x90] =	vst v0  }
0x238: {  	v0 =	vld [tilespmem:s11+$0xA0]  }
0x239: {  	[tilespmem:s7+$0x0] =	vst v5;
	v2 =	vadd.f32 v4, v2;
	v4 =	vld [tilespmem:s24+$0xA0]  }
0x23a: {  	v5 =	vld [tilespmem:s11+$0x10]  }
0x23b: {  	v6 =	vld [tilespmem:s24+$0x10];
	[tilespmem:s7+$0xFFFFFF90] =	vst v2;
	v1 =	vadd.f32 v3, v1  }
0x23c: {  	v2 =	vld [tilespmem:s11+$0xFFFFFFA0]  }
0x23d: {  	v3 =	vld [tilespmem:s24+$0xFFFFFFA0];
	[tilespmem:s7+$0xFFFFFF10] =	vst v1  }
0x23e: {  	v1 =	vld [tilespmem:s11+$0xFFFFFF20];
	v0 =	vadd.f32 v4, v0  }
0x23f: {  	v4 =	vld [tilespmem:s24+$0xFFFFFF20]  }
0x240: {  	v5 =	vadd.f32 v6, v5;
	[tilespmem:s7+$0xA0] =	vst v0  }
0x241: {  	v0 =	vld [tilespmem:s11+$0xB0]  }
0x242: {  	[tilespmem:s7+$0x10] =	vst v5;
	v2 =	vadd.f32 v3, v2;
	v3 =	vld [tilespmem:s24+$0xB0]  }
0x243: {  	v5 =	vld [tilespmem:s11+$0x20]  }
0x244: {  	[tilespmem:s7+$0xFFFFFFA0] =	vst v2;
	v2 =	vld [tilespmem:s24+$0x20];
	v1 =	vadd.f32 v4, v1  }
0x245: {  	v4 =	vld [tilespmem:s11+$0xFFFFFFB0]  }
0x246: {  	v6 =	vld [tilespmem:s24+$0xFFFFFFB0];
	[tilespmem:s7+$0xFFFFFF20] =	vst v1  }
0x247: {  	v1 =	vld [tilespmem:s11+$0xFFFFFF30];
	v0 =	vadd.f32 v3, v0  }
0x248: {  	v3 =	vld [tilespmem:s24+$0xFFFFFF30]  }
0x249: {  	v2 =	vadd.f32 v2, v5;
	[tilespmem:s7+$0xB0] =	vst v0  }
0x24a: {  	v0 =	vld [tilespmem:s11+$0xC0]  }
0x24b: {  	v4 =	vadd.f32 v6, v4;
	[tilespmem:s7+$0x20] =	vst v2;
	v2 =	vld [tilespmem:s24+$0xC0]  }
0x24c: {  	v5 =	vld [tilespmem:s11+$0x30]  }
0x24d: {  	[tilespmem:s7+$0xFFFFFFB0] =	vst v4;
	v1 =	vadd.f32 v3, v1;
	v3 =	vld [tilespmem:s24+$0x30]  }
0x24e: {  	v4 =	vld [tilespmem:s11+$0xFFFFFFC0]  }
0x24f: {  	[tilespmem:s7+$0xFFFFFF30] =	vst v1;
	v1 =	vld [tilespmem:s24+$0xFFFFFFC0]  }
0x250: {  	v6 =	vld [tilespmem:s11+$0xFFFFFF40];
	v0 =	vadd.f32 v2, v0  }
0x251: {  	v2 =	vld [tilespmem:s24+$0xFFFFFF40]  }
0x252: {  	v3 =	vadd.f32 v3, v5;
	[tilespmem:s7+$0xC0] =	vst v0  }
0x253: {  	v0 =	vld [tilespmem:s11+$0xD0]  }
0x254: {  	v1 =	vadd.f32 v1, v4;
	[tilespmem:s7+$0x30] =	vst v3;
	v3 =	vld [tilespmem:s24+$0xD0]  }
0x255: {  	v4 =	vld [tilespmem:s11+$0x40]  }
0x256: {  	v2 =	vadd.f32 v2, v6;
	[tilespmem:s7+$0xFFFFFFC0] =	vst v1;
	v1 =	vld [tilespmem:s24+$0x40]  }
0x257: {  	v5 =	vld [tilespmem:s11+$0xFFFFFFD0]  }
0x258: {  	[tilespmem:s7+$0xFFFFFF40] =	vst v2;
	v2 =	vld [tilespmem:s24+$0xFFFFFFD0]  }
0x259: {  	v6 =	vld [tilespmem:s11+$0xFFFFFF50];
	v0 =	vadd.f32 v3, v0  }
0x25a: {  	v3 =	vld [tilespmem:s24+$0xFFFFFF50]  }
0x25b: {  	v1 =	vadd.f32 v1, v4;
	[tilespmem:s7+$0xD0] =	vst v0  }
0x25c: {  	v7 =	vld [tilespmem:s11+$0xE0]  }
0x25d: {  	v0 =	vadd.f32 v2, v5;
	v5 =	vld [tilespmem:s24+$0xE0];
	[tilespmem:s7+$0x40] =	vst v1  }
0x25e: {  	v1 =	vld [tilespmem:s11+$0x50]  }
0x25f: {  	v2 =	vadd.f32 v3, v6;
	[tilespmem:s7+$0xFFFFFFD0] =	vst v0;
	v4 =	vld [tilespmem:s24+$0x50]  }
0x260: {  	v0 =	vld [tilespmem:s11+$0xFFFFFFE0]  }
0x261: {  	v3 =	vld [tilespmem:s24+$0xFFFFFFE0];
	[tilespmem:s7+$0xFFFFFF50] =	vst v2  }
0x262: {  	s9 =	simm.s32 $0x0;
	v2 =	vld [tilespmem:s11+$0xFFFFFF60];
	v6 =	vadd.f32 v5, v7  }
0x263: {  	s25 =	simm.s32 $0x17B00;
	s29 =	simm.s32 $0x1A100;
	s8 =	simm.s32 $0x1C900;
	v5 =	vld [tilespmem:s24+$0xFFFFFF60]  }
.LBB2_15:
0x264: {  	v7 =	vld [tilespmem:s25+$0x80];
	v1 =	vadd.f32 v4, v1;
	[tilespmem:s7+$0xE0] =	vst v6  }
0x265: {  	v4 =	vld [tilespmem:s11+$0xF0]  }
0x266: {  	s29 =	sadd.s32 $0x200, s29;
	v0 =	vadd.f32 v3, v0;
	[tilespmem:s7+$0x50] =	vst v1;
	v1 =	vld [tilespmem:s24+$0xF0]  }
0x267: {  	v3 =	vld [tilespmem:s29+$0x80]  }
0x268: {  	v6 =	vld [tilespmem:s29+$0xFFFFFF00];
	v2 =	vadd.f32 v5, v2;
	[tilespmem:s7+$0xFFFFFFE0] =	vst v0  }
0x269: {  	v0 =	vld [tilespmem:s25+$0xFFFFFF80]  }
0x26a: {  	v5 =	vld [tilespmem:s29+$0xFFFFFF80];
	[tilespmem:s7+$0xFFFFFF60] =	vst v2  }
0x26b: {  	v2 =	vld [tilespmem:s25+$0x0];
	v1 =	vadd.f32 v1, v4  }
0x26c: {  	v4 =	vld [tilespmem:s29+$0x0];
	v3 =	vadd.f32 v3, v7  }
0x26d: {  	s7 =	sadd.s32 $0x200, s7;
	v7 =	vld [tilespmem:s25+$0xFFFFFF00];
	[tilespmem:s8+$0xF0] =	vst v1  }
0x26e: {  	s9 =	sadd.s32 $0x4, s9;
	[tilespmem:s7+$0x80] =	vst v3;
	v1 =	vld [tilespmem:s11+$0x60]  }
0x26f: {  	p0 =	slt.u32 s9, $0x4C;
	v0 =	vadd.f32 v5, v0;
	v3 =	vld [tilespmem:s25+$0x90]  }
0x270: {  	v5 =	vld [tilespmem:s29+$0x90]  }
0x271: {  	[tilespmem:s7+$0xFFFFFF80] =	vst v0;
	v0 =	vadd.f32 v4, v2;
	v2 =	vld [tilespmem:s24+$0x60]  }
0x272: {  	v4 =	vadd.f32 v6, v7;
	v6 =	vld [tilespmem:s25+$0xFFFFFF90]  }
0x273: {  	v7 =	vld [tilespmem:s29+$0xFFFFFF90];
	[tilespmem:s7+$0x0] =	vst v0  }
0x274: {  	[tilespmem:s7+$0xFFFFFF00] =	vst v4;
	v0 =	vld [tilespmem:s25+$0x10]  }
0x275: {  	v4 =	vld [tilespmem:s25+$0xFFFFFF10];
	v3 =	vadd.f32 v5, v3  }
0x276: {  	v5 =	vld [tilespmem:s29+$0xFFFFFF10];
	v1 =	vadd.f32 v2, v1  }
0x277: {  	v2 =	vld [tilespmem:s29+$0x10];
	[tilespmem:s7+$0x90] =	vst v3  }
0x278: {  	v3 =	vadd.f32 v7, v6;
	v6 =	vld [tilespmem:s25+$0xA0];
	[tilespmem:s8+$0x60] =	vst v1  }
0x279: {  	v1 =	vld [tilespmem:s29+$0xA0]  }
0x27a: {  	[tilespmem:s7+$0xFFFFFF90] =	vst v3;
	v3 =	vld [tilespmem:s11+$0xFFFFFF70]  }
0x27b: {  	v4 =	vadd.f32 v5, v4;
	v5 =	vld [tilespmem:s25+$0xFFFFFFA0]  }
0x27c: {  	v7 =	vld [tilespmem:s29+$0xFFFFFFA0];
	v0 =	vadd.f32 v2, v0  }
0x27d: {  	[tilespmem:s7+$0xFFFFFF10] =	vst v4;
	v2 =	vld [tilespmem:s24+$0xFFFFFF70]  }
0x27e: {  	v4 =	vld [tilespmem:s25+$0xFFFFFF20];
	[tilespmem:s7+$0x10] =	vst v0;
	v0 =	vadd.f32 v1, v6  }
0x27f: {  	v1 =	vld [tilespmem:s29+$0xFFFFFF20]  }
0x280: {  	v6 =	vld [tilespmem:s25+$0x20];
	[tilespmem:s7+$0xA0] =	vst v0  }
0x281: {  	v0 =	vadd.f32 v7, v5;
	v5 =	vld [tilespmem:s25+$0xB0]  }
0x282: {  	v7 =	vld [tilespmem:s29+$0xB0];
	v2 =	vadd.f32 v2, v3  }
0x283: {  	[tilespmem:s7+$0xFFFFFFA0] =	vst v0;
	v0 =	vld [tilespmem:s29+$0x20]  }
0x284: {  	v1 =	vadd.f32 v1, v4;
	v3 =	vld [tilespmem:s25+$0xFFFFFFB0];
	[tilespmem:s8+$0xFFFFFF70] =	vst v2  }
0x285: {  	v2 =	vld [tilespmem:s29+$0xFFFFFFB0]  }
0x286: {  	[tilespmem:s7+$0xFFFFFF20] =	vst v1;
	v1 =	vld [tilespmem:s11+$0xFFFFFFF0]  }
0x287: {  	v4 =	vld [tilespmem:s25+$0xFFFFFF30];
	v5 =	vadd.f32 v7, v5  }
0x288: {  	v7 =	vld [tilespmem:s29+$0xFFFFFF30];
	v0 =	vadd.f32 v0, v6  }
0x289: {  	[tilespmem:s7+$0xB0] =	vst v5;
	v5 =	vld [tilespmem:s24+$0xFFFFFFF0]  }
0x28a: {  	v2 =	vadd.f32 v2, v3;
	[tilespmem:s7+$0x20] =	vst v0;
	v0 =	vld [tilespmem:s25+$0xC0]  }
0x28b: {  	v3 =	vld [tilespmem:s29+$0xC0]  }
0x28c: {  	[tilespmem:s7+$0xFFFFFFB0] =	vst v2;
	v2 =	vld [tilespmem:s25+$0x30]  }
0x28d: {  	v4 =	vadd.f32 v7, v4;
	v6 =	vld [tilespmem:s29+$0x30]  }
0x28e: {  	v7 =	vld [tilespmem:s25+$0xFFFFFFC0];
	v1 =	vadd.f32 v5, v1  }
0x28f: {  	[tilespmem:s7+$0xFFFFFF30] =	vst v4;
	v4 =	vld [tilespmem:s29+$0xFFFFFFC0]  }
0x290: {  	v5 =	vld [tilespmem:s25+$0xFFFFFF40];
	v0 =	vadd.f32 v3, v0;
	[tilespmem:s8+$0xFFFFFFF0] =	vst v1  }
0x291: {  	v1 =	vld [tilespmem:s29+$0xFFFFFF40]  }
0x292: {  	v2 =	vadd.f32 v6, v2;
	[tilespmem:s7+$0xC0] =	vst v0;
	v3 =	vld [tilespmem:s11+$0x70];
	s11 =	smov.u32 s25  }
0x293: {  	v0 =	vld [tilespmem:s25+$0xD0]  }
0x294: {  	v4 =	vadd.f32 v4, v7;
	[tilespmem:s7+$0x30] =	vst v2;
	v2 =	vld [tilespmem:s29+$0xD0]  }
0x295: {  	v6 =	vld [tilespmem:s25+$0x40]  }
0x296: {  	v1 =	vadd.f32 v1, v5;
	[tilespmem:s7+$0xFFFFFFC0] =	vst v4;
	v4 =	vld [tilespmem:s29+$0x40]  }
0x297: {  	v5 =	vld [tilespmem:s25+$0xFFFFFFD0]  }
0x298: {  	[tilespmem:s7+$0xFFFFFF40] =	vst v1;
	v1 =	vld [tilespmem:s29+$0xFFFFFFD0]  }
0x299: {  	v7 =	vld [tilespmem:s25+$0xFFFFFF50];
	v0 =	vadd.f32 v2, v0  }
0x29a: {  	v2 =	vld [tilespmem:s29+$0xFFFFFF50]  }
0x29b: {  	v4 =	vadd.f32 v4, v6;
	[tilespmem:s7+$0xD0] =	vst v0;
	v6 =	vld [tilespmem:s24+$0x70];
	s24 =	smov.u32 s29  }
0x29c: {  	v8 =	vld [tilespmem:s25+$0xE0]  }
0x29d: {  	v0 =	vadd.f32 v1, v5;
	[tilespmem:s7+$0x40] =	vst v4;
	v5 =	vld [tilespmem:s29+$0xE0]  }
0x29e: {  	v1 =	vld [tilespmem:s25+$0x50]  }
.Ltmp11:
0x29f: {  	v2 =	vadd.f32 v2, v7;
	[tilespmem:s7+$0xFFFFFFD0] =	vst v0;
	v4 =	vld [tilespmem:s29+$0x50];
	(pc) =	sbr.rel @p0 .LBB2_15-.Ltmp11, $4  }
0x2a0: {  	v0 =	vld [tilespmem:s25+$0xFFFFFFE0];
	v7 =	vadd.f32 v6, v3  }
0x2a1: {  	[tilespmem:s7+$0xFFFFFF50] =	vst v2;
	v3 =	vld [tilespmem:s29+$0xFFFFFFE0]  }
0x2a2: {  	v2 =	vld [tilespmem:s25+$0xFFFFFF60];
	v6 =	vadd.f32 v5, v8;
	[tilespmem:s8+$0x70] =	vst v7;
	s8 =	smov.u32 s7  }
0x2a3: {  	s25 =	sadd.s32 $0x200, s25;
	v5 =	vld [tilespmem:s29+$0xFFFFFF60]  }
0x2a4: {  	v1 =	vadd.f32 v4, v1;
	_ =	sdelay $0x1  }
0x2a5: {  	[tilespmem:s7+$0x50] =	vst v1  }
0x2a6: {  	v1 =	vld [tilespmem:s11+$0x60]  }
0x2a7: {  	v55 =	vld [tilespmem:s24+$0x60]  }
0x2a8: {  	[tilespmem:s7+$0xE0] =	vst v6;
	v0 =	vadd.f32 v3, v0  }
0x2a9: {  	v56 =	vld [tilespmem:s11+$0xF0]  }
0x2aa: {  	v57 =	vld [tilespmem:s24+$0xF0];
	v2 =	vadd.f32 v5, v2;
	[tilespmem:s7+$0xFFFFFFE0] =	vst v0  }
0x2ab: {  	v60 =	vld [tilespmem:s11+$0xFFFFFFF0]  }
0x2ac: {  	v61 =	vld [tilespmem:s24+$0xFFFFFFF0];
	[tilespmem:s7+$0xFFFFFF60] =	vst v2;
	v58 =	vadd.f32 v55, v1  }
0x2ad: {  	v2 =	vld [tilespmem:s11+$0xFFFFFF70]  }
0x2ae: {  	v59 =	vld [tilespmem:s24+$0xFFFFFF70];
	[tilespmem:s8+$0x60] =	vst v58  }
0x2af: {  	v62 =	vld [tilespmem:s11+$0x70]  }
0x2b0: {  	v7 =	vld [tilespmem:s24+$0x70];
	_ =	sdelay $0x1  }
0x2b1: {  	v3 =	vadd.f32 v57, v56  }
0x2b2: {  	s30 =	smul.u32 $0x50, s23;
	v0 =	vadd.f32 v61, v60  }
0x2b3: {  	[tilespmem:s8+$0xF0] =	vst v3;
	v1 =	vadd.f32 v59, v2  }
0x2b4: {  	s7 =	sadd.s32 s6, s30;
	[tilespmem:s8+$0xFFFFFFF0] =	vst v0;
	v63 =	vadd.f32 v7, v62  }
0x2b5: {  	s7 =	sshll.u32 s7, $0x4;
	[tilespmem:s8+$0xFFFFFF70] =	vst v1  }
0x2b6: {  	s7 =	sadd.s32 s2, s7;
	[tilespmem:s8+$0x70] =	vst v63  }
0x2b7: {  	[hbm4b:s7+s3] =	stream.linear.scatter [tilespmem:s19], [sflag:$0x8], $0x2800, $0x38;
	[tilespmem:$0x1F000] =	vst v63  }
.Ltmp12:
0x2b8: {  	p0 =	sgt.u32 s21, $0x4;
	(pc) =	sbr.rel .LBB2_17-.Ltmp12, $4  }
0x2b9: {  	s9 =	simm.s32 @!p0 $0x17800;
	s8 =	simm.s32 @!p0 $0x50;
	s7 =	sadd.s32 @!p0 $0x230, s22  }
0x2ba: {  	[tilespmem:s9], [sflag:$0x7] =	stream.indirect.gather @!p0 [hbm4b:s4+s8], $0x80, s7, s8, $0xb8;
	[tilespmem:$0x1F000] =	vst v63  }
0x2bb: {  	s7 =	sadd.s32 @!p0 $0xA30, s22;
	s9 =	simm.s32 @!p0 $0x1A000  }
0x2bc: {  	[tilespmem:s9], [sflag:$0x7] =	stream.indirect.gather @!p0 [hbm4b:s5+s8], $0x80, s7, s8, $0xb8;
	[tilespmem:$0x1F000] =	vst v63  }
.LBB2_19:
0x2bd: {  	_ =	sfence.sel $0x180000  }
0x2be: {  	[bflag:$0x0] =	sbarrier.arrive $0xFFFF  }
0x2bf: {  	_ =	strace $0x90000047  }
0x2c0: {  	s0 =	stileid.u32;
	[bflag:$0x2] =	sbarrier.arrive $0xFFFF  }
0x2c1: {  	p0 =	sne.s32 s0, $0x0;
	s0 =	rddreg [dreg:$0x2]  }
0x2c2: {  	s0 =	sadd.s32 @!p0 $0x100000, s0  }
0x2c3: {  	[sflag:s0] =	ssyncadd.tile.s32 @!p0 $0x1;
	_ =	shalt  }
.Lfunc_end2:
_tile_overlayer_lowered:
.L_overlay_start_2:
0x2c4: {  	(tag) =	ssettag $0x2  }
0x2c5: {  	s0 =	rddreg [dreg:$0x0];
	s2 =	stileid.u32  }
0x2c6: {  	s1 =	rddreg [dreg:$0x1];
	p0 =	sne.s32 s2, $0x0  }
0x2c7: {  	s3 =	rddreg [dreg:$0x2];
	[bflag:$0x3] =	sbarrier.arrive $0xFFFF;
	s2 =	simm.s32 @!p0 $0x1C09  }
0x2c8: {  	[timem:s3], [sflag:s2] =	dma.local @!p0 [hbm:s0], s1  }
0x2c9: {  	s0 =	simm.s32 @!p0 $0x9  }
0x2ca: {  	_ =	swait.ge @!p0 [sflag:s0], s1  }
0x2cb: {  	s1 =	ssub.s32 @!p0 $0x0, s1;
	[sflag:s0] =	ssyncset.done @!p0 $0x0  }
0x2cc: {  	[sflag:s0] =	ssyncadd.s32 @!p0 s1  }
0x2cd: {  	[bflag:$0x3] =	sbarrier.arrive $0xFFFF  }
0x2ce: {  	_ =	shalt  }

</sc_bundles>
